<compile_context>
chip_gen: v7x
topology: tpu7x:2x2x1
jax: 0.10.2.dev20260603
libtpu: 0.0.44.dev20260713+nightly
codegen_flags: <defaults>
</compile_context>

<pallas_src>
import functools

import numpy as np
import jax
import jax.numpy as jnp
from jax import lax
from jax.experimental import pallas as pl
from jax.experimental.pallas import tpu as pltpu
from jax.experimental.pallas import tpu_sc as plsc

_SIZES = (4, 4, 4, 4)
_D = 4
_STRIDES = (64, 16, 4, 1)
_NV = 256
_PAD_NEG = 256
_PAD_POS = 257
_PAD_ZERO = 258
_PAD_ONE = 259
_TRASH0 = 260
_VTAB_LEN = 280


def _build_static():
    def enum(base, s, lower):
        res = []

        def rec(i, rem, cur):
            if i == _D:
                if rem == 0:
                    res.append(tuple(cur))
                return
            hi = min(base[i], rem) if lower else min(_SIZES[i] - 1 - base[i], rem)
            for o in range(hi + 1):
                cur.append(base[i] - o if lower else base[i] + o)
                rec(i + 1, rem - o, cur)
                cur.pop()

        rec(0, s, [])
        return res

    def c2i(c):
        return int(sum(ci * st for ci, st in zip(c, _STRIDES)))

    m = sum(s - 1 for s in _SIZES) + 2
    nodes = []

    def build(lo, hi, depth):
        if hi - lo <= 1:
            return
        mid = (lo + hi) // 2
        nodes.append((lo, mid, hi, depth))
        build(lo, mid, depth + 1)
        build(mid, hi, depth + 1)

    build(0, m, 0)
    maxd = max(d for _, _, _, d in nodes)
    by_depth = [[] for _ in range(maxd + 1)]
    for lo, v, hi, depth in nodes:
        level = v - 1
        for coord in enum([0] * _D, level, False):
            li = [c2i(c) for c in enum(list(coord), v - lo, True)]
            ui = [c2i(c) for c in enum(list(coord), hi - v, False)]
            by_depth[depth].append((c2i(coord), li, ui))

    flat = []
    groups = []
    for ents in by_depth:
        ents = sorted(ents, key=lambda e: (len(e[1]), len(e[2])), reverse=True)
        for gs in range(0, len(ents), 16):
            grp = ents[gs:gs + 16]
            npad = 16 - len(grp)
            vidx = [e[0] for e in grp] + [_TRASH0 + i for i in range(npad)]
            kli = max(len(e[1]) for e in grp)
            kui = max(len(e[2]) for e in grp)
            voff = len(flat)
            flat += vidx
            lioff = len(flat)
            for k in range(kli):
                for lane in range(16):
                    if lane >= len(grp):
                        flat.append(_PAD_NEG)
                    else:
                        li = grp[lane][1]
                        if not li:
                            flat.append(_PAD_ZERO)
                        elif k < len(li):
                            flat.append(li[k])
                        else:
                            flat.append(_PAD_NEG)
            uioff = len(flat)
            for k in range(kui):
                for lane in range(16):
                    if lane >= len(grp):
                        flat.append(_PAD_POS)
                    else:
                        ui = grp[lane][2]
                        if not ui:
                            flat.append(_PAD_ONE)
                        elif k < len(ui):
                            flat.append(ui[k])
                        else:
                            flat.append(_PAD_POS)
            groups.append((voff, lioff, kli, uioff, kui))
    while len(flat) % 8:
        flat.append(0)
    return np.asarray(flat, np.int32), groups


_IDXTAB_NP, _GROUPS = _build_static()
_IDXTAB_LEN = int(_IDXTAB_NP.shape[0])

_B = 4096
_NC, _NS = 2, 16
_NW = _NC * _NS
_BPW = _B // _NW
_NCHUNK = _BPW // 16

@functools.lru_cache(maxsize=1)
def _build_sc_kernel():
    mesh = plsc.VectorSubcoreMesh(core_axis_name="c", subcore_axis_name="s")

    @functools.partial(
        pl.kernel,
        mesh=mesh,
        out_type=jax.ShapeDtypeStruct((_B,), jnp.float32),
        compiler_params=pltpu.CompilerParams(needs_layout_passes=False),
        scratch_types=[
            pltpu.VMEM((_IDXTAB_LEN,), jnp.float32),
            pltpu.VMEM((_VTAB_LEN,), jnp.float32),
            pltpu.VMEM((_NV,), jnp.float32),
            pltpu.VMEM((_BPW * _D,), jnp.float32),
            pltpu.VMEM((_BPW,), jnp.float32),
            pltpu.SemaphoreType.DMA,
        ],
    )
    def _hl_sc(a_hbm, out_hbm, it, vt, bt, xs, os, dsem):
        wid = lax.axis_index("s") * _NC + lax.axis_index("c")
        base = wid * _BPW
        c1 = pltpu.async_copy(a_hbm.at[pl.ds(_B * _D + _NV, _IDXTAB_LEN)], it, dsem)
        c2 = pltpu.async_copy(a_hbm.at[pl.ds(_B * _D, _NV)], bt, dsem)
        c3 = pltpu.async_copy(a_hbm.at[pl.ds(base * _D, _BPW * _D)], xs, dsem)
        c1.wait()
        c2.wait()
        c3.wait()

        def _idx(off):
            return it[pl.ds(off, 16)].astype(jnp.int32)

        lanes = lax.iota(jnp.int32, 16)
        sent = jnp.where(lanes == 0, jnp.float32(-1.0),
                         jnp.where(lanes == 1, jnp.float32(2.0),
                                   jnp.where(lanes == 3, jnp.float32(1.0),
                                             jnp.float32(0.0))))
        vt[pl.ds(_NV, 16)] = sent

        def _tree(vals, op):
            while len(vals) > 1:
                nxt = [op(vals[i], vals[i + 1]) for i in range(0, len(vals) - 1, 2)]
                if len(vals) % 2:
                    nxt.append(vals[-1])
                vals = nxt
            return vals[0]

        for (voff, lioff, kli, uioff, kui) in _GROUPS:
            vidx = _idx(voff)
            bv = plsc.load_gather(bt, [jnp.minimum(vidx, _NV - 1)])
            w = 1.0 / (1.0 + jnp.exp(-bv))
            if kli:
                lb = _tree([plsc.load_gather(vt, [_idx(lioff + 16 * k)])
                            for k in range(kli)], jnp.maximum)
            else:
                lb = jnp.zeros((16,), jnp.float32)
            if kui:
                ub = _tree([plsc.load_gather(vt, [_idx(uioff + 16 * k)])
                            for k in range(kui)], jnp.minimum)
            else:
                ub = jnp.ones((16,), jnp.float32)
            plsc.store_scatter(vt, [vidx], lb + w * (ub - lb))

        @pl.loop(0, _NCHUNK)
        def _chunk(c):
            rows = lanes + c * 16
            base_flat = jnp.zeros((16,), jnp.int32)
            w0, w1 = [], []
            for d in range(_D):
                xv = plsc.load_gather(xs, [rows * _D + d])
                sc = jnp.clip(xv, 0.0, 1.0) * jnp.float32(_SIZES[d] - 1)
                ci = jnp.minimum(sc.astype(jnp.int32), _SIZES[d] - 2)
                t = sc - ci.astype(jnp.float32)
                base_flat = base_flat + ci * _STRIDES[d]
                w0.append(1.0 - t)
                w1.append(t)
            a = [[w0[0] * w0[1], w0[0] * w1[1]], [w1[0] * w0[1], w1[0] * w1[1]]]
            bpair = [[w0[2] * w0[3], w0[2] * w1[3]], [w1[2] * w0[3], w1[2] * w1[3]]]
            terms = []
            for msk in range(16):
                i0, i1, i2, i3 = msk & 1, (msk >> 1) & 1, (msk >> 2) & 1, (msk >> 3) & 1
                off = i0 * _STRIDES[0] + i1 * _STRIDES[1] + i2 * _STRIDES[2] + i3 * _STRIDES[3]
                vals = plsc.load_gather(vt, [base_flat + off])
                terms.append((a[i0][i1] * bpair[i2][i3]) * vals)
            os[pl.ds(c * 16, 16)] = _tree(terms, jnp.add)
        pltpu.sync_copy(os, out_hbm.at[pl.ds(base, _BPW)])

    return _hl_sc


def kernel(x, decision_embed, b):
    del decision_embed
    fused = jnp.concatenate([x.reshape(-1), b, jnp.asarray(_IDXTAB_NP, jnp.float32)])
    out = _build_sc_kernel()(fused)
    return out.reshape(-1, 1)

# --- scband reference (transcript-rebuilt; emitter-appended) ---
"""Pipeline reference for scband-hl-35098472743364 (READ-ONLY COPY).

The authoritative reference and input builder live on the scoring server;
editing this copy changes nothing except your own understanding.
"""

import jax, jax.numpy as jnp
import numpy as np

SIZES = [4, 4, 4, 4]
D = len(SIZES)
OUT_LEN = int(np.prod(SIZES))
STRIDES = [int(np.prod(SIZES[i + 1:])) for i in range(D)]


def _build_tree(lo, hi):
    if hi - lo <= 1:
        return None
    mid = (lo + hi) // 2
    return (_build_tree(lo, mid), mid, _build_tree(mid, hi))


def _preorder(node, lo, hi, acc):
    if node is None:
        return
    l, v, r = node
    acc.append((lo, v, hi))
    _preorder(l, lo, v, acc)
    _preorder(r, v, hi, acc)


def _enum(base, s, lower):
    # enumerate coords = base -/+ offsets, offsets >= 0 summing to s, staying in the box
    res = []

    def rec(i, rem, cur):
        if i == D:
            if rem == 0:
                res.append(tuple(cur))
            return
        hi_off = min(base[i], rem) if lower else min(SIZES[i] - 1 - base[i], rem)
        for o in range(hi_off + 1):
            cur.append(base[i] - o if lower else base[i] + o)
            rec(i + 1, rem - o, cur)
            cur.pop()

    rec(0, s, [])
    return res


def _c2i(c):
    return int(sum(ci * st for ci, st in zip(c, STRIDES)))


def _build_map_table():
    max_hd = sum(s - 1 for s in SIZES)
    m = max_hd + 2
    tree = _build_tree(0, m)
    nodes = []
    _preorder(tree, 0, m, nodes)
    table = []
    for lo, v, hi in nodes:
        level = v - 1
        for coord in _enum([0] * D, level, False):
            lower = _enum(list(coord), v - lo, True)
            upper = _enum(list(coord), hi - v, False)
            li = np.array([_c2i(c) for c in lower], dtype=np.int32) if lower else None
            ui = np.array([_c2i(c) for c in upper], dtype=np.int32) if upper else None
            table.append((_c2i(coord), li, ui))
    return table


MAP_TABLE = _build_map_table()


def setup_inputs(seed: int = 0):
    key = jax.random.key(seed)
    kx, kd, kb = jax.random.split(key, 3)
    x = jax.random.uniform(kx, (4096, 4), dtype=jnp.float32)
    decision_embed = jax.random.normal(kd, (4096, 128), dtype=jnp.float32)
    b = jax.random.normal(kb, (OUT_LEN,), dtype=jnp.float32) * float(np.sqrt(2.0 / OUT_LEN))
    return {"x": x, "decision_embed": decision_embed, "b": b}


def reference(x, decision_embed, b):
    # all features monotone (input_len == 0): xn = tiled sigmoid(b)
    B = x.shape[0]
    xn = jnp.broadcast_to(jax.nn.sigmoid(b)[None, :], (B, OUT_LEN))
    out = jnp.zeros((B, OUT_LEN), dtype=x.dtype)
    for idx, li, ui in MAP_TABLE:
        lb = jnp.zeros((B,), x.dtype) if li is None else jnp.max(out[:, li], axis=1)
        ub = jnp.ones((B,), x.dtype) if ui is None else jnp.min(out[:, ui], axis=1)
        w = xn[:, idx]
        out = out.at[:, idx].set(lb + w * (ub - lb))  # torch.lerp(lb, ub, w)
    # multilinear interpolation over the lattice vertex values `out`
    sizes_f = jnp.asarray(SIZES, dtype=x.dtype)
    scaled = jnp.clip(x, 0.0, 1.0) * (sizes_f - 1.0)
    cell = jnp.clip(jnp.floor(scaled), 0.0, sizes_f - 2.0)
    t = scaled - cell
    cell_i = cell.astype(jnp.int32)
    strides = jnp.asarray(STRIDES, dtype=jnp.int32)
    res = jnp.zeros((B,), dtype=x.dtype)
    for mask in range(2 ** D):
        bits = np.array([(mask >> i) & 1 for i in range(D)], dtype=np.int32)
        corner = cell_i + jnp.asarray(bits)
        flat = jnp.sum(corner * strides, axis=1)
        wgt = jnp.prod(jnp.where(jnp.asarray(bits > 0), t, 1.0 - t), axis=1)
        vals = jnp.take_along_axis(out, flat[:, None], axis=1)[:, 0]
        res = res + wgt * vals
    return res.reshape(-1, 1)

if __name__ == "__main__":
    import jax
    _d = setup_inputs()
    print(jax.jit(kernel)(*tuple(_d.values())))

</pallas_src>

<mosaic_0001>
#map = affine_map<(d0, d1) -> (0)>
module attributes {stable_mosaic.version = 14 : i64} {
  func.func @_hl_sc(%arg0: i32, %arg1: i32, %arg2: memref<19584xf32, #tpu.memory_space<hbm>>, %arg3: memref<4096xf32, #tpu.memory_space<hbm>>, %arg4: memref<2944xf32, #tpu.memory_space<vmem>>, %arg5: memref<280xf32, #tpu.memory_space<vmem>>, %arg6: memref<256xf32, #tpu.memory_space<vmem>>, %arg7: memref<512xf32, #tpu.memory_space<vmem>>, %arg8: memref<128xf32, #tpu.memory_space<vmem>>, %arg9: memref<!tpu.dma_semaphore, #tpu.memory_space<semaphore_mem>>) attributes {dimension_semantics = [#tpu.dimension_semantics<core_parallel>, #tpu.dimension_semantics<subcore_parallel>], iteration_bounds = array<i64: 2, 16>, scalar_prefetch = 0 : i64, scratch_operands = 6 : i64, tpu.core_type = #tpu.core_type<sc_vector_subcore>, window_params = [{transform_indices = #map}, {transform_indices = #map}]} {
    %mul3A = arith.constant 2 : i32
    %mul3A_0 = arith.muli %arg1, %mul3A : i32
    %add3A = arith.addi %mul3A_0, %arg0 : i32
    %mul3A_1 = arith.constant 128 : i32
    %mul3A_2 = arith.muli %add3A, %mul3A_1 : i32
    %dma_start3A = arith.constant 16640 : i32
    %dma_start3A_3 = tpu.memref_slice %arg2[%dma_start3A] : memref<19584xf32, #tpu.memory_space<hbm>> -> memref<2944xf32, #tpu.memory_space<hbm>>
    %dma_start3A_4 = arith.constant 16640 : i32
    %dma_start3A_5 = tpu.memref_slice %arg2[%dma_start3A_4] : memref<19584xf32, #tpu.memory_space<hbm>> -> memref<2944xf32, #tpu.memory_space<hbm>>
    tpu.enqueue_dma source(%dma_start3A_5 : memref<2944xf32, #tpu.memory_space<hbm>>) target(%arg4 : memref<2944xf32, #tpu.memory_space<vmem>>) target_semaphore(%arg9 : memref<!tpu.dma_semaphore, #tpu.memory_space<semaphore_mem>>)
    %dma_start3A_6 = arith.constant 16384 : i32
    %dma_start3A_7 = tpu.memref_slice %arg2[%dma_start3A_6] : memref<19584xf32, #tpu.memory_space<hbm>> -> memref<256xf32, #tpu.memory_space<hbm>>
    %dma_start3A_8 = arith.constant 16384 : i32
    %dma_start3A_9 = tpu.memref_slice %arg2[%dma_start3A_8] : memref<19584xf32, #tpu.memory_space<hbm>> -> memref<256xf32, #tpu.memory_space<hbm>>
    tpu.enqueue_dma source(%dma_start3A_9 : memref<256xf32, #tpu.memory_space<hbm>>) target(%arg6 : memref<256xf32, #tpu.memory_space<vmem>>) target_semaphore(%arg9 : memref<!tpu.dma_semaphore, #tpu.memory_space<semaphore_mem>>)
    %mul3A_10 = arith.constant 4 : i32
    %mul3A_11 = arith.muli %mul3A_2, %mul3A_10 : i32
    %dma_start3A_12 = tpu.memref_slice %arg2[%mul3A_11] : memref<19584xf32, #tpu.memory_space<hbm>> -> memref<512xf32, #tpu.memory_space<hbm>>
    %dma_start3A_13 = tpu.memref_slice %arg2[%mul3A_11] : memref<19584xf32, #tpu.memory_space<hbm>> -> memref<512xf32, #tpu.memory_space<hbm>>
    tpu.enqueue_dma source(%dma_start3A_13 : memref<512xf32, #tpu.memory_space<hbm>>) target(%arg7 : memref<512xf32, #tpu.memory_space<vmem>>) target_semaphore(%arg9 : memref<!tpu.dma_semaphore, #tpu.memory_space<semaphore_mem>>)
    %dma_wait3A = arith.constant 16640 : i32
    %dma_wait3A_14 = tpu.memref_slice %arg2[%dma_wait3A] : memref<19584xf32, #tpu.memory_space<hbm>> -> memref<2944xf32, #tpu.memory_space<hbm>>
    %dma_wait3A_15 = arith.constant 16640 : i32
    %dma_wait3A_16 = tpu.memref_slice %arg2[%dma_wait3A_15] : memref<19584xf32, #tpu.memory_space<hbm>> -> memref<2944xf32, #tpu.memory_space<hbm>>
    tpu.wait_dma2 semaphore(%arg9 : memref<!tpu.dma_semaphore, #tpu.memory_space<semaphore_mem>>) src(%dma_wait3A_16 : memref<2944xf32, #tpu.memory_space<hbm>>) dst(%arg4 : memref<2944xf32, #tpu.memory_space<vmem>>)
    %dma_wait3A_17 = arith.constant 16384 : i32
    %dma_wait3A_18 = tpu.memref_slice %arg2[%dma_wait3A_17] : memref<19584xf32, #tpu.memory_space<hbm>> -> memref<256xf32, #tpu.memory_space<hbm>>
    %dma_wait3A_19 = arith.constant 16384 : i32
    %dma_wait3A_20 = tpu.memref_slice %arg2[%dma_wait3A_19] : memref<19584xf32, #tpu.memory_space<hbm>> -> memref<256xf32, #tpu.memory_space<hbm>>
    tpu.wait_dma2 semaphore(%arg9 : memref<!tpu.dma_semaphore, #tpu.memory_space<semaphore_mem>>) src(%dma_wait3A_20 : memref<256xf32, #tpu.memory_space<hbm>>) dst(%arg6 : memref<256xf32, #tpu.memory_space<vmem>>)
    %dma_wait3A_21 = tpu.memref_slice %arg2[%mul3A_11] : memref<19584xf32, #tpu.memory_space<hbm>> -> memref<512xf32, #tpu.memory_space<hbm>>
    %dma_wait3A_22 = tpu.memref_slice %arg2[%mul3A_11] : memref<19584xf32, #tpu.memory_space<hbm>> -> memref<512xf32, #tpu.memory_space<hbm>>
    tpu.wait_dma2 semaphore(%arg9 : memref<!tpu.dma_semaphore, #tpu.memory_space<semaphore_mem>>) src(%dma_wait3A_22 : memref<512xf32, #tpu.memory_space<hbm>>) dst(%arg7 : memref<512xf32, #tpu.memory_space<vmem>>)
    %iota3A = tpu.iota {dimensions = array<i32: 0>} : vector<16xi32>
    %eq3A = arith.constant 0 : i32
    %eq3A_23 = vector.broadcast %eq3A : i32 to vector<16xi32>
    %eq3A_24 = arith.cmpi eq, %iota3A, %eq3A_23 : vector<16xi32>
    %eq3A_25 = arith.constant 1 : i32
    %eq3A_26 = vector.broadcast %eq3A_25 : i32 to vector<16xi32>
    %eq3A_27 = arith.cmpi eq, %iota3A, %eq3A_26 : vector<16xi32>
    %eq3A_28 = arith.constant 3 : i32
    %eq3A_29 = vector.broadcast %eq3A_28 : i32 to vector<16xi32>
    %eq3A_30 = arith.cmpi eq, %iota3A, %eq3A_29 : vector<16xi32>
    %jit3A = arith.constant 1.000000e+00 : f32
    %jit3A_31 = arith.constant 0.000000e+00 : f32
    %broadcast_in_dim3A = vector.broadcast %jit3A : f32 to vector<16xf32>
    %broadcast_in_dim3A_32 = vector.broadcast %jit3A_31 : f32 to vector<16xf32>
    %select_n3A = arith.select %eq3A_30, %broadcast_in_dim3A, %broadcast_in_dim3A_32 : vector<16xi1>, vector<16xf32>
    %jit3A_33 = arith.constant 2.000000e+00 : f32
    %broadcast_in_dim3A_34 = vector.broadcast %jit3A_33 : f32 to vector<16xf32>
    %select_n3A_35 = arith.select %eq3A_27, %broadcast_in_dim3A_34, %select_n3A : vector<16xi1>, vector<16xf32>
    %jit3A_36 = arith.constant -1.000000e+00 : f32
    %broadcast_in_dim3A_37 = vector.broadcast %jit3A_36 : f32 to vector<16xf32>
    %select_n3A_38 = arith.select %eq3A_24, %broadcast_in_dim3A_37, %select_n3A_35 : vector<16xi1>, vector<16xf32>
    %swap3A = arith.constant 256 : index
    %swap3A_39 = tpu.vector_load %arg5[%swap3A] {strides = array<i32>} : memref<280xf32, #tpu.memory_space<vmem>>, vector<16xf32>,
    tpu.vector_store %arg5[%swap3A], %select_n3A_38 {strides = array<i32>} : memref<280xf32, #tpu.memory_space<vmem>>, vector<16xf32>,
    %get3A = arith.constant 0 : index
    %get3A_40 = tpu.vector_load %arg4[%get3A] {strides = array<i32>} : memref<2944xf32, #tpu.memory_space<vmem>>, vector<16xf32>,
    %convert_element_type3A = arith.fptosi %get3A_40 : vector<16xf32> to vector<16xi32>
    %min3A = arith.constant 255 : i32
    %min3A_41 = vector.broadcast %min3A : i32 to vector<16xi32>
    %min3A_42 = arith.minsi %convert_element_type3A, %min3A_41 : vector<16xi32>
    %gather3A = tpu.vector_load_idx %arg6[%min3A_42] : memref<256xf32, #tpu.memory_space<vmem>>[vector<16xi32>], vector<16xf32>,
    %neg3A = arith.constant 0.000000e+00 : f32
    %neg3A_43 = vector.broadcast %neg3A : f32 to vector<16xf32>
    %neg3A_44 = arith.subf %neg3A_43, %gather3A : vector<16xf32>
    %exp3A = math.exp %neg3A_44 : vector<16xf32>
    %add3A_45 = arith.constant 1.000000e+00 : f32
    %add3A_46 = vector.broadcast %add3A_45 : f32 to vector<16xf32>
    %add3A_47 = arith.addf %add3A_46, %exp3A : vector<16xf32>
    %div3A = arith.constant 1.000000e+00 : f32
    %div3A_48 = vector.broadcast %div3A : f32 to vector<16xf32>
    %div3A_49 = arith.divf %div3A_48, %add3A_47 : vector<16xf32>
    %broadcast_in_dim3A_50 = arith.constant 0.000000e+00 : f32
    %broadcast_in_dim3A_51 = vector.broadcast %broadcast_in_dim3A_50 : f32 to vector<16xf32>
    %broadcast_in_dim3A_52 = arith.constant 1.000000e+00 : f32
    %broadcast_in_dim3A_53 = vector.broadcast %broadcast_in_dim3A_52 : f32 to vector<16xf32>
    %sub3A = arith.subf %broadcast_in_dim3A_53, %broadcast_in_dim3A_51 : vector<16xf32>
    %mul3A_54 = arith.mulf %div3A_49, %sub3A : vector<16xf32>
    %add3A_55 = arith.addf %broadcast_in_dim3A_51, %mul3A_54 : vector<16xf32>
    tpu.vector_store_idx %arg5[%convert_element_type3A], %add3A_55 : memref<280xf32, #tpu.memory_space<vmem>>[vector<16xi32>], vector<16xf32>,
    %get3A_56 = arith.constant 16 : index
    %get3A_57 = tpu.vector_load %arg4[%get3A_56] {strides = array<i32>} : memref<2944xf32, #tpu.memory_space<vmem>>, vector<16xf32>,
    %convert_element_type3A_58 = arith.fptosi %get3A_57 : vector<16xf32> to vector<16xi32>
    %min3A_59 = arith.constant 255 : i32
    %min3A_60 = vector.broadcast %min3A_59 : i32 to vector<16xi32>
    %min3A_61 = arith.minsi %convert_element_type3A_58, %min3A_60 : vector<16xi32>
    %gather3A_62 = tpu.vector_load_idx %arg6[%min3A_61] : memref<256xf32, #tpu.memory_space<vmem>>[vector<16xi32>], vector<16xf32>,
    %neg3A_63 = arith.constant 0.000000e+00 : f32
    %neg3A_64 = vector.broadcast %neg3A_63 : f32 to vector<16xf32>
    %neg3A_65 = arith.subf %neg3A_64, %gather3A_62 : vector<16xf32>
    %exp3A_66 = math.exp %neg3A_65 : vector<16xf32>
    %add3A_67 = arith.constant 1.000000e+00 : f32
    %add3A_68 = vector.broadcast %add3A_67 : f32 to vector<16xf32>
    %add3A_69 = arith.addf %add3A_68, %exp3A_66 : vector<16xf32>
    %div3A_70 = arith.constant 1.000000e+00 : f32
    %div3A_71 = vector.broadcast %div3A_70 : f32 to vector<16xf32>
    %div3A_72 = arith.divf %div3A_71, %add3A_69 : vector<16xf32>
    %broadcast_in_dim3A_73 = arith.constant 0.000000e+00 : f32
    %broadcast_in_dim3A_74 = vector.broadcast %broadcast_in_dim3A_73 : f32 to vector<16xf32>
    %broadcast_in_dim3A_75 = arith.constant 1.000000e+00 : f32
    %broadcast_in_dim3A_76 = vector.broadcast %broadcast_in_dim3A_75 : f32 to vector<16xf32>
    %sub3A_77 = arith.subf %broadcast_in_dim3A_76, %broadcast_in_dim3A_74 : vector<16xf32>
    %mul3A_78 = arith.mulf %div3A_72, %sub3A_77 : vector<16xf32>
    %add3A_79 = arith.addf %broadcast_in_dim3A_74, %mul3A_78 : vector<16xf32>
    tpu.vector_store_idx %arg5[%convert_element_type3A_58], %add3A_79 : memref<280xf32, #tpu.memory_space<vmem>>[vector<16xi32>], vector<16xf32>,
    %get3A_80 = arith.constant 32 : index
    %get3A_81 = tpu.vector_load %arg4[%get3A_80] {strides = array<i32>} : memref<2944xf32, #tpu.memory_space<vmem>>, vector<16xf32>,
    %convert_element_type3A_82 = arith.fptosi %get3A_81 : vector<16xf32> to vector<16xi32>
    %min3A_83 = arith.constant 255 : i32
    %min3A_84 = vector.broadcast %min3A_83 : i32 to vector<16xi32>
    %min3A_85 = arith.minsi %convert_element_type3A_82, %min3A_84 : vector<16xi32>
    %gather3A_86 = tpu.vector_load_idx %arg6[%min3A_85] : memref<256xf32, #tpu.memory_space<vmem>>[vector<16xi32>], vector<16xf32>,
    %neg3A_87 = arith.constant 0.000000e+00 : f32
    %neg3A_88 = vector.broadcast %neg3A_87 : f32 to vector<16xf32>
    %neg3A_89 = arith.subf %neg3A_88, %gather3A_86 : vector<16xf32>
    %exp3A_90 = math.exp %neg3A_89 : vector<16xf32>
    %add3A_91 = arith.constant 1.000000e+00 : f32
    %add3A_92 = vector.broadcast %add3A_91 : f32 to vector<16xf32>
    %add3A_93 = arith.addf %add3A_92, %exp3A_90 : vector<16xf32>
    %div3A_94 = arith.constant 1.000000e+00 : f32
    %div3A_95 = vector.broadcast %div3A_94 : f32 to vector<16xf32>
    %div3A_96 = arith.divf %div3A_95, %add3A_93 : vector<16xf32>
    %broadcast_in_dim3A_97 = arith.constant 0.000000e+00 : f32
    %broadcast_in_dim3A_98 = vector.broadcast %broadcast_in_dim3A_97 : f32 to vector<16xf32>
    %broadcast_in_dim3A_99 = arith.constant 1.000000e+00 : f32
    %broadcast_in_dim3A_100 = vector.broadcast %broadcast_in_dim3A_99 : f32 to vector<16xf32>
    %sub3A_101 = arith.subf %broadcast_in_dim3A_100, %broadcast_in_dim3A_98 : vector<16xf32>
    %mul3A_102 = arith.mulf %div3A_96, %sub3A_101 : vector<16xf32>
    %add3A_103 = arith.addf %broadcast_in_dim3A_98, %mul3A_102 : vector<16xf32>
    tpu.vector_store_idx %arg5[%convert_element_type3A_82], %add3A_103 : memref<280xf32, #tpu.memory_space<vmem>>[vector<16xi32>], vector<16xf32>,
    %get3A_104 = arith.constant 48 : index
    %get3A_105 = tpu.vector_load %arg4[%get3A_104] {strides = array<i32>} : memref<2944xf32, #tpu.memory_space<vmem>>, vector<16xf32>,
    %convert_element_type3A_106 = arith.fptosi %get3A_105 : vector<16xf32> to vector<16xi32>
    %min3A_107 = arith.constant 255 : i32
    %min3A_108 = vector.broadcast %min3A_107 : i32 to vector<16xi32>
    %min3A_109 = arith.minsi %convert_element_type3A_106, %min3A_108 : vector<16xi32>
    %gather3A_110 = tpu.vector_load_idx %arg6[%min3A_109] : memref<256xf32, #tpu.memory_space<vmem>>[vector<16xi32>], vector<16xf32>,
    %neg3A_111 = arith.constant 0.000000e+00 : f32
    %neg3A_112 = vector.broadcast %neg3A_111 : f32 to vector<16xf32>
    %neg3A_113 = arith.subf %neg3A_112, %gather3A_110 : vector<16xf32>
    %exp3A_114 = math.exp %neg3A_113 : vector<16xf32>
    %add3A_115 = arith.constant 1.000000e+00 : f32
    %add3A_116 = vector.broadcast %add3A_115 : f32 to vector<16xf32>
    %add3A_117 = arith.addf %add3A_116, %exp3A_114 : vector<16xf32>
    %div3A_118 = arith.constant 1.000000e+00 : f32
    %div3A_119 = vector.broadcast %div3A_118 : f32 to vector<16xf32>
    %div3A_120 = arith.divf %div3A_119, %add3A_117 : vector<16xf32>
    %get3A_121 = arith.constant 64 : index
    %get3A_122 = tpu.vector_load %arg4[%get3A_121] {strides = array<i32>} : memref<2944xf32, #tpu.memory_space<vmem>>, vector<16xf32>,
    %convert_element_type3A_123 = arith.fptosi %get3A_122 : vector<16xf32> to vector<16xi32>
    %gather3A_124 = tpu.vector_load_idx %arg5[%convert_element_type3A_123] : memref<280xf32, #tpu.memory_space<vmem>>[vector<16xi32>], vector<16xf32>,
    %get3A_125 = arith.constant 80 : index
    %get3A_126 = tpu.vector_load %arg4[%get3A_125] {strides = array<i32>} : memref<2944xf32, #tpu.memory_space<vmem>>, vector<16xf32>,
    %convert_element_type3A_127 = arith.fptosi %get3A_126 : vector<16xf32> to vector<16xi32>
    %gather3A_128 = tpu.vector_load_idx %arg5[%convert_element_type3A_127] : memref<280xf32, #tpu.memory_space<vmem>>[vector<16xi32>], vector<16xf32>,
    %get3A_129 = arith.constant 96 : index
    %get3A_130 = tpu.vector_load %arg4[%get3A_129] {strides = array<i32>} : memref<2944xf32, #tpu.memory_space<vmem>>, vector<16xf32>,
    %convert_element_type3A_131 = arith.fptosi %get3A_130 : vector<16xf32> to vector<16xi32>
    %gather3A_132 = tpu.vector_load_idx %arg5[%convert_element_type3A_131] : memref<280xf32, #tpu.memory_space<vmem>>[vector<16xi32>], vector<16xf32>,
    %get3A_133 = arith.constant 112 : index
    %get3A_134 = tpu.vector_load %arg4[%get3A_133] {strides = array<i32>} : memref<2944xf32, #tpu.memory_space<vmem>>, vector<16xf32>,
    %convert_element_type3A_135 = arith.fptosi %get3A_134 : vector<16xf32> to vector<16xi32>
    %gather3A_136 = tpu.vector_load_idx %arg5[%convert_element_type3A_135] : memref<280xf32, #tpu.memory_space<vmem>>[vector<16xi32>], vector<16xf32>,
    %get3A_137 = arith.constant 128 : index
    %get3A_138 = tpu.vector_load %arg4[%get3A_137] {strides = array<i32>} : memref<2944xf32, #tpu.memory_space<vmem>>, vector<16xf32>,
    %convert_element_type3A_139 = arith.fptosi %get3A_138 : vector<16xf32> to vector<16xi32>
    %gather3A_140 = tpu.vector_load_idx %arg5[%convert_element_type3A_139] : memref<280xf32, #tpu.memory_space<vmem>>[vector<16xi32>], vector<16xf32>,
    %get3A_141 = arith.constant 144 : index
    %get3A_142 = tpu.vector_load %arg4[%get3A_141] {strides = array<i32>} : memref<2944xf32, #tpu.memory_space<vmem>>, vector<16xf32>,
    %convert_element_type3A_143 = arith.fptosi %get3A_142 : vector<16xf32> to vector<16xi32>
    %gather3A_144 = tpu.vector_load_idx %arg5[%convert_element_type3A_143] : memref<280xf32, #tpu.memory_space<vmem>>[vector<16xi32>], vector<16xf32>,
    %get3A_145 = arith.constant 160 : index
    %get3A_146 = tpu.vector_load %arg4[%get3A_145] {strides = array<i32>} : memref<2944xf32, #tpu.memory_space<vmem>>, vector<16xf32>,
    %convert_element_type3A_147 = arith.fptosi %get3A_146 : vector<16xf32> to vector<16xi32>
    %gather3A_148 = tpu.vector_load_idx %arg5[%convert_element_type3A_147] : memref<280xf32, #tpu.memory_space<vmem>>[vector<16xi32>], vector<16xf32>,
    %get3A_149 = arith.constant 176 : index
    %get3A_150 = tpu.vector_load %arg4[%get3A_149] {strides = array<i32>} : memref<2944xf32, #tpu.memory_space<vmem>>, vector<16xf32>,
    %convert_element_type3A_151 = arith.fptosi %get3A_150 : vector<16xf32> to vector<16xi32>
    %gather3A_152 = tpu.vector_load_idx %arg5[%convert_element_type3A_151] : memref<280xf32, #tpu.memory_space<vmem>>[vector<16xi32>], vector<16xf32>,
    %get3A_153 = arith.constant 192 : index
    %get3A_154 = tpu.vector_load %arg4[%get3A_153] {strides = array<i32>} : memref<2944xf32, #tpu.memory_space<vmem>>, vector<16xf32>,
    %convert_element_type3A_155 = arith.fptosi %get3A_154 : vector<16xf32> to vector<16xi32>
    %gather3A_156 = tpu.vector_load_idx %arg5[%convert_element_type3A_155] : memref<280xf32, #tpu.memory_space<vmem>>[vector<16xi32>], vector<16xf32>,
    %get3A_157 = arith.constant 208 : index
    %get3A_158 = tpu.vector_load %arg4[%get3A_157] {strides = array<i32>} : memref<2944xf32, #tpu.memory_space<vmem>>, vector<16xf32>,
    %convert_element_type3A_159 = arith.fptosi %get3A_158 : vector<16xf32> to vector<16xi32>
    %gather3A_160 = tpu.vector_load_idx %arg5[%convert_element_type3A_159] : memref<280xf32, #tpu.memory_space<vmem>>[vector<16xi32>], vector<16xf32>,
    %get3A_161 = arith.constant 224 : index
    %get3A_162 = tpu.vector_load %arg4[%get3A_161] {strides = array<i32>} : memref<2944xf32, #tpu.memory_space<vmem>>, vector<16xf32>,
    %convert_element_type3A_163 = arith.fptosi %get3A_162 : vector<16xf32> to vector<16xi32>
    %gather3A_164 = tpu.vector_load_idx %arg5[%convert_element_type3A_163] : memref<280xf32, #tpu.memory_space<vmem>>[vector<16xi32>], vector<16xf32>,
    %get3A_165 = arith.constant 240 : index
    %get3A_166 = tpu.vector_load %arg4[%get3A_165] {strides = array<i32>} : memref<2944xf32, #tpu.memory_space<vmem>>, vector<16xf32>,
    %convert_element_type3A_167 = arith.fptosi %get3A_166 : vector<16xf32> to vector<16xi32>
    %gather3A_168 = tpu.vector_load_idx %arg5[%convert_element_type3A_167] : memref<280xf32, #tpu.memory_space<vmem>>[vector<16xi32>], vector<16xf32>,
    %get3A_169 = arith.constant 256 : index
    %get3A_170 = tpu.vector_load %arg4[%get3A_169] {strides = array<i32>} : memref<2944xf32, #tpu.memory_space<vmem>>, vector<16xf32>,
    %convert_element_type3A_171 = arith.fptosi %get3A_170 : vector<16xf32> to vector<16xi32>
    %gather3A_172 = tpu.vector_load_idx %arg5[%convert_element_type3A_171] : memref<280xf32, #tpu.memory_space<vmem>>[vector<16xi32>], vector<16xf32>,
    %get3A_173 = arith.constant 272 : index
    %get3A_174 = tpu.vector_load %arg4[%get3A_173] {strides = array<i32>} : memref<2944xf32, #tpu.memory_space<vmem>>, vector<16xf32>,
    %convert_element_type3A_175 = arith.fptosi %get3A_174 : vector<16xf32> to vector<16xi32>
    %gather3A_176 = tpu.vector_load_idx %arg5[%convert_element_type3A_175] : memref<280xf32, #tpu.memory_space<vmem>>[vector<16xi32>], vector<16xf32>,
    %get3A_177 = arith.constant 288 : index
    %get3A_178 = tpu.vector_load %arg4[%get3A_177] {strides = array<i32>} : memref<2944xf32, #tpu.memory_space<vmem>>, vector<16xf32>,
    %convert_element_type3A_179 = arith.fptosi %get3A_178 : vector<16xf32> to vector<16xi32>
    %gather3A_180 = tpu.vector_load_idx %arg5[%convert_element_type3A_179] : memref<280xf32, #tpu.memory_space<vmem>>[vector<16xi32>], vector<16xf32>,
    %get3A_181 = arith.constant 304 : index
    %get3A_182 = tpu.vector_load %arg4[%get3A_181] {strides = array<i32>} : memref<2944xf32, #tpu.memory_space<vmem>>, vector<16xf32>,
    %convert_element_type3A_183 = arith.fptosi %get3A_182 : vector<16xf32> to vector<16xi32>
    %gather3A_184 = tpu.vector_load_idx %arg5[%convert_element_type3A_183] : memref<280xf32, #tpu.memory_space<vmem>>[vector<16xi32>], vector<16xf32>,
    %get3A_185 = arith.constant 320 : index
    %get3A_186 = tpu.vector_load %arg4[%get3A_185] {strides = array<i32>} : memref<2944xf32, #tpu.memory_space<vmem>>, vector<16xf32>,
    %convert_element_type3A_187 = arith.fptosi %get3A_186 : vector<16xf32> to vector<16xi32>
    %gather3A_188 = tpu.vector_load_idx %arg5[%convert_element_type3A_187] : memref<280xf32, #tpu.memory_space<vmem>>[vector<16xi32>], vector<16xf32>,
    %max3A = arith.maximumf %gather3A_124, %gather3A_128 : vector<16xf32>
    %max3A_189 = arith.maximumf %gather3A_132, %gather3A_136 : vector<16xf32>
    %max3A_190 = arith.maximumf %gather3A_140, %gather3A_144 : vector<16xf32>
    %max3A_191 = arith.maximumf %gather3A_148, %gather3A_152 : vector<16xf32>
    %max3A_192 = arith.maximumf %gather3A_156, %gather3A_160 : vector<16xf32>
    %max3A_193 = arith.maximumf %gather3A_164, %gather3A_168 : vector<16xf32>
    %max3A_194 = arith.maximumf %gather3A_172, %gather3A_176 : vector<16xf32>
    %max3A_195 = arith.maximumf %gather3A_180, %gather3A_184 : vector<16xf32>
    %max3A_196 = arith.maximumf %max3A, %max3A_189 : vector<16xf32>
    %max3A_197 = arith.maximumf %max3A_190, %max3A_191 : vector<16xf32>
    %max3A_198 = arith.maximumf %max3A_192, %max3A_193 : vector<16xf32>
    %max3A_199 = arith.maximumf %max3A_194, %max3A_195 : vector<16xf32>
    %max3A_200 = arith.maximumf %max3A_196, %max3A_197 : vector<16xf32>
    %max3A_201 = arith.maximumf %max3A_198, %max3A_199 : vector<16xf32>
    %max3A_202 = arith.maximumf %max3A_200, %max3A_201 : vector<16xf32>
    %max3A_203 = arith.maximumf %max3A_202, %gather3A_188 : vector<16xf32>
    %broadcast_in_dim3A_204 = arith.constant 1.000000e+00 : f32
    %broadcast_in_dim3A_205 = vector.broadcast %broadcast_in_dim3A_204 : f32 to vector<16xf32>
    %sub3A_206 = arith.subf %broadcast_in_dim3A_205, %max3A_203 : vector<16xf32>
    %mul3A_207 = arith.mulf %div3A_120, %sub3A_206 : vector<16xf32>
    %add3A_208 = arith.addf %max3A_203, %mul3A_207 : vector<16xf32>
    tpu.vector_store_idx %arg5[%convert_element_type3A_106], %add3A_208 : memref<280xf32, #tpu.memory_space<vmem>>[vector<16xi32>], vector<16xf32>,
    %get3A_209 = arith.constant 336 : index
    %get3A_210 = tpu.vector_load %arg4[%get3A_209] {strides = array<i32>} : memref<2944xf32, #tpu.memory_space<vmem>>, vector<16xf32>,
    %convert_element_type3A_211 = arith.fptosi %get3A_210 : vector<16xf32> to vector<16xi32>
    %min3A_212 = arith.constant 255 : i32
    %min3A_213 = vector.broadcast %min3A_212 : i32 to vector<16xi32>
    %min3A_214 = arith.minsi %convert_element_type3A_211, %min3A_213 : vector<16xi32>
    %gather3A_215 = tpu.vector_load_idx %arg6[%min3A_214] : memref<256xf32, #tpu.memory_space<vmem>>[vector<16xi32>], vector<16xf32>,
    %neg3A_216 = arith.constant 0.000000e+00 : f32
    %neg3A_217 = vector.broadcast %neg3A_216 : f32 to vector<16xf32>
    %neg3A_218 = arith.subf %neg3A_217, %gather3A_215 : vector<16xf32>
    %exp3A_219 = math.exp %neg3A_218 : vector<16xf32>
    %add3A_220 = arith.constant 1.000000e+00 : f32
    %add3A_221 = vector.broadcast %add3A_220 : f32 to vector<16xf32>
    %add3A_222 = arith.addf %add3A_221, %exp3A_219 : vector<16xf32>
    %div3A_223 = arith.constant 1.000000e+00 : f32
    %div3A_224 = vector.broadcast %div3A_223 : f32 to vector<16xf32>
    %div3A_225 = arith.divf %div3A_224, %add3A_222 : vector<16xf32>
    %get3A_226 = arith.constant 352 : index
    %get3A_227 = tpu.vector_load %arg4[%get3A_226] {strides = array<i32>} : memref<2944xf32, #tpu.memory_space<vmem>>, vector<16xf32>,
    %convert_element_type3A_228 = arith.fptosi %get3A_227 : vector<16xf32> to vector<16xi32>
    %gather3A_229 = tpu.vector_load_idx %arg5[%convert_element_type3A_228] : memref<280xf32, #tpu.memory_space<vmem>>[vector<16xi32>], vector<16xf32>,
    %get3A_230 = arith.constant 368 : index
    %get3A_231 = tpu.vector_load %arg4[%get3A_230] {strides = array<i32>} : memref<2944xf32, #tpu.memory_space<vmem>>, vector<16xf32>,
    %convert_element_type3A_232 = arith.fptosi %get3A_231 : vector<16xf32> to vector<16xi32>
    %gather3A_233 = tpu.vector_load_idx %arg5[%convert_element_type3A_232] : memref<280xf32, #tpu.memory_space<vmem>>[vector<16xi32>], vector<16xf32>,
    %get3A_234 = arith.constant 384 : index
    %get3A_235 = tpu.vector_load %arg4[%get3A_234] {strides = array<i32>} : memref<2944xf32, #tpu.memory_space<vmem>>, vector<16xf32>,
    %convert_element_type3A_236 = arith.fptosi %get3A_235 : vector<16xf32> to vector<16xi32>
    %gather3A_237 = tpu.vector_load_idx %arg5[%convert_element_type3A_236] : memref<280xf32, #tpu.memory_space<vmem>>[vector<16xi32>], vector<16xf32>,
    %get3A_238 = arith.constant 400 : index
    %get3A_239 = tpu.vector_load %arg4[%get3A_238] {strides = array<i32>} : memref<2944xf32, #tpu.memory_space<vmem>>, vector<16xf32>,
    %convert_element_type3A_240 = arith.fptosi %get3A_239 : vector<16xf32> to vector<16xi32>
    %gather3A_241 = tpu.vector_load_idx %arg5[%convert_element_type3A_240] : memref<280xf32, #tpu.memory_space<vmem>>[vector<16xi32>], vector<16xf32>,
    %get3A_242 = arith.constant 416 : index
    %get3A_243 = tpu.vector_load %arg4[%get3A_242] {strides = array<i32>} : memref<2944xf32, #tpu.memory_space<vmem>>, vector<16xf32>,
    %convert_element_type3A_244 = arith.fptosi %get3A_243 : vector<16xf32> to vector<16xi32>
    %gather3A_245 = tpu.vector_load_idx %arg5[%convert_element_type3A_244] : memref<280xf32, #tpu.memory_space<vmem>>[vector<16xi32>], vector<16xf32>,
    %get3A_246 = arith.constant 432 : index
    %get3A_247 = tpu.vector_load %arg4[%get3A_246] {strides = array<i32>} : memref<2944xf32, #tpu.memory_space<vmem>>, vector<16xf32>,
    %convert_element_type3A_248 = arith.fptosi %get3A_247 : vector<16xf32> to vector<16xi32>
    %gather3A_249 = tpu.vector_load_idx %arg5[%convert_element_type3A_248] : memref<280xf32, #tpu.memory_space<vmem>>[vector<16xi32>], vector<16xf32>,
    %get3A_250 = arith.constant 448 : index
    %get3A_251 = tpu.vector_load %arg4[%get3A_250] {strides = array<i32>} : memref<2944xf32, #tpu.memory_space<vmem>>, vector<16xf32>,
    %convert_element_type3A_252 = arith.fptosi %get3A_251 : vector<16xf32> to vector<16xi32>
    %gather3A_253 = tpu.vector_load_idx %arg5[%convert_element_type3A_252] : memref<280xf32, #tpu.memory_space<vmem>>[vector<16xi32>], vector<16xf32>,
    %get3A_254 = arith.constant 464 : index
    %get3A_255 = tpu.vector_load %arg4[%get3A_254] {strides = array<i32>} : memref<2944xf32, #tpu.memory_space<vmem>>, vector<16xf32>,
    %convert_element_type3A_256 = arith.fptosi %get3A_255 : vector<16xf32> to vector<16xi32>
    %gather3A_257 = tpu.vector_load_idx %arg5[%convert_element_type3A_256] : memref<280xf32, #tpu.memory_space<vmem>>[vector<16xi32>], vector<16xf32>,
    %get3A_258 = arith.constant 480 : index
    %get3A_259 = tpu.vector_load %arg4[%get3A_258] {strides = array<i32>} : memref<2944xf32, #tpu.memory_space<vmem>>, vector<16xf32>,
    %convert_element_type3A_260 = arith.fptosi %get3A_259 : vector<16xf32> to vector<16xi32>
    %gather3A_261 = tpu.vector_load_idx %arg5[%convert_element_type3A_260] : memref<280xf32, #tpu.memory_space<vmem>>[vector<16xi32>], vector<16xf32>,
    %get3A_262 = arith.constant 496 : index
    %get3A_263 = tpu.vector_load %arg4[%get3A_262] {strides = array<i32>} : memref<2944xf32, #tpu.memory_space<vmem>>, vector<16xf32>,
    %convert_element_type3A_264 = arith.fptosi %get3A_263 : vector<16xf32> to vector<16xi32>
    %gather3A_265 = tpu.vector_load_idx %arg5[%convert_element_type3A_264] : memref<280xf32, #tpu.memory_space<vmem>>[vector<16xi32>], vector<16xf32>,
    %max3A_266 = arith.maximumf %gather3A_229, %gather3A_233 : vector<16xf32>
    %max3A_267 = arith.maximumf %gather3A_237, %gather3A_241 : vector<16xf32>
    %max3A_268 = arith.maximumf %gather3A_245, %gather3A_249 : vector<16xf32>
    %max3A_269 = arith.maximumf %gather3A_253, %gather3A_257 : vector<16xf32>
    %max3A_270 = arith.maximumf %gather3A_261, %gather3A_265 : vector<16xf32>
    %max3A_271 = arith.maximumf %max3A_266, %max3A_267 : vector<16xf32>
    %max3A_272 = arith.maximumf %max3A_268, %max3A_269 : vector<16xf32>
    %max3A_273 = arith.maximumf %max3A_271, %max3A_272 : vector<16xf32>
    %max3A_274 = arith.maximumf %max3A_273, %max3A_270 : vector<16xf32>
    %get3A_275 = arith.constant 512 : index
    %get3A_276 = tpu.vector_load %arg4[%get3A_275] {strides = array<i32>} : memref<2944xf32, #tpu.memory_space<vmem>>, vector<16xf32>,
    %convert_element_type3A_277 = arith.fptosi %get3A_276 : vector<16xf32> to vector<16xi32>
    %gather3A_278 = tpu.vector_load_idx %arg5[%convert_element_type3A_277] : memref<280xf32, #tpu.memory_space<vmem>>[vector<16xi32>], vector<16xf32>,
    %get3A_279 = arith.constant 528 : index
    %get3A_280 = tpu.vector_load %arg4[%get3A_279] {strides = array<i32>} : memref<2944xf32, #tpu.memory_space<vmem>>, vector<16xf32>,
    %convert_element_type3A_281 = arith.fptosi %get3A_280 : vector<16xf32> to vector<16xi32>
    %gather3A_282 = tpu.vector_load_idx %arg5[%convert_element_type3A_281] : memref<280xf32, #tpu.memory_space<vmem>>[vector<16xi32>], vector<16xf32>,
    %get3A_283 = arith.constant 544 : index
    %get3A_284 = tpu.vector_load %arg4[%get3A_283] {strides = array<i32>} : memref<2944xf32, #tpu.memory_space<vmem>>, vector<16xf32>,
    %convert_element_type3A_285 = arith.fptosi %get3A_284 : vector<16xf32> to vector<16xi32>
    %gather3A_286 = tpu.vector_load_idx %arg5[%convert_element_type3A_285] : memref<280xf32, #tpu.memory_space<vmem>>[vector<16xi32>], vector<16xf32>,
    %get3A_287 = arith.constant 560 : index
    %get3A_288 = tpu.vector_load %arg4[%get3A_287] {strides = array<i32>} : memref<2944xf32, #tpu.memory_space<vmem>>, vector<16xf32>,
    %convert_element_type3A_289 = arith.fptosi %get3A_288 : vector<16xf32> to vector<16xi32>
    %gather3A_290 = tpu.vector_load_idx %arg5[%convert_element_type3A_289] : memref<280xf32, #tpu.memory_space<vmem>>[vector<16xi32>], vector<16xf32>,
    %get3A_291 = arith.constant 576 : index
    %get3A_292 = tpu.vector_load %arg4[%get3A_291] {strides = array<i32>} : memref<2944xf32, #tpu.memory_space<vmem>>, vector<16xf32>,
    %convert_element_type3A_293 = arith.fptosi %get3A_292 : vector<16xf32> to vector<16xi32>
    %gather3A_294 = tpu.vector_load_idx %arg5[%convert_element_type3A_293] : memref<280xf32, #tpu.memory_space<vmem>>[vector<16xi32>], vector<16xf32>,
    %get3A_295 = arith.constant 592 : index
    %get3A_296 = tpu.vector_load %arg4[%get3A_295] {strides = array<i32>} : memref<2944xf32, #tpu.memory_space<vmem>>, vector<16xf32>,
    %convert_element_type3A_297 = arith.fptosi %get3A_296 : vector<16xf32> to vector<16xi32>
    %gather3A_298 = tpu.vector_load_idx %arg5[%convert_element_type3A_297] : memref<280xf32, #tpu.memory_space<vmem>>[vector<16xi32>], vector<16xf32>,
    %get3A_299 = arith.constant 608 : index
    %get3A_300 = tpu.vector_load %arg4[%get3A_299] {strides = array<i32>} : memref<2944xf32, #tpu.memory_space<vmem>>, vector<16xf32>,
    %convert_element_type3A_301 = arith.fptosi %get3A_300 : vector<16xf32> to vector<16xi32>
    %gather3A_302 = tpu.vector_load_idx %arg5[%convert_element_type3A_301] : memref<280xf32, #tpu.memory_space<vmem>>[vector<16xi32>], vector<16xf32>,
    %get3A_303 = arith.constant 624 : index
    %get3A_304 = tpu.vector_load %arg4[%get3A_303] {strides = array<i32>} : memref<2944xf32, #tpu.memory_space<vmem>>, vector<16xf32>,
    %convert_element_type3A_305 = arith.fptosi %get3A_304 : vector<16xf32> to vector<16xi32>
    %gather3A_306 = tpu.vector_load_idx %arg5[%convert_element_type3A_305] : memref<280xf32, #tpu.memory_space<vmem>>[vector<16xi32>], vector<16xf32>,
    %get3A_307 = arith.constant 640 : index
    %get3A_308 = tpu.vector_load %arg4[%get3A_307] {strides = array<i32>} : memref<2944xf32, #tpu.memory_space<vmem>>, vector<16xf32>,
    %convert_element_type3A_309 = arith.fptosi %get3A_308 : vector<16xf32> to vector<16xi32>
    %gather3A_310 = tpu.vector_load_idx %arg5[%convert_element_type3A_309] : memref<280xf32, #tpu.memory_space<vmem>>[vector<16xi32>], vector<16xf32>,
    %get3A_311 = arith.constant 656 : index
    %get3A_312 = tpu.vector_load %arg4[%get3A_311] {strides = array<i32>} : memref<2944xf32, #tpu.memory_space<vmem>>, vector<16xf32>,
    %convert_element_type3A_313 = arith.fptosi %get3A_312 : vector<16xf32> to vector<16xi32>
    %gather3A_314 = tpu.vector_load_idx %arg5[%convert_element_type3A_313] : memref<280xf32, #tpu.memory_space<vmem>>[vector<16xi32>], vector<16xf32>,
    %get3A_315 = arith.constant 672 : index
    %get3A_316 = tpu.vector_load %arg4[%get3A_315] {strides = array<i32>} : memref<2944xf32, #tpu.memory_space<vmem>>, vector<16xf32>,
    %convert_element_type3A_317 = arith.fptosi %get3A_316 : vector<16xf32> to vector<16xi32>
    %gather3A_318 = tpu.vector_load_idx %arg5[%convert_element_type3A_317] : memref<280xf32, #tpu.memory_space<vmem>>[vector<16xi32>], vector<16xf32>,
    %get3A_319 = arith.constant 688 : index
    %get3A_320 = tpu.vector_load %arg4[%get3A_319] {strides = array<i32>} : memref<2944xf32, #tpu.memory_space<vmem>>, vector<16xf32>,
    %convert_element_type3A_321 = arith.fptosi %get3A_320 : vector<16xf32> to vector<16xi32>
    %gather3A_322 = tpu.vector_load_idx %arg5[%convert_element_type3A_321] : memref<280xf32, #tpu.memory_space<vmem>>[vector<16xi32>], vector<16xf32>,
    %get3A_323 = arith.constant 704 : index
    %get3A_324 = tpu.vector_load %arg4[%get3A_323] {strides = array<i32>} : memref<2944xf32, #tpu.memory_space<vmem>>, vector<16xf32>,
    %convert_element_type3A_325 = arith.fptosi %get3A_324 : vector<16xf32> to vector<16xi32>
    %gather3A_326 = tpu.vector_load_idx %arg5[%convert_element_type3A_325] : memref<280xf32, #tpu.memory_space<vmem>>[vector<16xi32>], vector<16xf32>,
    %get3A_327 = arith.constant 720 : index
    %get3A_328 = tpu.vector_load %arg4[%get3A_327] {strides = array<i32>} : memref<2944xf32, #tpu.memory_space<vmem>>, vector<16xf32>,
    %convert_element_type3A_329 = arith.fptosi %get3A_328 : vector<16xf32> to vector<16xi32>
    %gather3A_330 = tpu.vector_load_idx %arg5[%convert_element_type3A_329] : memref<280xf32, #tpu.memory_space<vmem>>[vector<16xi32>], vector<16xf32>,
    %get3A_331 = arith.constant 736 : index
    %get3A_332 = tpu.vector_load %arg4[%get3A_331] {strides = array<i32>} : memref<2944xf32, #tpu.memory_space<vmem>>, vector<16xf32>,
    %convert_element_type3A_333 = arith.fptosi %get3A_332 : vector<16xf32> to vector<16xi32>
    %gather3A_334 = tpu.vector_load_idx %arg5[%convert_element_type3A_333] : memref<280xf32, #tpu.memory_space<vmem>>[vector<16xi32>], vector<16xf32>,
    %get3A_335 = arith.constant 752 : index
    %get3A_336 = tpu.vector_load %arg4[%get3A_335] {strides = array<i32>} : memref<2944xf32, #tpu.memory_space<vmem>>, vector<16xf32>,
    %convert_element_type3A_337 = arith.fptosi %get3A_336 : vector<16xf32> to vector<16xi32>
    %gather3A_338 = tpu.vector_load_idx %arg5[%convert_element_type3A_337] : memref<280xf32, #tpu.memory_space<vmem>>[vector<16xi32>], vector<16xf32>,
    %get3A_339 = arith.constant 768 : index
    %get3A_340 = tpu.vector_load %arg4[%get3A_339] {strides = array<i32>} : memref<2944xf32, #tpu.memory_space<vmem>>, vector<16xf32>,
    %convert_element_type3A_341 = arith.fptosi %get3A_340 : vector<16xf32> to vector<16xi32>
    %gather3A_342 = tpu.vector_load_idx %arg5[%convert_element_type3A_341] : memref<280xf32, #tpu.memory_space<vmem>>[vector<16xi32>], vector<16xf32>,
    %get3A_343 = arith.constant 784 : index
    %get3A_344 = tpu.vector_load %arg4[%get3A_343] {strides = array<i32>} : memref<2944xf32, #tpu.memory_space<vmem>>, vector<16xf32>,
    %convert_element_type3A_345 = arith.fptosi %get3A_344 : vector<16xf32> to vector<16xi32>
    %gather3A_346 = tpu.vector_load_idx %arg5[%convert_element_type3A_345] : memref<280xf32, #tpu.memory_space<vmem>>[vector<16xi32>], vector<16xf32>,
    %get3A_347 = arith.constant 800 : index
    %get3A_348 = tpu.vector_load %arg4[%get3A_347] {strides = array<i32>} : memref<2944xf32, #tpu.memory_space<vmem>>, vector<16xf32>,
    %convert_element_type3A_349 = arith.fptosi %get3A_348 : vector<16xf32> to vector<16xi32>
    %gather3A_350 = tpu.vector_load_idx %arg5[%convert_element_type3A_349] : memref<280xf32, #tpu.memory_space<vmem>>[vector<16xi32>], vector<16xf32>,
    %get3A_351 = arith.constant 816 : index
    %get3A_352 = tpu.vector_load %arg4[%get3A_351] {strides = array<i32>} : memref<2944xf32, #tpu.memory_space<vmem>>, vector<16xf32>,
    %convert_element_type3A_353 = arith.fptosi %get3A_352 : vector<16xf32> to vector<16xi32>
    %gather3A_354 = tpu.vector_load_idx %arg5[%convert_element_type3A_353] : memref<280xf32, #tpu.memory_space<vmem>>[vector<16xi32>], vector<16xf32>,
    %get3A_355 = arith.constant 832 : index
    %get3A_356 = tpu.vector_load %arg4[%get3A_355] {strides = array<i32>} : memref<2944xf32, #tpu.memory_space<vmem>>, vector<16xf32>,
    %convert_element_type3A_357 = arith.fptosi %get3A_356 : vector<16xf32> to vector<16xi32>
    %gather3A_358 = tpu.vector_load_idx %arg5[%convert_element_type3A_357] : memref<280xf32, #tpu.memory_space<vmem>>[vector<16xi32>], vector<16xf32>,
    %get3A_359 = arith.constant 848 : index
    %get3A_360 = tpu.vector_load %arg4[%get3A_359] {strides = array<i32>} : memref<2944xf32, #tpu.memory_space<vmem>>, vector<16xf32>,
    %convert_element_type3A_361 = arith.fptosi %get3A_360 : vector<16xf32> to vector<16xi32>
    %gather3A_362 = tpu.vector_load_idx %arg5[%convert_element_type3A_361] : memref<280xf32, #tpu.memory_space<vmem>>[vector<16xi32>], vector<16xf32>,
    %get3A_363 = arith.constant 864 : index
    %get3A_364 = tpu.vector_load %arg4[%get3A_363] {strides = array<i32>} : memref<2944xf32, #tpu.memory_space<vmem>>, vector<16xf32>,
    %convert_element_type3A_365 = arith.fptosi %get3A_364 : vector<16xf32> to vector<16xi32>
    %gather3A_366 = tpu.vector_load_idx %arg5[%convert_element_type3A_365] : memref<280xf32, #tpu.memory_space<vmem>>[vector<16xi32>], vector<16xf32>,
    %get3A_367 = arith.constant 880 : index
    %get3A_368 = tpu.vector_load %arg4[%get3A_367] {strides = array<i32>} : memref<2944xf32, #tpu.memory_space<vmem>>, vector<16xf32>,
    %convert_element_type3A_369 = arith.fptosi %get3A_368 : vector<16xf32> to vector<16xi32>
    %gather3A_370 = tpu.vector_load_idx %arg5[%convert_element_type3A_369] : memref<280xf32, #tpu.memory_space<vmem>>[vector<16xi32>], vector<16xf32>,
    %get3A_371 = arith.constant 896 : index
    %get3A_372 = tpu.vector_load %arg4[%get3A_371] {strides = array<i32>} : memref<2944xf32, #tpu.memory_space<vmem>>, vector<16xf32>,
    %convert_element_type3A_373 = arith.fptosi %get3A_372 : vector<16xf32> to vector<16xi32>
    %gather3A_374 = tpu.vector_load_idx %arg5[%convert_element_type3A_373] : memref<280xf32, #tpu.memory_space<vmem>>[vector<16xi32>], vector<16xf32>,
    %min3A_375 = arith.minimumf %gather3A_278, %gather3A_282 : vector<16xf32>
    %min3A_376 = arith.minimumf %gather3A_286, %gather3A_290 : vector<16xf32>
    %min3A_377 = arith.minimumf %gather3A_294, %gather3A_298 : vector<16xf32>
    %min3A_378 = arith.minimumf %gather3A_302, %gather3A_306 : vector<16xf32>
    %min3A_379 = arith.minimumf %gather3A_310, %gather3A_314 : vector<16xf32>
    %min3A_380 = arith.minimumf %gather3A_318, %gather3A_322 : vector<16xf32>
    %min3A_381 = arith.minimumf %gather3A_326, %gather3A_330 : vector<16xf32>
    %min3A_382 = arith.minimumf %gather3A_334, %gather3A_338 : vector<16xf32>
    %min3A_383 = arith.minimumf %gather3A_342, %gather3A_346 : vector<16xf32>
    %min3A_384 = arith.minimumf %gather3A_350, %gather3A_354 : vector<16xf32>
    %min3A_385 = arith.minimumf %gather3A_358, %gather3A_362 : vector<16xf32>
    %min3A_386 = arith.minimumf %gather3A_366, %gather3A_370 : vector<16xf32>
    %min3A_387 = arith.minimumf %min3A_375, %min3A_376 : vector<16xf32>
    %min3A_388 = arith.minimumf %min3A_377, %min3A_378 : vector<16xf32>
    %min3A_389 = arith.minimumf %min3A_379, %min3A_380 : vector<16xf32>
    %min3A_390 = arith.minimumf %min3A_381, %min3A_382 : vector<16xf32>
    %min3A_391 = arith.minimumf %min3A_383, %min3A_384 : vector<16xf32>
    %min3A_392 = arith.minimumf %min3A_385, %min3A_386 : vector<16xf32>
    %min3A_393 = arith.minimumf %min3A_387, %min3A_388 : vector<16xf32>
    %min3A_394 = arith.minimumf %min3A_389, %min3A_390 : vector<16xf32>
    %min3A_395 = arith.minimumf %min3A_391, %min3A_392 : vector<16xf32>
    %min3A_396 = arith.minimumf %min3A_393, %min3A_394 : vector<16xf32>
    %min3A_397 = arith.minimumf %min3A_395, %gather3A_374 : vector<16xf32>
    %min3A_398 = arith.minimumf %min3A_396, %min3A_397 : vector<16xf32>
    %sub3A_399 = arith.subf %min3A_398, %max3A_274 : vector<16xf32>
    %mul3A_400 = arith.mulf %div3A_225, %sub3A_399 : vector<16xf32>
    %add3A_401 = arith.addf %max3A_274, %mul3A_400 : vector<16xf32>
    tpu.vector_store_idx %arg5[%convert_element_type3A_211], %add3A_401 : memref<280xf32, #tpu.memory_space<vmem>>[vector<16xi32>], vector<16xf32>,
    %get3A_402 = arith.constant 912 : index
    %get3A_403 = tpu.vector_load %arg4[%get3A_402] {strides = array<i32>} : memref<2944xf32, #tpu.memory_space<vmem>>, vector<16xf32>,
    %convert_element_type3A_404 = arith.fptosi %get3A_403 : vector<16xf32> to vector<16xi32>
    %min3A_405 = arith.constant 255 : i32
    %min3A_406 = vector.broadcast %min3A_405 : i32 to vector<16xi32>
    %min3A_407 = arith.minsi %convert_element_type3A_404, %min3A_406 : vector<16xi32>
    %gather3A_408 = tpu.vector_load_idx %arg6[%min3A_407] : memref<256xf32, #tpu.memory_space<vmem>>[vector<16xi32>], vector<16xf32>,
    %neg3A_409 = arith.constant 0.000000e+00 : f32
    %neg3A_410 = vector.broadcast %neg3A_409 : f32 to vector<16xf32>
    %neg3A_411 = arith.subf %neg3A_410, %gather3A_408 : vector<16xf32>
    %exp3A_412 = math.exp %neg3A_411 : vector<16xf32>
    %add3A_413 = arith.constant 1.000000e+00 : f32
    %add3A_414 = vector.broadcast %add3A_413 : f32 to vector<16xf32>
    %add3A_415 = arith.addf %add3A_414, %exp3A_412 : vector<16xf32>
    %div3A_416 = arith.constant 1.000000e+00 : f32
    %div3A_417 = vector.broadcast %div3A_416 : f32 to vector<16xf32>
    %div3A_418 = arith.divf %div3A_417, %add3A_415 : vector<16xf32>
    %get3A_419 = arith.constant 928 : index
    %get3A_420 = tpu.vector_load %arg4[%get3A_419] {strides = array<i32>} : memref<2944xf32, #tpu.memory_space<vmem>>, vector<16xf32>,
    %convert_element_type3A_421 = arith.fptosi %get3A_420 : vector<16xf32> to vector<16xi32>
    %gather3A_422 = tpu.vector_load_idx %arg5[%convert_element_type3A_421] : memref<280xf32, #tpu.memory_space<vmem>>[vector<16xi32>], vector<16xf32>,
    %get3A_423 = arith.constant 944 : index
    %get3A_424 = tpu.vector_load %arg4[%get3A_423] {strides = array<i32>} : memref<2944xf32, #tpu.memory_space<vmem>>, vector<16xf32>,
    %convert_element_type3A_425 = arith.fptosi %get3A_424 : vector<16xf32> to vector<16xi32>
    %gather3A_426 = tpu.vector_load_idx %arg5[%convert_element_type3A_425] : memref<280xf32, #tpu.memory_space<vmem>>[vector<16xi32>], vector<16xf32>,
    %get3A_427 = arith.constant 960 : index
    %get3A_428 = tpu.vector_load %arg4[%get3A_427] {strides = array<i32>} : memref<2944xf32, #tpu.memory_space<vmem>>, vector<16xf32>,
    %convert_element_type3A_429 = arith.fptosi %get3A_428 : vector<16xf32> to vector<16xi32>
    %gather3A_430 = tpu.vector_load_idx %arg5[%convert_element_type3A_429] : memref<280xf32, #tpu.memory_space<vmem>>[vector<16xi32>], vector<16xf32>,
    %get3A_431 = arith.constant 976 : index
    %get3A_432 = tpu.vector_load %arg4[%get3A_431] {strides = array<i32>} : memref<2944xf32, #tpu.memory_space<vmem>>, vector<16xf32>,
    %convert_element_type3A_433 = arith.fptosi %get3A_432 : vector<16xf32> to vector<16xi32>
    %gather3A_434 = tpu.vector_load_idx %arg5[%convert_element_type3A_433] : memref<280xf32, #tpu.memory_space<vmem>>[vector<16xi32>], vector<16xf32>,
    %get3A_435 = arith.constant 992 : index
    %get3A_436 = tpu.vector_load %arg4[%get3A_435] {strides = array<i32>} : memref<2944xf32, #tpu.memory_space<vmem>>, vector<16xf32>,
    %convert_element_type3A_437 = arith.fptosi %get3A_436 : vector<16xf32> to vector<16xi32>
    %gather3A_438 = tpu.vector_load_idx %arg5[%convert_element_type3A_437] : memref<280xf32, #tpu.memory_space<vmem>>[vector<16xi32>], vector<16xf32>,
    %get3A_439 = arith.constant 1008 : index
    %get3A_440 = tpu.vector_load %arg4[%get3A_439] {strides = array<i32>} : memref<2944xf32, #tpu.memory_space<vmem>>, vector<16xf32>,
    %convert_element_type3A_441 = arith.fptosi %get3A_440 : vector<16xf32> to vector<16xi32>
    %gather3A_442 = tpu.vector_load_idx %arg5[%convert_element_type3A_441] : memref<280xf32, #tpu.memory_space<vmem>>[vector<16xi32>], vector<16xf32>,
    %get3A_443 = arith.constant 1024 : index
    %get3A_444 = tpu.vector_load %arg4[%get3A_443] {strides = array<i32>} : memref<2944xf32, #tpu.memory_space<vmem>>, vector<16xf32>,
    %convert_element_type3A_445 = arith.fptosi %get3A_444 : vector<16xf32> to vector<16xi32>
    %gather3A_446 = tpu.vector_load_idx %arg5[%convert_element_type3A_445] : memref<280xf32, #tpu.memory_space<vmem>>[vector<16xi32>], vector<16xf32>,
    %get3A_447 = arith.constant 1040 : index
    %get3A_448 = tpu.vector_load %arg4[%get3A_447] {strides = array<i32>} : memref<2944xf32, #tpu.memory_space<vmem>>, vector<16xf32>,
    %convert_element_type3A_449 = arith.fptosi %get3A_448 : vector<16xf32> to vector<16xi32>
    %gather3A_450 = tpu.vector_load_idx %arg5[%convert_element_type3A_449] : memref<280xf32, #tpu.memory_space<vmem>>[vector<16xi32>], vector<16xf32>,
    %get3A_451 = arith.constant 1056 : index
    %get3A_452 = tpu.vector_load %arg4[%get3A_451] {strides = array<i32>} : memref<2944xf32, #tpu.memory_space<vmem>>, vector<16xf32>,
    %convert_element_type3A_453 = arith.fptosi %get3A_452 : vector<16xf32> to vector<16xi32>
    %gather3A_454 = tpu.vector_load_idx %arg5[%convert_element_type3A_453] : memref<280xf32, #tpu.memory_space<vmem>>[vector<16xi32>], vector<16xf32>,
    %get3A_455 = arith.constant 1072 : index
    %get3A_456 = tpu.vector_load %arg4[%get3A_455] {strides = array<i32>} : memref<2944xf32, #tpu.memory_space<vmem>>, vector<16xf32>,
    %convert_element_type3A_457 = arith.fptosi %get3A_456 : vector<16xf32> to vector<16xi32>
    %gather3A_458 = tpu.vector_load_idx %arg5[%convert_element_type3A_457] : memref<280xf32, #tpu.memory_space<vmem>>[vector<16xi32>], vector<16xf32>,
    %max3A_459 = arith.maximumf %gather3A_422, %gather3A_426 : vector<16xf32>
    %max3A_460 = arith.maximumf %gather3A_430, %gather3A_434 : vector<16xf32>
    %max3A_461 = arith.maximumf %gather3A_438, %gather3A_442 : vector<16xf32>
    %max3A_462 = arith.maximumf %gather3A_446, %gather3A_450 : vector<16xf32>
    %max3A_463 = arith.maximumf %gather3A_454, %gather3A_458 : vector<16xf32>
    %max3A_464 = arith.maximumf %max3A_459, %max3A_460 : vector<16xf32>
    %max3A_465 = arith.maximumf %max3A_461, %max3A_462 : vector<16xf32>
    %max3A_466 = arith.maximumf %max3A_464, %max3A_465 : vector<16xf32>
    %max3A_467 = arith.maximumf %max3A_466, %max3A_463 : vector<16xf32>
    %get3A_468 = arith.constant 1088 : index
    %get3A_469 = tpu.vector_load %arg4[%get3A_468] {strides = array<i32>} : memref<2944xf32, #tpu.memory_space<vmem>>, vector<16xf32>,
    %convert_element_type3A_470 = arith.fptosi %get3A_469 : vector<16xf32> to vector<16xi32>
    %gather3A_471 = tpu.vector_load_idx %arg5[%convert_element_type3A_470] : memref<280xf32, #tpu.memory_space<vmem>>[vector<16xi32>], vector<16xf32>,
    %get3A_472 = arith.constant 1104 : index
    %get3A_473 = tpu.vector_load %arg4[%get3A_472] {strides = array<i32>} : memref<2944xf32, #tpu.memory_space<vmem>>, vector<16xf32>,
    %convert_element_type3A_474 = arith.fptosi %get3A_473 : vector<16xf32> to vector<16xi32>
    %gather3A_475 = tpu.vector_load_idx %arg5[%convert_element_type3A_474] : memref<280xf32, #tpu.memory_space<vmem>>[vector<16xi32>], vector<16xf32>,
    %get3A_476 = arith.constant 1120 : index
    %get3A_477 = tpu.vector_load %arg4[%get3A_476] {strides = array<i32>} : memref<2944xf32, #tpu.memory_space<vmem>>, vector<16xf32>,
    %convert_element_type3A_478 = arith.fptosi %get3A_477 : vector<16xf32> to vector<16xi32>
    %gather3A_479 = tpu.vector_load_idx %arg5[%convert_element_type3A_478] : memref<280xf32, #tpu.memory_space<vmem>>[vector<16xi32>], vector<16xf32>,
    %get3A_480 = arith.constant 1136 : index
    %get3A_481 = tpu.vector_load %arg4[%get3A_480] {strides = array<i32>} : memref<2944xf32, #tpu.memory_space<vmem>>, vector<16xf32>,
    %convert_element_type3A_482 = arith.fptosi %get3A_481 : vector<16xf32> to vector<16xi32>
    %gather3A_483 = tpu.vector_load_idx %arg5[%convert_element_type3A_482] : memref<280xf32, #tpu.memory_space<vmem>>[vector<16xi32>], vector<16xf32>,
    %get3A_484 = arith.constant 1152 : index
    %get3A_485 = tpu.vector_load %arg4[%get3A_484] {strides = array<i32>} : memref<2944xf32, #tpu.memory_space<vmem>>, vector<16xf32>,
    %convert_element_type3A_486 = arith.fptosi %get3A_485 : vector<16xf32> to vector<16xi32>
    %gather3A_487 = tpu.vector_load_idx %arg5[%convert_element_type3A_486] : memref<280xf32, #tpu.memory_space<vmem>>[vector<16xi32>], vector<16xf32>,
    %get3A_488 = arith.constant 1168 : index
    %get3A_489 = tpu.vector_load %arg4[%get3A_488] {strides = array<i32>} : memref<2944xf32, #tpu.memory_space<vmem>>, vector<16xf32>,
    %convert_element_type3A_490 = arith.fptosi %get3A_489 : vector<16xf32> to vector<16xi32>
    %gather3A_491 = tpu.vector_load_idx %arg5[%convert_element_type3A_490] : memref<280xf32, #tpu.memory_space<vmem>>[vector<16xi32>], vector<16xf32>,
    %get3A_492 = arith.constant 1184 : index
    %get3A_493 = tpu.vector_load %arg4[%get3A_492] {strides = array<i32>} : memref<2944xf32, #tpu.memory_space<vmem>>, vector<16xf32>,
    %convert_element_type3A_494 = arith.fptosi %get3A_493 : vector<16xf32> to vector<16xi32>
    %gather3A_495 = tpu.vector_load_idx %arg5[%convert_element_type3A_494] : memref<280xf32, #tpu.memory_space<vmem>>[vector<16xi32>], vector<16xf32>,
    %get3A_496 = arith.constant 1200 : index
    %get3A_497 = tpu.vector_load %arg4[%get3A_496] {strides = array<i32>} : memref<2944xf32, #tpu.memory_space<vmem>>, vector<16xf32>,
    %convert_element_type3A_498 = arith.fptosi %get3A_497 : vector<16xf32> to vector<16xi32>
    %gather3A_499 = tpu.vector_load_idx %arg5[%convert_element_type3A_498] : memref<280xf32, #tpu.memory_space<vmem>>[vector<16xi32>], vector<16xf32>,
    %get3A_500 = arith.constant 1216 : index
    %get3A_501 = tpu.vector_load %arg4[%get3A_500] {strides = array<i32>} : memref<2944xf32, #tpu.memory_space<vmem>>, vector<16xf32>,
    %convert_element_type3A_502 = arith.fptosi %get3A_501 : vector<16xf32> to vector<16xi32>
    %gather3A_503 = tpu.vector_load_idx %arg5[%convert_element_type3A_502] : memref<280xf32, #tpu.memory_space<vmem>>[vector<16xi32>], vector<16xf32>,
    %get3A_504 = arith.constant 1232 : index
    %get3A_505 = tpu.vector_load %arg4[%get3A_504] {strides = array<i32>} : memref<2944xf32, #tpu.memory_space<vmem>>, vector<16xf32>,
    %convert_element_type3A_506 = arith.fptosi %get3A_505 : vector<16xf32> to vector<16xi32>
    %gather3A_507 = tpu.vector_load_idx %arg5[%convert_element_type3A_506] : memref<280xf32, #tpu.memory_space<vmem>>[vector<16xi32>], vector<16xf32>,
    %min3A_508 = arith.minimumf %gather3A_471, %gather3A_475 : vector<16xf32>
    %min3A_509 = arith.minimumf %gather3A_479, %gather3A_483 : vector<16xf32>
    %min3A_510 = arith.minimumf %gather3A_487, %gather3A_491 : vector<16xf32>
    %min3A_511 = arith.minimumf %gather3A_495, %gather3A_499 : vector<16xf32>
    %min3A_512 = arith.minimumf %gather3A_503, %gather3A_507 : vector<16xf32>
    %min3A_513 = arith.minimumf %min3A_508, %min3A_509 : vector<16xf32>
    %min3A_514 = arith.minimumf %min3A_510, %min3A_511 : vector<16xf32>
    %min3A_515 = arith.minimumf %min3A_513, %min3A_514 : vector<16xf32>
    %min3A_516 = arith.minimumf %min3A_515, %min3A_512 : vector<16xf32>
    %sub3A_517 = arith.subf %min3A_516, %max3A_467 : vector<16xf32>
    %mul3A_518 = arith.mulf %div3A_418, %sub3A_517 : vector<16xf32>
    %add3A_519 = arith.addf %max3A_467, %mul3A_518 : vector<16xf32>
    tpu.vector_store_idx %arg5[%convert_element_type3A_404], %add3A_519 : memref<280xf32, #tpu.memory_space<vmem>>[vector<16xi32>], vector<16xf32>,
    %get3A_520 = arith.constant 1248 : index
    %get3A_521 = tpu.vector_load %arg4[%get3A_520] {strides = array<i32>} : memref<2944xf32, #tpu.memory_space<vmem>>, vector<16xf32>,
    %convert_element_type3A_522 = arith.fptosi %get3A_521 : vector<16xf32> to vector<16xi32>
    %min3A_523 = arith.constant 255 : i32
    %min3A_524 = vector.broadcast %min3A_523 : i32 to vector<16xi32>
    %min3A_525 = arith.minsi %convert_element_type3A_522, %min3A_524 : vector<16xi32>
    %gather3A_526 = tpu.vector_load_idx %arg6[%min3A_525] : memref<256xf32, #tpu.memory_space<vmem>>[vector<16xi32>], vector<16xf32>,
    %neg3A_527 = arith.constant 0.000000e+00 : f32
    %neg3A_528 = vector.broadcast %neg3A_527 : f32 to vector<16xf32>
    %neg3A_529 = arith.subf %neg3A_528, %gather3A_526 : vector<16xf32>
    %exp3A_530 = math.exp %neg3A_529 : vector<16xf32>
    %add3A_531 = arith.constant 1.000000e+00 : f32
    %add3A_532 = vector.broadcast %add3A_531 : f32 to vector<16xf32>
    %add3A_533 = arith.addf %add3A_532, %exp3A_530 : vector<16xf32>
    %div3A_534 = arith.constant 1.000000e+00 : f32
    %div3A_535 = vector.broadcast %div3A_534 : f32 to vector<16xf32>
    %div3A_536 = arith.divf %div3A_535, %add3A_533 : vector<16xf32>
    %get3A_537 = arith.constant 1264 : index
    %get3A_538 = tpu.vector_load %arg4[%get3A_537] {strides = array<i32>} : memref<2944xf32, #tpu.memory_space<vmem>>, vector<16xf32>,
    %convert_element_type3A_539 = arith.fptosi %get3A_538 : vector<16xf32> to vector<16xi32>
    %gather3A_540 = tpu.vector_load_idx %arg5[%convert_element_type3A_539] : memref<280xf32, #tpu.memory_space<vmem>>[vector<16xi32>], vector<16xf32>,
    %get3A_541 = arith.constant 1280 : index
    %get3A_542 = tpu.vector_load %arg4[%get3A_541] {strides = array<i32>} : memref<2944xf32, #tpu.memory_space<vmem>>, vector<16xf32>,
    %convert_element_type3A_543 = arith.fptosi %get3A_542 : vector<16xf32> to vector<16xi32>
    %gather3A_544 = tpu.vector_load_idx %arg5[%convert_element_type3A_543] : memref<280xf32, #tpu.memory_space<vmem>>[vector<16xi32>], vector<16xf32>,
    %get3A_545 = arith.constant 1296 : index
    %get3A_546 = tpu.vector_load %arg4[%get3A_545] {strides = array<i32>} : memref<2944xf32, #tpu.memory_space<vmem>>, vector<16xf32>,
    %convert_element_type3A_547 = arith.fptosi %get3A_546 : vector<16xf32> to vector<16xi32>
    %gather3A_548 = tpu.vector_load_idx %arg5[%convert_element_type3A_547] : memref<280xf32, #tpu.memory_space<vmem>>[vector<16xi32>], vector<16xf32>,
    %get3A_549 = arith.constant 1312 : index
    %get3A_550 = tpu.vector_load %arg4[%get3A_549] {strides = array<i32>} : memref<2944xf32, #tpu.memory_space<vmem>>, vector<16xf32>,
    %convert_element_type3A_551 = arith.fptosi %get3A_550 : vector<16xf32> to vector<16xi32>
    %gather3A_552 = tpu.vector_load_idx %arg5[%convert_element_type3A_551] : memref<280xf32, #tpu.memory_space<vmem>>[vector<16xi32>], vector<16xf32>,
    %max3A_553 = arith.maximumf %gather3A_540, %gather3A_544 : vector<16xf32>
    %max3A_554 = arith.maximumf %gather3A_548, %gather3A_552 : vector<16xf32>
    %max3A_555 = arith.maximumf %max3A_553, %max3A_554 : vector<16xf32>
    %get3A_556 = arith.constant 1328 : index
    %get3A_557 = tpu.vector_load %arg4[%get3A_556] {strides = array<i32>} : memref<2944xf32, #tpu.memory_space<vmem>>, vector<16xf32>,
    %convert_element_type3A_558 = arith.fptosi %get3A_557 : vector<16xf32> to vector<16xi32>
    %gather3A_559 = tpu.vector_load_idx %arg5[%convert_element_type3A_558] : memref<280xf32, #tpu.memory_space<vmem>>[vector<16xi32>], vector<16xf32>,
    %get3A_560 = arith.constant 1344 : index
    %get3A_561 = tpu.vector_load %arg4[%get3A_560] {strides = array<i32>} : memref<2944xf32, #tpu.memory_space<vmem>>, vector<16xf32>,
    %convert_element_type3A_562 = arith.fptosi %get3A_561 : vector<16xf32> to vector<16xi32>
    %gather3A_563 = tpu.vector_load_idx %arg5[%convert_element_type3A_562] : memref<280xf32, #tpu.memory_space<vmem>>[vector<16xi32>], vector<16xf32>,
    %get3A_564 = arith.constant 1360 : index
    %get3A_565 = tpu.vector_load %arg4[%get3A_564] {strides = array<i32>} : memref<2944xf32, #tpu.memory_space<vmem>>, vector<16xf32>,
    %convert_element_type3A_566 = arith.fptosi %get3A_565 : vector<16xf32> to vector<16xi32>
    %gather3A_567 = tpu.vector_load_idx %arg5[%convert_element_type3A_566] : memref<280xf32, #tpu.memory_space<vmem>>[vector<16xi32>], vector<16xf32>,
    %get3A_568 = arith.constant 1376 : index
    %get3A_569 = tpu.vector_load %arg4[%get3A_568] {strides = array<i32>} : memref<2944xf32, #tpu.memory_space<vmem>>, vector<16xf32>,
    %convert_element_type3A_570 = arith.fptosi %get3A_569 : vector<16xf32> to vector<16xi32>
    %gather3A_571 = tpu.vector_load_idx %arg5[%convert_element_type3A_570] : memref<280xf32, #tpu.memory_space<vmem>>[vector<16xi32>], vector<16xf32>,
    %get3A_572 = arith.constant 1392 : index
    %get3A_573 = tpu.vector_load %arg4[%get3A_572] {strides = array<i32>} : memref<2944xf32, #tpu.memory_space<vmem>>, vector<16xf32>,
    %convert_element_type3A_574 = arith.fptosi %get3A_573 : vector<16xf32> to vector<16xi32>
    %gather3A_575 = tpu.vector_load_idx %arg5[%convert_element_type3A_574] : memref<280xf32, #tpu.memory_space<vmem>>[vector<16xi32>], vector<16xf32>,
    %get3A_576 = arith.constant 1408 : index
    %get3A_577 = tpu.vector_load %arg4[%get3A_576] {strides = array<i32>} : memref<2944xf32, #tpu.memory_space<vmem>>, vector<16xf32>,
    %convert_element_type3A_578 = arith.fptosi %get3A_577 : vector<16xf32> to vector<16xi32>
    %gather3A_579 = tpu.vector_load_idx %arg5[%convert_element_type3A_578] : memref<280xf32, #tpu.memory_space<vmem>>[vector<16xi32>], vector<16xf32>,
    %get3A_580 = arith.constant 1424 : index
    %get3A_581 = tpu.vector_load %arg4[%get3A_580] {strides = array<i32>} : memref<2944xf32, #tpu.memory_space<vmem>>, vector<16xf32>,
    %convert_element_type3A_582 = arith.fptosi %get3A_581 : vector<16xf32> to vector<16xi32>
    %gather3A_583 = tpu.vector_load_idx %arg5[%convert_element_type3A_582] : memref<280xf32, #tpu.memory_space<vmem>>[vector<16xi32>], vector<16xf32>,
    %get3A_584 = arith.constant 1440 : index
    %get3A_585 = tpu.vector_load %arg4[%get3A_584] {strides = array<i32>} : memref<2944xf32, #tpu.memory_space<vmem>>, vector<16xf32>,
    %convert_element_type3A_586 = arith.fptosi %get3A_585 : vector<16xf32> to vector<16xi32>
    %gather3A_587 = tpu.vector_load_idx %arg5[%convert_element_type3A_586] : memref<280xf32, #tpu.memory_space<vmem>>[vector<16xi32>], vector<16xf32>,
    %get3A_588 = arith.constant 1456 : index
    %get3A_589 = tpu.vector_load %arg4[%get3A_588] {strides = array<i32>} : memref<2944xf32, #tpu.memory_space<vmem>>, vector<16xf32>,
    %convert_element_type3A_590 = arith.fptosi %get3A_589 : vector<16xf32> to vector<16xi32>
    %gather3A_591 = tpu.vector_load_idx %arg5[%convert_element_type3A_590] : memref<280xf32, #tpu.memory_space<vmem>>[vector<16xi32>], vector<16xf32>,
    %min3A_592 = arith.minimumf %gather3A_559, %gather3A_563 : vector<16xf32>
    %min3A_593 = arith.minimumf %gather3A_567, %gather3A_571 : vector<16xf32>
    %min3A_594 = arith.minimumf %gather3A_575, %gather3A_579 : vector<16xf32>
    %min3A_595 = arith.minimumf %gather3A_583, %gather3A_587 : vector<16xf32>
    %min3A_596 = arith.minimumf %min3A_592, %min3A_593 : vector<16xf32>
    %min3A_597 = arith.minimumf %min3A_594, %min3A_595 : vector<16xf32>
    %min3A_598 = arith.minimumf %min3A_596, %min3A_597 : vector<16xf32>
    %min3A_599 = arith.minimumf %min3A_598, %gather3A_591 : vector<16xf32>
    %sub3A_600 = arith.subf %min3A_599, %max3A_555 : vector<16xf32>
    %mul3A_601 = arith.mulf %div3A_536, %sub3A_600 : vector<16xf32>
    %add3A_602 = arith.addf %max3A_555, %mul3A_601 : vector<16xf32>
    tpu.vector_store_idx %arg5[%convert_element_type3A_522], %add3A_602 : memref<280xf32, #tpu.memory_space<vmem>>[vector<16xi32>], vector<16xf32>,
    %get3A_603 = arith.constant 1472 : index
    %get3A_604 = tpu.vector_load %arg4[%get3A_603] {strides = array<i32>} : memref<2944xf32, #tpu.memory_space<vmem>>, vector<16xf32>,
    %convert_element_type3A_605 = arith.fptosi %get3A_604 : vector<16xf32> to vector<16xi32>
    %min3A_606 = arith.constant 255 : i32
    %min3A_607 = vector.broadcast %min3A_606 : i32 to vector<16xi32>
    %min3A_608 = arith.minsi %convert_element_type3A_605, %min3A_607 : vector<16xi32>
    %gather3A_609 = tpu.vector_load_idx %arg6[%min3A_608] : memref<256xf32, #tpu.memory_space<vmem>>[vector<16xi32>], vector<16xf32>,
    %neg3A_610 = arith.constant 0.000000e+00 : f32
    %neg3A_611 = vector.broadcast %neg3A_610 : f32 to vector<16xf32>
    %neg3A_612 = arith.subf %neg3A_611, %gather3A_609 : vector<16xf32>
    %exp3A_613 = math.exp %neg3A_612 : vector<16xf32>
    %add3A_614 = arith.constant 1.000000e+00 : f32
    %add3A_615 = vector.broadcast %add3A_614 : f32 to vector<16xf32>
    %add3A_616 = arith.addf %add3A_615, %exp3A_613 : vector<16xf32>
    %div3A_617 = arith.constant 1.000000e+00 : f32
    %div3A_618 = vector.broadcast %div3A_617 : f32 to vector<16xf32>
    %div3A_619 = arith.divf %div3A_618, %add3A_616 : vector<16xf32>
    %get3A_620 = arith.constant 1488 : index
    %get3A_621 = tpu.vector_load %arg4[%get3A_620] {strides = array<i32>} : memref<2944xf32, #tpu.memory_space<vmem>>, vector<16xf32>,
    %convert_element_type3A_622 = arith.fptosi %get3A_621 : vector<16xf32> to vector<16xi32>
    %gather3A_623 = tpu.vector_load_idx %arg5[%convert_element_type3A_622] : memref<280xf32, #tpu.memory_space<vmem>>[vector<16xi32>], vector<16xf32>,
    %get3A_624 = arith.constant 1504 : index
    %get3A_625 = tpu.vector_load %arg4[%get3A_624] {strides = array<i32>} : memref<2944xf32, #tpu.memory_space<vmem>>, vector<16xf32>,
    %convert_element_type3A_626 = arith.fptosi %get3A_625 : vector<16xf32> to vector<16xi32>
    %gather3A_627 = tpu.vector_load_idx %arg5[%convert_element_type3A_626] : memref<280xf32, #tpu.memory_space<vmem>>[vector<16xi32>], vector<16xf32>,
    %get3A_628 = arith.constant 1520 : index
    %get3A_629 = tpu.vector_load %arg4[%get3A_628] {strides = array<i32>} : memref<2944xf32, #tpu.memory_space<vmem>>, vector<16xf32>,
    %convert_element_type3A_630 = arith.fptosi %get3A_629 : vector<16xf32> to vector<16xi32>
    %gather3A_631 = tpu.vector_load_idx %arg5[%convert_element_type3A_630] : memref<280xf32, #tpu.memory_space<vmem>>[vector<16xi32>], vector<16xf32>,
    %get3A_632 = arith.constant 1536 : index
    %get3A_633 = tpu.vector_load %arg4[%get3A_632] {strides = array<i32>} : memref<2944xf32, #tpu.memory_space<vmem>>, vector<16xf32>,
    %convert_element_type3A_634 = arith.fptosi %get3A_633 : vector<16xf32> to vector<16xi32>
    %gather3A_635 = tpu.vector_load_idx %arg5[%convert_element_type3A_634] : memref<280xf32, #tpu.memory_space<vmem>>[vector<16xi32>], vector<16xf32>,
    %max3A_636 = arith.maximumf %gather3A_623, %gather3A_627 : vector<16xf32>
    %max3A_637 = arith.maximumf %gather3A_631, %gather3A_635 : vector<16xf32>
    %max3A_638 = arith.maximumf %max3A_636, %max3A_637 : vector<16xf32>
    %get3A_639 = arith.constant 1552 : index
    %get3A_640 = tpu.vector_load %arg4[%get3A_639] {strides = array<i32>} : memref<2944xf32, #tpu.memory_space<vmem>>, vector<16xf32>,
    %convert_element_type3A_641 = arith.fptosi %get3A_640 : vector<16xf32> to vector<16xi32>
    %gather3A_642 = tpu.vector_load_idx %arg5[%convert_element_type3A_641] : memref<280xf32, #tpu.memory_space<vmem>>[vector<16xi32>], vector<16xf32>,
    %get3A_643 = arith.constant 1568 : index
    %get3A_644 = tpu.vector_load %arg4[%get3A_643] {strides = array<i32>} : memref<2944xf32, #tpu.memory_space<vmem>>, vector<16xf32>,
    %convert_element_type3A_645 = arith.fptosi %get3A_644 : vector<16xf32> to vector<16xi32>
    %gather3A_646 = tpu.vector_load_idx %arg5[%convert_element_type3A_645] : memref<280xf32, #tpu.memory_space<vmem>>[vector<16xi32>], vector<16xf32>,
    %get3A_647 = arith.constant 1584 : index
    %get3A_648 = tpu.vector_load %arg4[%get3A_647] {strides = array<i32>} : memref<2944xf32, #tpu.memory_space<vmem>>, vector<16xf32>,
    %convert_element_type3A_649 = arith.fptosi %get3A_648 : vector<16xf32> to vector<16xi32>
    %gather3A_650 = tpu.vector_load_idx %arg5[%convert_element_type3A_649] : memref<280xf32, #tpu.memory_space<vmem>>[vector<16xi32>], vector<16xf32>,
    %get3A_651 = arith.constant 1600 : index
    %get3A_652 = tpu.vector_load %arg4[%get3A_651] {strides = array<i32>} : memref<2944xf32, #tpu.memory_space<vmem>>, vector<16xf32>,
    %convert_element_type3A_653 = arith.fptosi %get3A_652 : vector<16xf32> to vector<16xi32>
    %gather3A_654 = tpu.vector_load_idx %arg5[%convert_element_type3A_653] : memref<280xf32, #tpu.memory_space<vmem>>[vector<16xi32>], vector<16xf32>,
    %get3A_655 = arith.constant 1616 : index
    %get3A_656 = tpu.vector_load %arg4[%get3A_655] {strides = array<i32>} : memref<2944xf32, #tpu.memory_space<vmem>>, vector<16xf32>,
    %convert_element_type3A_657 = arith.fptosi %get3A_656 : vector<16xf32> to vector<16xi32>
    %gather3A_658 = tpu.vector_load_idx %arg5[%convert_element_type3A_657] : memref<280xf32, #tpu.memory_space<vmem>>[vector<16xi32>], vector<16xf32>,
    %get3A_659 = arith.constant 1632 : index
    %get3A_660 = tpu.vector_load %arg4[%get3A_659] {strides = array<i32>} : memref<2944xf32, #tpu.memory_space<vmem>>, vector<16xf32>,
    %convert_element_type3A_661 = arith.fptosi %get3A_660 : vector<16xf32> to vector<16xi32>
    %gather3A_662 = tpu.vector_load_idx %arg5[%convert_element_type3A_661] : memref<280xf32, #tpu.memory_space<vmem>>[vector<16xi32>], vector<16xf32>,
    %get3A_663 = arith.constant 1648 : index
    %get3A_664 = tpu.vector_load %arg4[%get3A_663] {strides = array<i32>} : memref<2944xf32, #tpu.memory_space<vmem>>, vector<16xf32>,
    %convert_element_type3A_665 = arith.fptosi %get3A_664 : vector<16xf32> to vector<16xi32>
    %gather3A_666 = tpu.vector_load_idx %arg5[%convert_element_type3A_665] : memref<280xf32, #tpu.memory_space<vmem>>[vector<16xi32>], vector<16xf32>,
    %get3A_667 = arith.constant 1664 : index
    %get3A_668 = tpu.vector_load %arg4[%get3A_667] {strides = array<i32>} : memref<2944xf32, #tpu.memory_space<vmem>>, vector<16xf32>,
    %convert_element_type3A_669 = arith.fptosi %get3A_668 : vector<16xf32> to vector<16xi32>
    %gather3A_670 = tpu.vector_load_idx %arg5[%convert_element_type3A_669] : memref<280xf32, #tpu.memory_space<vmem>>[vector<16xi32>], vector<16xf32>,
    %min3A_671 = arith.minimumf %gather3A_642, %gather3A_646 : vector<16xf32>
    %min3A_672 = arith.minimumf %gather3A_650, %gather3A_654 : vector<16xf32>
    %min3A_673 = arith.minimumf %gather3A_658, %gather3A_662 : vector<16xf32>
    %min3A_674 = arith.minimumf %gather3A_666, %gather3A_670 : vector<16xf32>
    %min3A_675 = arith.minimumf %min3A_671, %min3A_672 : vector<16xf32>
    %min3A_676 = arith.minimumf %min3A_673, %min3A_674 : vector<16xf32>
    %min3A_677 = arith.minimumf %min3A_675, %min3A_676 : vector<16xf32>
    %sub3A_678 = arith.subf %min3A_677, %max3A_638 : vector<16xf32>
    %mul3A_679 = arith.mulf %div3A_619, %sub3A_678 : vector<16xf32>
    %add3A_680 = arith.addf %max3A_638, %mul3A_679 : vector<16xf32>
    tpu.vector_store_idx %arg5[%convert_element_type3A_605], %add3A_680 : memref<280xf32, #tpu.memory_space<vmem>>[vector<16xi32>], vector<16xf32>,
    %get3A_681 = arith.constant 1680 : index
    %get3A_682 = tpu.vector_load %arg4[%get3A_681] {strides = array<i32>} : memref<2944xf32, #tpu.memory_space<vmem>>, vector<16xf32>,
    %convert_element_type3A_683 = arith.fptosi %get3A_682 : vector<16xf32> to vector<16xi32>
    %min3A_684 = arith.constant 255 : i32
    %min3A_685 = vector.broadcast %min3A_684 : i32 to vector<16xi32>
    %min3A_686 = arith.minsi %convert_element_type3A_683, %min3A_685 : vector<16xi32>
    %gather3A_687 = tpu.vector_load_idx %arg6[%min3A_686] : memref<256xf32, #tpu.memory_space<vmem>>[vector<16xi32>], vector<16xf32>,
    %neg3A_688 = arith.constant 0.000000e+00 : f32
    %neg3A_689 = vector.broadcast %neg3A_688 : f32 to vector<16xf32>
    %neg3A_690 = arith.subf %neg3A_689, %gather3A_687 : vector<16xf32>
    %exp3A_691 = math.exp %neg3A_690 : vector<16xf32>
    %add3A_692 = arith.constant 1.000000e+00 : f32
    %add3A_693 = vector.broadcast %add3A_692 : f32 to vector<16xf32>
    %add3A_694 = arith.addf %add3A_693, %exp3A_691 : vector<16xf32>
    %div3A_695 = arith.constant 1.000000e+00 : f32
    %div3A_696 = vector.broadcast %div3A_695 : f32 to vector<16xf32>
    %div3A_697 = arith.divf %div3A_696, %add3A_694 : vector<16xf32>
    %get3A_698 = arith.constant 1696 : index
    %get3A_699 = tpu.vector_load %arg4[%get3A_698] {strides = array<i32>} : memref<2944xf32, #tpu.memory_space<vmem>>, vector<16xf32>,
    %convert_element_type3A_700 = arith.fptosi %get3A_699 : vector<16xf32> to vector<16xi32>
    %gather3A_701 = tpu.vector_load_idx %arg5[%convert_element_type3A_700] : memref<280xf32, #tpu.memory_space<vmem>>[vector<16xi32>], vector<16xf32>,
    %get3A_702 = arith.constant 1712 : index
    %get3A_703 = tpu.vector_load %arg4[%get3A_702] {strides = array<i32>} : memref<2944xf32, #tpu.memory_space<vmem>>, vector<16xf32>,
    %convert_element_type3A_704 = arith.fptosi %get3A_703 : vector<16xf32> to vector<16xi32>
    %gather3A_705 = tpu.vector_load_idx %arg5[%convert_element_type3A_704] : memref<280xf32, #tpu.memory_space<vmem>>[vector<16xi32>], vector<16xf32>,
    %get3A_706 = arith.constant 1728 : index
    %get3A_707 = tpu.vector_load %arg4[%get3A_706] {strides = array<i32>} : memref<2944xf32, #tpu.memory_space<vmem>>, vector<16xf32>,
    %convert_element_type3A_708 = arith.fptosi %get3A_707 : vector<16xf32> to vector<16xi32>
    %gather3A_709 = tpu.vector_load_idx %arg5[%convert_element_type3A_708] : memref<280xf32, #tpu.memory_space<vmem>>[vector<16xi32>], vector<16xf32>,
    %max3A_710 = arith.maximumf %gather3A_701, %gather3A_705 : vector<16xf32>
    %max3A_711 = arith.maximumf %max3A_710, %gather3A_709 : vector<16xf32>
    %get3A_712 = arith.constant 1744 : index
    %get3A_713 = tpu.vector_load %arg4[%get3A_712] {strides = array<i32>} : memref<2944xf32, #tpu.memory_space<vmem>>, vector<16xf32>,
    %convert_element_type3A_714 = arith.fptosi %get3A_713 : vector<16xf32> to vector<16xi32>
    %gather3A_715 = tpu.vector_load_idx %arg5[%convert_element_type3A_714] : memref<280xf32, #tpu.memory_space<vmem>>[vector<16xi32>], vector<16xf32>,
    %get3A_716 = arith.constant 1760 : index
    %get3A_717 = tpu.vector_load %arg4[%get3A_716] {strides = array<i32>} : memref<2944xf32, #tpu.memory_space<vmem>>, vector<16xf32>,
    %convert_element_type3A_718 = arith.fptosi %get3A_717 : vector<16xf32> to vector<16xi32>
    %gather3A_719 = tpu.vector_load_idx %arg5[%convert_element_type3A_718] : memref<280xf32, #tpu.memory_space<vmem>>[vector<16xi32>], vector<16xf32>,
    %get3A_720 = arith.constant 1776 : index
    %get3A_721 = tpu.vector_load %arg4[%get3A_720] {strides = array<i32>} : memref<2944xf32, #tpu.memory_space<vmem>>, vector<16xf32>,
    %convert_element_type3A_722 = arith.fptosi %get3A_721 : vector<16xf32> to vector<16xi32>
    %gather3A_723 = tpu.vector_load_idx %arg5[%convert_element_type3A_722] : memref<280xf32, #tpu.memory_space<vmem>>[vector<16xi32>], vector<16xf32>,
    %get3A_724 = arith.constant 1792 : index
    %get3A_725 = tpu.vector_load %arg4[%get3A_724] {strides = array<i32>} : memref<2944xf32, #tpu.memory_space<vmem>>, vector<16xf32>,
    %convert_element_type3A_726 = arith.fptosi %get3A_725 : vector<16xf32> to vector<16xi32>
    %gather3A_727 = tpu.vector_load_idx %arg5[%convert_element_type3A_726] : memref<280xf32, #tpu.memory_space<vmem>>[vector<16xi32>], vector<16xf32>,
    %get3A_728 = arith.constant 1808 : index
    %get3A_729 = tpu.vector_load %arg4[%get3A_728] {strides = array<i32>} : memref<2944xf32, #tpu.memory_space<vmem>>, vector<16xf32>,
    %convert_element_type3A_730 = arith.fptosi %get3A_729 : vector<16xf32> to vector<16xi32>
    %gather3A_731 = tpu.vector_load_idx %arg5[%convert_element_type3A_730] : memref<280xf32, #tpu.memory_space<vmem>>[vector<16xi32>], vector<16xf32>,
    %get3A_732 = arith.constant 1824 : index
    %get3A_733 = tpu.vector_load %arg4[%get3A_732] {strides = array<i32>} : memref<2944xf32, #tpu.memory_space<vmem>>, vector<16xf32>,
    %convert_element_type3A_734 = arith.fptosi %get3A_733 : vector<16xf32> to vector<16xi32>
    %gather3A_735 = tpu.vector_load_idx %arg5[%convert_element_type3A_734] : memref<280xf32, #tpu.memory_space<vmem>>[vector<16xi32>], vector<16xf32>,
    %min3A_736 = arith.minimumf %gather3A_715, %gather3A_719 : vector<16xf32>
    %min3A_737 = arith.minimumf %gather3A_723, %gather3A_727 : vector<16xf32>
    %min3A_738 = arith.minimumf %gather3A_731, %gather3A_735 : vector<16xf32>
    %min3A_739 = arith.minimumf %min3A_736, %min3A_737 : vector<16xf32>
    %min3A_740 = arith.minimumf %min3A_739, %min3A_738 : vector<16xf32>
    %sub3A_741 = arith.subf %min3A_740, %max3A_711 : vector<16xf32>
    %mul3A_742 = arith.mulf %div3A_697, %sub3A_741 : vector<16xf32>
    %add3A_743 = arith.addf %max3A_711, %mul3A_742 : vector<16xf32>
    tpu.vector_store_idx %arg5[%convert_element_type3A_683], %add3A_743 : memref<280xf32, #tpu.memory_space<vmem>>[vector<16xi32>], vector<16xf32>,
    %get3A_744 = arith.constant 1840 : index
    %get3A_745 = tpu.vector_load %arg4[%get3A_744] {strides = array<i32>} : memref<2944xf32, #tpu.memory_space<vmem>>, vector<16xf32>,
    %convert_element_type3A_746 = arith.fptosi %get3A_745 : vector<16xf32> to vector<16xi32>
    %min3A_747 = arith.constant 255 : i32
    %min3A_748 = vector.broadcast %min3A_747 : i32 to vector<16xi32>
    %min3A_749 = arith.minsi %convert_element_type3A_746, %min3A_748 : vector<16xi32>
    %gather3A_750 = tpu.vector_load_idx %arg6[%min3A_749] : memref<256xf32, #tpu.memory_space<vmem>>[vector<16xi32>], vector<16xf32>,
    %neg3A_751 = arith.constant 0.000000e+00 : f32
    %neg3A_752 = vector.broadcast %neg3A_751 : f32 to vector<16xf32>
    %neg3A_753 = arith.subf %neg3A_752, %gather3A_750 : vector<16xf32>
    %exp3A_754 = math.exp %neg3A_753 : vector<16xf32>
    %add3A_755 = arith.constant 1.000000e+00 : f32
    %add3A_756 = vector.broadcast %add3A_755 : f32 to vector<16xf32>
    %add3A_757 = arith.addf %add3A_756, %exp3A_754 : vector<16xf32>
    %div3A_758 = arith.constant 1.000000e+00 : f32
    %div3A_759 = vector.broadcast %div3A_758 : f32 to vector<16xf32>
    %div3A_760 = arith.divf %div3A_759, %add3A_757 : vector<16xf32>
    %get3A_761 = arith.constant 1856 : index
    %get3A_762 = tpu.vector_load %arg4[%get3A_761] {strides = array<i32>} : memref<2944xf32, #tpu.memory_space<vmem>>, vector<16xf32>,
    %convert_element_type3A_763 = arith.fptosi %get3A_762 : vector<16xf32> to vector<16xi32>
    %gather3A_764 = tpu.vector_load_idx %arg5[%convert_element_type3A_763] : memref<280xf32, #tpu.memory_space<vmem>>[vector<16xi32>], vector<16xf32>,
    %get3A_765 = arith.constant 1872 : index
    %get3A_766 = tpu.vector_load %arg4[%get3A_765] {strides = array<i32>} : memref<2944xf32, #tpu.memory_space<vmem>>, vector<16xf32>,
    %convert_element_type3A_767 = arith.fptosi %get3A_766 : vector<16xf32> to vector<16xi32>
    %gather3A_768 = tpu.vector_load_idx %arg5[%convert_element_type3A_767] : memref<280xf32, #tpu.memory_space<vmem>>[vector<16xi32>], vector<16xf32>,
    %max3A_769 = arith.maximumf %gather3A_764, %gather3A_768 : vector<16xf32>
    %get3A_770 = arith.constant 1888 : index
    %get3A_771 = tpu.vector_load %arg4[%get3A_770] {strides = array<i32>} : memref<2944xf32, #tpu.memory_space<vmem>>, vector<16xf32>,
    %convert_element_type3A_772 = arith.fptosi %get3A_771 : vector<16xf32> to vector<16xi32>
    %gather3A_773 = tpu.vector_load_idx %arg5[%convert_element_type3A_772] : memref<280xf32, #tpu.memory_space<vmem>>[vector<16xi32>], vector<16xf32>,
    %get3A_774 = arith.constant 1904 : index
    %get3A_775 = tpu.vector_load %arg4[%get3A_774] {strides = array<i32>} : memref<2944xf32, #tpu.memory_space<vmem>>, vector<16xf32>,
    %convert_element_type3A_776 = arith.fptosi %get3A_775 : vector<16xf32> to vector<16xi32>
    %gather3A_777 = tpu.vector_load_idx %arg5[%convert_element_type3A_776] : memref<280xf32, #tpu.memory_space<vmem>>[vector<16xi32>], vector<16xf32>,
    %get3A_778 = arith.constant 1920 : index
    %get3A_779 = tpu.vector_load %arg4[%get3A_778] {strides = array<i32>} : memref<2944xf32, #tpu.memory_space<vmem>>, vector<16xf32>,
    %convert_element_type3A_780 = arith.fptosi %get3A_779 : vector<16xf32> to vector<16xi32>
    %gather3A_781 = tpu.vector_load_idx %arg5[%convert_element_type3A_780] : memref<280xf32, #tpu.memory_space<vmem>>[vector<16xi32>], vector<16xf32>,
    %get3A_782 = arith.constant 1936 : index
    %get3A_783 = tpu.vector_load %arg4[%get3A_782] {strides = array<i32>} : memref<2944xf32, #tpu.memory_space<vmem>>, vector<16xf32>,
    %convert_element_type3A_784 = arith.fptosi %get3A_783 : vector<16xf32> to vector<16xi32>
    %gather3A_785 = tpu.vector_load_idx %arg5[%convert_element_type3A_784] : memref<280xf32, #tpu.memory_space<vmem>>[vector<16xi32>], vector<16xf32>,
    %get3A_786 = arith.constant 1952 : index
    %get3A_787 = tpu.vector_load %arg4[%get3A_786] {strides = array<i32>} : memref<2944xf32, #tpu.memory_space<vmem>>, vector<16xf32>,
    %convert_element_type3A_788 = arith.fptosi %get3A_787 : vector<16xf32> to vector<16xi32>
    %gather3A_789 = tpu.vector_load_idx %arg5[%convert_element_type3A_788] : memref<280xf32, #tpu.memory_space<vmem>>[vector<16xi32>], vector<16xf32>,
    %get3A_790 = arith.constant 1968 : index
    %get3A_791 = tpu.vector_load %arg4[%get3A_790] {strides = array<i32>} : memref<2944xf32, #tpu.memory_space<vmem>>, vector<16xf32>,
    %convert_element_type3A_792 = arith.fptosi %get3A_791 : vector<16xf32> to vector<16xi32>
    %gather3A_793 = tpu.vector_load_idx %arg5[%convert_element_type3A_792] : memref<280xf32, #tpu.memory_space<vmem>>[vector<16xi32>], vector<16xf32>,
    %get3A_794 = arith.constant 1984 : index
    %get3A_795 = tpu.vector_load %arg4[%get3A_794] {strides = array<i32>} : memref<2944xf32, #tpu.memory_space<vmem>>, vector<16xf32>,
    %convert_element_type3A_796 = arith.fptosi %get3A_795 : vector<16xf32> to vector<16xi32>
    %gather3A_797 = tpu.vector_load_idx %arg5[%convert_element_type3A_796] : memref<280xf32, #tpu.memory_space<vmem>>[vector<16xi32>], vector<16xf32>,
    %get3A_798 = arith.constant 2000 : index
    %get3A_799 = tpu.vector_load %arg4[%get3A_798] {strides = array<i32>} : memref<2944xf32, #tpu.memory_space<vmem>>, vector<16xf32>,
    %convert_element_type3A_800 = arith.fptosi %get3A_799 : vector<16xf32> to vector<16xi32>
    %gather3A_801 = tpu.vector_load_idx %arg5[%convert_element_type3A_800] : memref<280xf32, #tpu.memory_space<vmem>>[vector<16xi32>], vector<16xf32>,
    %get3A_802 = arith.constant 2016 : index
    %get3A_803 = tpu.vector_load %arg4[%get3A_802] {strides = array<i32>} : memref<2944xf32, #tpu.memory_space<vmem>>, vector<16xf32>,
    %convert_element_type3A_804 = arith.fptosi %get3A_803 : vector<16xf32> to vector<16xi32>
    %gather3A_805 = tpu.vector_load_idx %arg5[%convert_element_type3A_804] : memref<280xf32, #tpu.memory_space<vmem>>[vector<16xi32>], vector<16xf32>,
    %get3A_806 = arith.constant 2032 : index
    %get3A_807 = tpu.vector_load %arg4[%get3A_806] {strides = array<i32>} : memref<2944xf32, #tpu.memory_space<vmem>>, vector<16xf32>,
    %convert_element_type3A_808 = arith.fptosi %get3A_807 : vector<16xf32> to vector<16xi32>
    %gather3A_809 = tpu.vector_load_idx %arg5[%convert_element_type3A_808] : memref<280xf32, #tpu.memory_space<vmem>>[vector<16xi32>], vector<16xf32>,
    %min3A_810 = arith.minimumf %gather3A_773, %gather3A_777 : vector<16xf32>
    %min3A_811 = arith.minimumf %gather3A_781, %gather3A_785 : vector<16xf32>
    %min3A_812 = arith.minimumf %gather3A_789, %gather3A_793 : vector<16xf32>
    %min3A_813 = arith.minimumf %gather3A_797, %gather3A_801 : vector<16xf32>
    %min3A_814 = arith.minimumf %gather3A_805, %gather3A_809 : vector<16xf32>
    %min3A_815 = arith.minimumf %min3A_810, %min3A_811 : vector<16xf32>
    %min3A_816 = arith.minimumf %min3A_812, %min3A_813 : vector<16xf32>
    %min3A_817 = arith.minimumf %min3A_815, %min3A_816 : vector<16xf32>
    %min3A_818 = arith.minimumf %min3A_817, %min3A_814 : vector<16xf32>
    %sub3A_819 = arith.subf %min3A_818, %max3A_769 : vector<16xf32>
    %mul3A_820 = arith.mulf %div3A_760, %sub3A_819 : vector<16xf32>
    %add3A_821 = arith.addf %max3A_769, %mul3A_820 : vector<16xf32>
    tpu.vector_store_idx %arg5[%convert_element_type3A_746], %add3A_821 : memref<280xf32, #tpu.memory_space<vmem>>[vector<16xi32>], vector<16xf32>,
    %get3A_822 = arith.constant 2048 : index
    %get3A_823 = tpu.vector_load %arg4[%get3A_822] {strides = array<i32>} : memref<2944xf32, #tpu.memory_space<vmem>>, vector<16xf32>,
    %convert_element_type3A_824 = arith.fptosi %get3A_823 : vector<16xf32> to vector<16xi32>
    %min3A_825 = arith.constant 255 : i32
    %min3A_826 = vector.broadcast %min3A_825 : i32 to vector<16xi32>
    %min3A_827 = arith.minsi %convert_element_type3A_824, %min3A_826 : vector<16xi32>
    %gather3A_828 = tpu.vector_load_idx %arg6[%min3A_827] : memref<256xf32, #tpu.memory_space<vmem>>[vector<16xi32>], vector<16xf32>,
    %neg3A_829 = arith.constant 0.000000e+00 : f32
    %neg3A_830 = vector.broadcast %neg3A_829 : f32 to vector<16xf32>
    %neg3A_831 = arith.subf %neg3A_830, %gather3A_828 : vector<16xf32>
    %exp3A_832 = math.exp %neg3A_831 : vector<16xf32>
    %add3A_833 = arith.constant 1.000000e+00 : f32
    %add3A_834 = vector.broadcast %add3A_833 : f32 to vector<16xf32>
    %add3A_835 = arith.addf %add3A_834, %exp3A_832 : vector<16xf32>
    %div3A_836 = arith.constant 1.000000e+00 : f32
    %div3A_837 = vector.broadcast %div3A_836 : f32 to vector<16xf32>
    %div3A_838 = arith.divf %div3A_837, %add3A_835 : vector<16xf32>
    %get3A_839 = arith.constant 2064 : index
    %get3A_840 = tpu.vector_load %arg4[%get3A_839] {strides = array<i32>} : memref<2944xf32, #tpu.memory_space<vmem>>, vector<16xf32>,
    %convert_element_type3A_841 = arith.fptosi %get3A_840 : vector<16xf32> to vector<16xi32>
    %gather3A_842 = tpu.vector_load_idx %arg5[%convert_element_type3A_841] : memref<280xf32, #tpu.memory_space<vmem>>[vector<16xi32>], vector<16xf32>,
    %get3A_843 = arith.constant 2080 : index
    %get3A_844 = tpu.vector_load %arg4[%get3A_843] {strides = array<i32>} : memref<2944xf32, #tpu.memory_space<vmem>>, vector<16xf32>,
    %convert_element_type3A_845 = arith.fptosi %get3A_844 : vector<16xf32> to vector<16xi32>
    %gather3A_846 = tpu.vector_load_idx %arg5[%convert_element_type3A_845] : memref<280xf32, #tpu.memory_space<vmem>>[vector<16xi32>], vector<16xf32>,
    %get3A_847 = arith.constant 2096 : index
    %get3A_848 = tpu.vector_load %arg4[%get3A_847] {strides = array<i32>} : memref<2944xf32, #tpu.memory_space<vmem>>, vector<16xf32>,
    %convert_element_type3A_849 = arith.fptosi %get3A_848 : vector<16xf32> to vector<16xi32>
    %gather3A_850 = tpu.vector_load_idx %arg5[%convert_element_type3A_849] : memref<280xf32, #tpu.memory_space<vmem>>[vector<16xi32>], vector<16xf32>,
    %get3A_851 = arith.constant 2112 : index
    %get3A_852 = tpu.vector_load %arg4[%get3A_851] {strides = array<i32>} : memref<2944xf32, #tpu.memory_space<vmem>>, vector<16xf32>,
    %convert_element_type3A_853 = arith.fptosi %get3A_852 : vector<16xf32> to vector<16xi32>
    %gather3A_854 = tpu.vector_load_idx %arg5[%convert_element_type3A_853] : memref<280xf32, #tpu.memory_space<vmem>>[vector<16xi32>], vector<16xf32>,
    %max3A_855 = arith.maximumf %gather3A_842, %gather3A_846 : vector<16xf32>
    %max3A_856 = arith.maximumf %gather3A_850, %gather3A_854 : vector<16xf32>
    %max3A_857 = arith.maximumf %max3A_855, %max3A_856 : vector<16xf32>
    %get3A_858 = arith.constant 2128 : index
    %get3A_859 = tpu.vector_load %arg4[%get3A_858] {strides = array<i32>} : memref<2944xf32, #tpu.memory_space<vmem>>, vector<16xf32>,
    %convert_element_type3A_860 = arith.fptosi %get3A_859 : vector<16xf32> to vector<16xi32>
    %gather3A_861 = tpu.vector_load_idx %arg5[%convert_element_type3A_860] : memref<280xf32, #tpu.memory_space<vmem>>[vector<16xi32>], vector<16xf32>,
    %get3A_862 = arith.constant 2144 : index
    %get3A_863 = tpu.vector_load %arg4[%get3A_862] {strides = array<i32>} : memref<2944xf32, #tpu.memory_space<vmem>>, vector<16xf32>,
    %convert_element_type3A_864 = arith.fptosi %get3A_863 : vector<16xf32> to vector<16xi32>
    %gather3A_865 = tpu.vector_load_idx %arg5[%convert_element_type3A_864] : memref<280xf32, #tpu.memory_space<vmem>>[vector<16xi32>], vector<16xf32>,
    %get3A_866 = arith.constant 2160 : index
    %get3A_867 = tpu.vector_load %arg4[%get3A_866] {strides = array<i32>} : memref<2944xf32, #tpu.memory_space<vmem>>, vector<16xf32>,
    %convert_element_type3A_868 = arith.fptosi %get3A_867 : vector<16xf32> to vector<16xi32>
    %gather3A_869 = tpu.vector_load_idx %arg5[%convert_element_type3A_868] : memref<280xf32, #tpu.memory_space<vmem>>[vector<16xi32>], vector<16xf32>,
    %get3A_870 = arith.constant 2176 : index
    %get3A_871 = tpu.vector_load %arg4[%get3A_870] {strides = array<i32>} : memref<2944xf32, #tpu.memory_space<vmem>>, vector<16xf32>,
    %convert_element_type3A_872 = arith.fptosi %get3A_871 : vector<16xf32> to vector<16xi32>
    %gather3A_873 = tpu.vector_load_idx %arg5[%convert_element_type3A_872] : memref<280xf32, #tpu.memory_space<vmem>>[vector<16xi32>], vector<16xf32>,
    %min3A_874 = arith.minimumf %gather3A_861, %gather3A_865 : vector<16xf32>
    %min3A_875 = arith.minimumf %gather3A_869, %gather3A_873 : vector<16xf32>
    %min3A_876 = arith.minimumf %min3A_874, %min3A_875 : vector<16xf32>
    %sub3A_877 = arith.subf %min3A_876, %max3A_857 : vector<16xf32>
    %mul3A_878 = arith.mulf %div3A_838, %sub3A_877 : vector<16xf32>
    %add3A_879 = arith.addf %max3A_857, %mul3A_878 : vector<16xf32>
    tpu.vector_store_idx %arg5[%convert_element_type3A_824], %add3A_879 : memref<280xf32, #tpu.memory_space<vmem>>[vector<16xi32>], vector<16xf32>,
    %get3A_880 = arith.constant 2192 : index
    %get3A_881 = tpu.vector_load %arg4[%get3A_880] {strides = array<i32>} : memref<2944xf32, #tpu.memory_space<vmem>>, vector<16xf32>,
    %convert_element_type3A_882 = arith.fptosi %get3A_881 : vector<16xf32> to vector<16xi32>
    %min3A_883 = arith.constant 255 : i32
    %min3A_884 = vector.broadcast %min3A_883 : i32 to vector<16xi32>
    %min3A_885 = arith.minsi %convert_element_type3A_882, %min3A_884 : vector<16xi32>
    %gather3A_886 = tpu.vector_load_idx %arg6[%min3A_885] : memref<256xf32, #tpu.memory_space<vmem>>[vector<16xi32>], vector<16xf32>,
    %neg3A_887 = arith.constant 0.000000e+00 : f32
    %neg3A_888 = vector.broadcast %neg3A_887 : f32 to vector<16xf32>
    %neg3A_889 = arith.subf %neg3A_888, %gather3A_886 : vector<16xf32>
    %exp3A_890 = math.exp %neg3A_889 : vector<16xf32>
    %add3A_891 = arith.constant 1.000000e+00 : f32
    %add3A_892 = vector.broadcast %add3A_891 : f32 to vector<16xf32>
    %add3A_893 = arith.addf %add3A_892, %exp3A_890 : vector<16xf32>
    %div3A_894 = arith.constant 1.000000e+00 : f32
    %div3A_895 = vector.broadcast %div3A_894 : f32 to vector<16xf32>
    %div3A_896 = arith.divf %div3A_895, %add3A_893 : vector<16xf32>
    %get3A_897 = arith.constant 2208 : index
    %get3A_898 = tpu.vector_load %arg4[%get3A_897] {strides = array<i32>} : memref<2944xf32, #tpu.memory_space<vmem>>, vector<16xf32>,
    %convert_element_type3A_899 = arith.fptosi %get3A_898 : vector<16xf32> to vector<16xi32>
    %gather3A_900 = tpu.vector_load_idx %arg5[%convert_element_type3A_899] : memref<280xf32, #tpu.memory_space<vmem>>[vector<16xi32>], vector<16xf32>,
    %get3A_901 = arith.constant 2224 : index
    %get3A_902 = tpu.vector_load %arg4[%get3A_901] {strides = array<i32>} : memref<2944xf32, #tpu.memory_space<vmem>>, vector<16xf32>,
    %convert_element_type3A_903 = arith.fptosi %get3A_902 : vector<16xf32> to vector<16xi32>
    %gather3A_904 = tpu.vector_load_idx %arg5[%convert_element_type3A_903] : memref<280xf32, #tpu.memory_space<vmem>>[vector<16xi32>], vector<16xf32>,
    %get3A_905 = arith.constant 2240 : index
    %get3A_906 = tpu.vector_load %arg4[%get3A_905] {strides = array<i32>} : memref<2944xf32, #tpu.memory_space<vmem>>, vector<16xf32>,
    %convert_element_type3A_907 = arith.fptosi %get3A_906 : vector<16xf32> to vector<16xi32>
    %gather3A_908 = tpu.vector_load_idx %arg5[%convert_element_type3A_907] : memref<280xf32, #tpu.memory_space<vmem>>[vector<16xi32>], vector<16xf32>,
    %get3A_909 = arith.constant 2256 : index
    %get3A_910 = tpu.vector_load %arg4[%get3A_909] {strides = array<i32>} : memref<2944xf32, #tpu.memory_space<vmem>>, vector<16xf32>,
    %convert_element_type3A_911 = arith.fptosi %get3A_910 : vector<16xf32> to vector<16xi32>
    %gather3A_912 = tpu.vector_load_idx %arg5[%convert_element_type3A_911] : memref<280xf32, #tpu.memory_space<vmem>>[vector<16xi32>], vector<16xf32>,
    %max3A_913 = arith.maximumf %gather3A_900, %gather3A_904 : vector<16xf32>
    %max3A_914 = arith.maximumf %gather3A_908, %gather3A_912 : vector<16xf32>
    %max3A_915 = arith.maximumf %max3A_913, %max3A_914 : vector<16xf32>
    %get3A_916 = arith.constant 2272 : index
    %get3A_917 = tpu.vector_load %arg4[%get3A_916] {strides = array<i32>} : memref<2944xf32, #tpu.memory_space<vmem>>, vector<16xf32>,
    %convert_element_type3A_918 = arith.fptosi %get3A_917 : vector<16xf32> to vector<16xi32>
    %gather3A_919 = tpu.vector_load_idx %arg5[%convert_element_type3A_918] : memref<280xf32, #tpu.memory_space<vmem>>[vector<16xi32>], vector<16xf32>,
    %get3A_920 = arith.constant 2288 : index
    %get3A_921 = tpu.vector_load %arg4[%get3A_920] {strides = array<i32>} : memref<2944xf32, #tpu.memory_space<vmem>>, vector<16xf32>,
    %convert_element_type3A_922 = arith.fptosi %get3A_921 : vector<16xf32> to vector<16xi32>
    %gather3A_923 = tpu.vector_load_idx %arg5[%convert_element_type3A_922] : memref<280xf32, #tpu.memory_space<vmem>>[vector<16xi32>], vector<16xf32>,
    %get3A_924 = arith.constant 2304 : index
    %get3A_925 = tpu.vector_load %arg4[%get3A_924] {strides = array<i32>} : memref<2944xf32, #tpu.memory_space<vmem>>, vector<16xf32>,
    %convert_element_type3A_926 = arith.fptosi %get3A_925 : vector<16xf32> to vector<16xi32>
    %gather3A_927 = tpu.vector_load_idx %arg5[%convert_element_type3A_926] : memref<280xf32, #tpu.memory_space<vmem>>[vector<16xi32>], vector<16xf32>,
    %min3A_928 = arith.minimumf %gather3A_919, %gather3A_923 : vector<16xf32>
    %min3A_929 = arith.minimumf %min3A_928, %gather3A_927 : vector<16xf32>
    %sub3A_930 = arith.subf %min3A_929, %max3A_915 : vector<16xf32>
    %mul3A_931 = arith.mulf %div3A_896, %sub3A_930 : vector<16xf32>
    %add3A_932 = arith.addf %max3A_915, %mul3A_931 : vector<16xf32>
    tpu.vector_store_idx %arg5[%convert_element_type3A_882], %add3A_932 : memref<280xf32, #tpu.memory_space<vmem>>[vector<16xi32>], vector<16xf32>,
    %get3A_933 = arith.constant 2320 : index
    %get3A_934 = tpu.vector_load %arg4[%get3A_933] {strides = array<i32>} : memref<2944xf32, #tpu.memory_space<vmem>>, vector<16xf32>,
    %convert_element_type3A_935 = arith.fptosi %get3A_934 : vector<16xf32> to vector<16xi32>
    %min3A_936 = arith.constant 255 : i32
    %min3A_937 = vector.broadcast %min3A_936 : i32 to vector<16xi32>
    %min3A_938 = arith.minsi %convert_element_type3A_935, %min3A_937 : vector<16xi32>
    %gather3A_939 = tpu.vector_load_idx %arg6[%min3A_938] : memref<256xf32, #tpu.memory_space<vmem>>[vector<16xi32>], vector<16xf32>,
    %neg3A_940 = arith.constant 0.000000e+00 : f32
    %neg3A_941 = vector.broadcast %neg3A_940 : f32 to vector<16xf32>
    %neg3A_942 = arith.subf %neg3A_941, %gather3A_939 : vector<16xf32>
    %exp3A_943 = math.exp %neg3A_942 : vector<16xf32>
    %add3A_944 = arith.constant 1.000000e+00 : f32
    %add3A_945 = vector.broadcast %add3A_944 : f32 to vector<16xf32>
    %add3A_946 = arith.addf %add3A_945, %exp3A_943 : vector<16xf32>
    %div3A_947 = arith.constant 1.000000e+00 : f32
    %div3A_948 = vector.broadcast %div3A_947 : f32 to vector<16xf32>
    %div3A_949 = arith.divf %div3A_948, %add3A_946 : vector<16xf32>
    %get3A_950 = arith.constant 2336 : index
    %get3A_951 = tpu.vector_load %arg4[%get3A_950] {strides = array<i32>} : memref<2944xf32, #tpu.memory_space<vmem>>, vector<16xf32>,
    %convert_element_type3A_952 = arith.fptosi %get3A_951 : vector<16xf32> to vector<16xi32>
    %gather3A_953 = tpu.vector_load_idx %arg5[%convert_element_type3A_952] : memref<280xf32, #tpu.memory_space<vmem>>[vector<16xi32>], vector<16xf32>,
    %get3A_954 = arith.constant 2352 : index
    %get3A_955 = tpu.vector_load %arg4[%get3A_954] {strides = array<i32>} : memref<2944xf32, #tpu.memory_space<vmem>>, vector<16xf32>,
    %convert_element_type3A_956 = arith.fptosi %get3A_955 : vector<16xf32> to vector<16xi32>
    %gather3A_957 = tpu.vector_load_idx %arg5[%convert_element_type3A_956] : memref<280xf32, #tpu.memory_space<vmem>>[vector<16xi32>], vector<16xf32>,
    %get3A_958 = arith.constant 2368 : index
    %get3A_959 = tpu.vector_load %arg4[%get3A_958] {strides = array<i32>} : memref<2944xf32, #tpu.memory_space<vmem>>, vector<16xf32>,
    %convert_element_type3A_960 = arith.fptosi %get3A_959 : vector<16xf32> to vector<16xi32>
    %gather3A_961 = tpu.vector_load_idx %arg5[%convert_element_type3A_960] : memref<280xf32, #tpu.memory_space<vmem>>[vector<16xi32>], vector<16xf32>,
    %get3A_962 = arith.constant 2384 : index
    %get3A_963 = tpu.vector_load %arg4[%get3A_962] {strides = array<i32>} : memref<2944xf32, #tpu.memory_space<vmem>>, vector<16xf32>,
    %convert_element_type3A_964 = arith.fptosi %get3A_963 : vector<16xf32> to vector<16xi32>
    %gather3A_965 = tpu.vector_load_idx %arg5[%convert_element_type3A_964] : memref<280xf32, #tpu.memory_space<vmem>>[vector<16xi32>], vector<16xf32>,
    %max3A_966 = arith.maximumf %gather3A_953, %gather3A_957 : vector<16xf32>
    %max3A_967 = arith.maximumf %gather3A_961, %gather3A_965 : vector<16xf32>
    %max3A_968 = arith.maximumf %max3A_966, %max3A_967 : vector<16xf32>
    %get3A_969 = arith.constant 2400 : index
    %get3A_970 = tpu.vector_load %arg4[%get3A_969] {strides = array<i32>} : memref<2944xf32, #tpu.memory_space<vmem>>, vector<16xf32>,
    %convert_element_type3A_971 = arith.fptosi %get3A_970 : vector<16xf32> to vector<16xi32>
    %gather3A_972 = tpu.vector_load_idx %arg5[%convert_element_type3A_971] : memref<280xf32, #tpu.memory_space<vmem>>[vector<16xi32>], vector<16xf32>,
    %get3A_973 = arith.constant 2416 : index
    %get3A_974 = tpu.vector_load %arg4[%get3A_973] {strides = array<i32>} : memref<2944xf32, #tpu.memory_space<vmem>>, vector<16xf32>,
    %convert_element_type3A_975 = arith.fptosi %get3A_974 : vector<16xf32> to vector<16xi32>
    %gather3A_976 = tpu.vector_load_idx %arg5[%convert_element_type3A_975] : memref<280xf32, #tpu.memory_space<vmem>>[vector<16xi32>], vector<16xf32>,
    %get3A_977 = arith.constant 2432 : index
    %get3A_978 = tpu.vector_load %arg4[%get3A_977] {strides = array<i32>} : memref<2944xf32, #tpu.memory_space<vmem>>, vector<16xf32>,
    %convert_element_type3A_979 = arith.fptosi %get3A_978 : vector<16xf32> to vector<16xi32>
    %gather3A_980 = tpu.vector_load_idx %arg5[%convert_element_type3A_979] : memref<280xf32, #tpu.memory_space<vmem>>[vector<16xi32>], vector<16xf32>,
    %get3A_981 = arith.constant 2448 : index
    %get3A_982 = tpu.vector_load %arg4[%get3A_981] {strides = array<i32>} : memref<2944xf32, #tpu.memory_space<vmem>>, vector<16xf32>,
    %convert_element_type3A_983 = arith.fptosi %get3A_982 : vector<16xf32> to vector<16xi32>
    %gather3A_984 = tpu.vector_load_idx %arg5[%convert_element_type3A_983] : memref<280xf32, #tpu.memory_space<vmem>>[vector<16xi32>], vector<16xf32>,
    %min3A_985 = arith.minimumf %gather3A_972, %gather3A_976 : vector<16xf32>
    %min3A_986 = arith.minimumf %gather3A_980, %gather3A_984 : vector<16xf32>
    %min3A_987 = arith.minimumf %min3A_985, %min3A_986 : vector<16xf32>
    %sub3A_988 = arith.subf %min3A_987, %max3A_968 : vector<16xf32>
    %mul3A_989 = arith.mulf %div3A_949, %sub3A_988 : vector<16xf32>
    %add3A_990 = arith.addf %max3A_968, %mul3A_989 : vector<16xf32>
    tpu.vector_store_idx %arg5[%convert_element_type3A_935], %add3A_990 : memref<280xf32, #tpu.memory_space<vmem>>[vector<16xi32>], vector<16xf32>,
    %get3A_991 = arith.constant 2464 : index
    %get3A_992 = tpu.vector_load %arg4[%get3A_991] {strides = array<i32>} : memref<2944xf32, #tpu.memory_space<vmem>>, vector<16xf32>,
    %convert_element_type3A_993 = arith.fptosi %get3A_992 : vector<16xf32> to vector<16xi32>
    %min3A_994 = arith.constant 255 : i32
    %min3A_995 = vector.broadcast %min3A_994 : i32 to vector<16xi32>
    %min3A_996 = arith.minsi %convert_element_type3A_993, %min3A_995 : vector<16xi32>
    %gather3A_997 = tpu.vector_load_idx %arg6[%min3A_996] : memref<256xf32, #tpu.memory_space<vmem>>[vector<16xi32>], vector<16xf32>,
    %neg3A_998 = arith.constant 0.000000e+00 : f32
    %neg3A_999 = vector.broadcast %neg3A_998 : f32 to vector<16xf32>
    %neg3A_1000 = arith.subf %neg3A_999, %gather3A_997 : vector<16xf32>
    %exp3A_1001 = math.exp %neg3A_1000 : vector<16xf32>
    %add3A_1002 = arith.constant 1.000000e+00 : f32
    %add3A_1003 = vector.broadcast %add3A_1002 : f32 to vector<16xf32>
    %add3A_1004 = arith.addf %add3A_1003, %exp3A_1001 : vector<16xf32>
    %div3A_1005 = arith.constant 1.000000e+00 : f32
    %div3A_1006 = vector.broadcast %div3A_1005 : f32 to vector<16xf32>
    %div3A_1007 = arith.divf %div3A_1006, %add3A_1004 : vector<16xf32>
    %get3A_1008 = arith.constant 2480 : index
    %get3A_1009 = tpu.vector_load %arg4[%get3A_1008] {strides = array<i32>} : memref<2944xf32, #tpu.memory_space<vmem>>, vector<16xf32>,
    %convert_element_type3A_1010 = arith.fptosi %get3A_1009 : vector<16xf32> to vector<16xi32>
    %gather3A_1011 = tpu.vector_load_idx %arg5[%convert_element_type3A_1010] : memref<280xf32, #tpu.memory_space<vmem>>[vector<16xi32>], vector<16xf32>,
    %get3A_1012 = arith.constant 2496 : index
    %get3A_1013 = tpu.vector_load %arg4[%get3A_1012] {strides = array<i32>} : memref<2944xf32, #tpu.memory_space<vmem>>, vector<16xf32>,
    %convert_element_type3A_1014 = arith.fptosi %get3A_1013 : vector<16xf32> to vector<16xi32>
    %gather3A_1015 = tpu.vector_load_idx %arg5[%convert_element_type3A_1014] : memref<280xf32, #tpu.memory_space<vmem>>[vector<16xi32>], vector<16xf32>,
    %get3A_1016 = arith.constant 2512 : index
    %get3A_1017 = tpu.vector_load %arg4[%get3A_1016] {strides = array<i32>} : memref<2944xf32, #tpu.memory_space<vmem>>, vector<16xf32>,
    %convert_element_type3A_1018 = arith.fptosi %get3A_1017 : vector<16xf32> to vector<16xi32>
    %gather3A_1019 = tpu.vector_load_idx %arg5[%convert_element_type3A_1018] : memref<280xf32, #tpu.memory_space<vmem>>[vector<16xi32>], vector<16xf32>,
    %max3A_1020 = arith.maximumf %gather3A_1011, %gather3A_1015 : vector<16xf32>
    %max3A_1021 = arith.maximumf %max3A_1020, %gather3A_1019 : vector<16xf32>
    %get3A_1022 = arith.constant 2528 : index
    %get3A_1023 = tpu.vector_load %arg4[%get3A_1022] {strides = array<i32>} : memref<2944xf32, #tpu.memory_space<vmem>>, vector<16xf32>,
    %convert_element_type3A_1024 = arith.fptosi %get3A_1023 : vector<16xf32> to vector<16xi32>
    %gather3A_1025 = tpu.vector_load_idx %arg5[%convert_element_type3A_1024] : memref<280xf32, #tpu.memory_space<vmem>>[vector<16xi32>], vector<16xf32>,
    %get3A_1026 = arith.constant 2544 : index
    %get3A_1027 = tpu.vector_load %arg4[%get3A_1026] {strides = array<i32>} : memref<2944xf32, #tpu.memory_space<vmem>>, vector<16xf32>,
    %convert_element_type3A_1028 = arith.fptosi %get3A_1027 : vector<16xf32> to vector<16xi32>
    %gather3A_1029 = tpu.vector_load_idx %arg5[%convert_element_type3A_1028] : memref<280xf32, #tpu.memory_space<vmem>>[vector<16xi32>], vector<16xf32>,
    %get3A_1030 = arith.constant 2560 : index
    %get3A_1031 = tpu.vector_load %arg4[%get3A_1030] {strides = array<i32>} : memref<2944xf32, #tpu.memory_space<vmem>>, vector<16xf32>,
    %convert_element_type3A_1032 = arith.fptosi %get3A_1031 : vector<16xf32> to vector<16xi32>
    %gather3A_1033 = tpu.vector_load_idx %arg5[%convert_element_type3A_1032] : memref<280xf32, #tpu.memory_space<vmem>>[vector<16xi32>], vector<16xf32>,
    %get3A_1034 = arith.constant 2576 : index
    %get3A_1035 = tpu.vector_load %arg4[%get3A_1034] {strides = array<i32>} : memref<2944xf32, #tpu.memory_space<vmem>>, vector<16xf32>,
    %convert_element_type3A_1036 = arith.fptosi %get3A_1035 : vector<16xf32> to vector<16xi32>
    %gather3A_1037 = tpu.vector_load_idx %arg5[%convert_element_type3A_1036] : memref<280xf32, #tpu.memory_space<vmem>>[vector<16xi32>], vector<16xf32>,
    %min3A_1038 = arith.minimumf %gather3A_1025, %gather3A_1029 : vector<16xf32>
    %min3A_1039 = arith.minimumf %gather3A_1033, %gather3A_1037 : vector<16xf32>
    %min3A_1040 = arith.minimumf %min3A_1038, %min3A_1039 : vector<16xf32>
    %sub3A_1041 = arith.subf %min3A_1040, %max3A_1021 : vector<16xf32>
    %mul3A_1042 = arith.mulf %div3A_1007, %sub3A_1041 : vector<16xf32>
    %add3A_1043 = arith.addf %max3A_1021, %mul3A_1042 : vector<16xf32>
    tpu.vector_store_idx %arg5[%convert_element_type3A_993], %add3A_1043 : memref<280xf32, #tpu.memory_space<vmem>>[vector<16xi32>], vector<16xf32>,
    %get3A_1044 = arith.constant 2592 : index
    %get3A_1045 = tpu.vector_load %arg4[%get3A_1044] {strides = array<i32>} : memref<2944xf32, #tpu.memory_space<vmem>>, vector<16xf32>,
    %convert_element_type3A_1046 = arith.fptosi %get3A_1045 : vector<16xf32> to vector<16xi32>
    %min3A_1047 = arith.constant 255 : i32
    %min3A_1048 = vector.broadcast %min3A_1047 : i32 to vector<16xi32>
    %min3A_1049 = arith.minsi %convert_element_type3A_1046, %min3A_1048 : vector<16xi32>
    %gather3A_1050 = tpu.vector_load_idx %arg6[%min3A_1049] : memref<256xf32, #tpu.memory_space<vmem>>[vector<16xi32>], vector<16xf32>,
    %neg3A_1051 = arith.constant 0.000000e+00 : f32
    %neg3A_1052 = vector.broadcast %neg3A_1051 : f32 to vector<16xf32>
    %neg3A_1053 = arith.subf %neg3A_1052, %gather3A_1050 : vector<16xf32>
    %exp3A_1054 = math.exp %neg3A_1053 : vector<16xf32>
    %add3A_1055 = arith.constant 1.000000e+00 : f32
    %add3A_1056 = vector.broadcast %add3A_1055 : f32 to vector<16xf32>
    %add3A_1057 = arith.addf %add3A_1056, %exp3A_1054 : vector<16xf32>
    %div3A_1058 = arith.constant 1.000000e+00 : f32
    %div3A_1059 = vector.broadcast %div3A_1058 : f32 to vector<16xf32>
    %div3A_1060 = arith.divf %div3A_1059, %add3A_1057 : vector<16xf32>
    %get3A_1061 = arith.constant 2608 : index
    %get3A_1062 = tpu.vector_load %arg4[%get3A_1061] {strides = array<i32>} : memref<2944xf32, #tpu.memory_space<vmem>>, vector<16xf32>,
    %convert_element_type3A_1063 = arith.fptosi %get3A_1062 : vector<16xf32> to vector<16xi32>
    %gather3A_1064 = tpu.vector_load_idx %arg5[%convert_element_type3A_1063] : memref<280xf32, #tpu.memory_space<vmem>>[vector<16xi32>], vector<16xf32>,
    %get3A_1065 = arith.constant 2624 : index
    %get3A_1066 = tpu.vector_load %arg4[%get3A_1065] {strides = array<i32>} : memref<2944xf32, #tpu.memory_space<vmem>>, vector<16xf32>,
    %convert_element_type3A_1067 = arith.fptosi %get3A_1066 : vector<16xf32> to vector<16xi32>
    %gather3A_1068 = tpu.vector_load_idx %arg5[%convert_element_type3A_1067] : memref<280xf32, #tpu.memory_space<vmem>>[vector<16xi32>], vector<16xf32>,
    %get3A_1069 = arith.constant 2640 : index
    %get3A_1070 = tpu.vector_load %arg4[%get3A_1069] {strides = array<i32>} : memref<2944xf32, #tpu.memory_space<vmem>>, vector<16xf32>,
    %convert_element_type3A_1071 = arith.fptosi %get3A_1070 : vector<16xf32> to vector<16xi32>
    %gather3A_1072 = tpu.vector_load_idx %arg5[%convert_element_type3A_1071] : memref<280xf32, #tpu.memory_space<vmem>>[vector<16xi32>], vector<16xf32>,
    %max3A_1073 = arith.maximumf %gather3A_1064, %gather3A_1068 : vector<16xf32>
    %max3A_1074 = arith.maximumf %max3A_1073, %gather3A_1072 : vector<16xf32>
    %get3A_1075 = arith.constant 2656 : index
    %get3A_1076 = tpu.vector_load %arg4[%get3A_1075] {strides = array<i32>} : memref<2944xf32, #tpu.memory_space<vmem>>, vector<16xf32>,
    %convert_element_type3A_1077 = arith.fptosi %get3A_1076 : vector<16xf32> to vector<16xi32>
    %gather3A_1078 = tpu.vector_load_idx %arg5[%convert_element_type3A_1077] : memref<280xf32, #tpu.memory_space<vmem>>[vector<16xi32>], vector<16xf32>,
    %get3A_1079 = arith.constant 2672 : index
    %get3A_1080 = tpu.vector_load %arg4[%get3A_1079] {strides = array<i32>} : memref<2944xf32, #tpu.memory_space<vmem>>, vector<16xf32>,
    %convert_element_type3A_1081 = arith.fptosi %get3A_1080 : vector<16xf32> to vector<16xi32>
    %gather3A_1082 = tpu.vector_load_idx %arg5[%convert_element_type3A_1081] : memref<280xf32, #tpu.memory_space<vmem>>[vector<16xi32>], vector<16xf32>,
    %get3A_1083 = arith.constant 2688 : index
    %get3A_1084 = tpu.vector_load %arg4[%get3A_1083] {strides = array<i32>} : memref<2944xf32, #tpu.memory_space<vmem>>, vector<16xf32>,
    %convert_element_type3A_1085 = arith.fptosi %get3A_1084 : vector<16xf32> to vector<16xi32>
    %gather3A_1086 = tpu.vector_load_idx %arg5[%convert_element_type3A_1085] : memref<280xf32, #tpu.memory_space<vmem>>[vector<16xi32>], vector<16xf32>,
    %get3A_1087 = arith.constant 2704 : index
    %get3A_1088 = tpu.vector_load %arg4[%get3A_1087] {strides = array<i32>} : memref<2944xf32, #tpu.memory_space<vmem>>, vector<16xf32>,
    %convert_element_type3A_1089 = arith.fptosi %get3A_1088 : vector<16xf32> to vector<16xi32>
    %gather3A_1090 = tpu.vector_load_idx %arg5[%convert_element_type3A_1089] : memref<280xf32, #tpu.memory_space<vmem>>[vector<16xi32>], vector<16xf32>,
    %min3A_1091 = arith.minimumf %gather3A_1078, %gather3A_1082 : vector<16xf32>
    %min3A_1092 = arith.minimumf %gather3A_1086, %gather3A_1090 : vector<16xf32>
    %min3A_1093 = arith.minimumf %min3A_1091, %min3A_1092 : vector<16xf32>
    %sub3A_1094 = arith.subf %min3A_1093, %max3A_1074 : vector<16xf32>
    %mul3A_1095 = arith.mulf %div3A_1060, %sub3A_1094 : vector<16xf32>
    %add3A_1096 = arith.addf %max3A_1074, %mul3A_1095 : vector<16xf32>
    tpu.vector_store_idx %arg5[%convert_element_type3A_1046], %add3A_1096 : memref<280xf32, #tpu.memory_space<vmem>>[vector<16xi32>], vector<16xf32>,
    %get3A_1097 = arith.constant 2720 : index
    %get3A_1098 = tpu.vector_load %arg4[%get3A_1097] {strides = array<i32>} : memref<2944xf32, #tpu.memory_space<vmem>>, vector<16xf32>,
    %convert_element_type3A_1099 = arith.fptosi %get3A_1098 : vector<16xf32> to vector<16xi32>
    %min3A_1100 = arith.constant 255 : i32
    %min3A_1101 = vector.broadcast %min3A_1100 : i32 to vector<16xi32>
    %min3A_1102 = arith.minsi %convert_element_type3A_1099, %min3A_1101 : vector<16xi32>
    %gather3A_1103 = tpu.vector_load_idx %arg6[%min3A_1102] : memref<256xf32, #tpu.memory_space<vmem>>[vector<16xi32>], vector<16xf32>,
    %neg3A_1104 = arith.constant 0.000000e+00 : f32
    %neg3A_1105 = vector.broadcast %neg3A_1104 : f32 to vector<16xf32>
    %neg3A_1106 = arith.subf %neg3A_1105, %gather3A_1103 : vector<16xf32>
    %exp3A_1107 = math.exp %neg3A_1106 : vector<16xf32>
    %add3A_1108 = arith.constant 1.000000e+00 : f32
    %add3A_1109 = vector.broadcast %add3A_1108 : f32 to vector<16xf32>
    %add3A_1110 = arith.addf %add3A_1109, %exp3A_1107 : vector<16xf32>
    %div3A_1111 = arith.constant 1.000000e+00 : f32
    %div3A_1112 = vector.broadcast %div3A_1111 : f32 to vector<16xf32>
    %div3A_1113 = arith.divf %div3A_1112, %add3A_1110 : vector<16xf32>
    %get3A_1114 = arith.constant 2736 : index
    %get3A_1115 = tpu.vector_load %arg4[%get3A_1114] {strides = array<i32>} : memref<2944xf32, #tpu.memory_space<vmem>>, vector<16xf32>,
    %convert_element_type3A_1116 = arith.fptosi %get3A_1115 : vector<16xf32> to vector<16xi32>
    %gather3A_1117 = tpu.vector_load_idx %arg5[%convert_element_type3A_1116] : memref<280xf32, #tpu.memory_space<vmem>>[vector<16xi32>], vector<16xf32>,
    %get3A_1118 = arith.constant 2752 : index
    %get3A_1119 = tpu.vector_load %arg4[%get3A_1118] {strides = array<i32>} : memref<2944xf32, #tpu.memory_space<vmem>>, vector<16xf32>,
    %convert_element_type3A_1120 = arith.fptosi %get3A_1119 : vector<16xf32> to vector<16xi32>
    %gather3A_1121 = tpu.vector_load_idx %arg5[%convert_element_type3A_1120] : memref<280xf32, #tpu.memory_space<vmem>>[vector<16xi32>], vector<16xf32>,
    %max3A_1122 = arith.maximumf %gather3A_1117, %gather3A_1121 : vector<16xf32>
    %get3A_1123 = arith.constant 2768 : index
    %get3A_1124 = tpu.vector_load %arg4[%get3A_1123] {strides = array<i32>} : memref<2944xf32, #tpu.memory_space<vmem>>, vector<16xf32>,
    %convert_element_type3A_1125 = arith.fptosi %get3A_1124 : vector<16xf32> to vector<16xi32>
    %gather3A_1126 = tpu.vector_load_idx %arg5[%convert_element_type3A_1125] : memref<280xf32, #tpu.memory_space<vmem>>[vector<16xi32>], vector<16xf32>,
    %get3A_1127 = arith.constant 2784 : index
    %get3A_1128 = tpu.vector_load %arg4[%get3A_1127] {strides = array<i32>} : memref<2944xf32, #tpu.memory_space<vmem>>, vector<16xf32>,
    %convert_element_type3A_1129 = arith.fptosi %get3A_1128 : vector<16xf32> to vector<16xi32>
    %gather3A_1130 = tpu.vector_load_idx %arg5[%convert_element_type3A_1129] : memref<280xf32, #tpu.memory_space<vmem>>[vector<16xi32>], vector<16xf32>,
    %get3A_1131 = arith.constant 2800 : index
    %get3A_1132 = tpu.vector_load %arg4[%get3A_1131] {strides = array<i32>} : memref<2944xf32, #tpu.memory_space<vmem>>, vector<16xf32>,
    %convert_element_type3A_1133 = arith.fptosi %get3A_1132 : vector<16xf32> to vector<16xi32>
    %gather3A_1134 = tpu.vector_load_idx %arg5[%convert_element_type3A_1133] : memref<280xf32, #tpu.memory_space<vmem>>[vector<16xi32>], vector<16xf32>,
    %get3A_1135 = arith.constant 2816 : index
    %get3A_1136 = tpu.vector_load %arg4[%get3A_1135] {strides = array<i32>} : memref<2944xf32, #tpu.memory_space<vmem>>, vector<16xf32>,
    %convert_element_type3A_1137 = arith.fptosi %get3A_1136 : vector<16xf32> to vector<16xi32>
    %gather3A_1138 = tpu.vector_load_idx %arg5[%convert_element_type3A_1137] : memref<280xf32, #tpu.memory_space<vmem>>[vector<16xi32>], vector<16xf32>,
    %min3A_1139 = arith.minimumf %gather3A_1126, %gather3A_1130 : vector<16xf32>
    %min3A_1140 = arith.minimumf %gather3A_1134, %gather3A_1138 : vector<16xf32>
    %min3A_1141 = arith.minimumf %min3A_1139, %min3A_1140 : vector<16xf32>
    %sub3A_1142 = arith.subf %min3A_1141, %max3A_1122 : vector<16xf32>
    %mul3A_1143 = arith.mulf %div3A_1113, %sub3A_1142 : vector<16xf32>
    %add3A_1144 = arith.addf %max3A_1122, %mul3A_1143 : vector<16xf32>
    tpu.vector_store_idx %arg5[%convert_element_type3A_1099], %add3A_1144 : memref<280xf32, #tpu.memory_space<vmem>>[vector<16xi32>], vector<16xf32>,
    %get3A_1145 = arith.constant 2832 : index
    %get3A_1146 = tpu.vector_load %arg4[%get3A_1145] {strides = array<i32>} : memref<2944xf32, #tpu.memory_space<vmem>>, vector<16xf32>,
    %convert_element_type3A_1147 = arith.fptosi %get3A_1146 : vector<16xf32> to vector<16xi32>
    %min3A_1148 = arith.constant 255 : i32
    %min3A_1149 = vector.broadcast %min3A_1148 : i32 to vector<16xi32>
    %min3A_1150 = arith.minsi %convert_element_type3A_1147, %min3A_1149 : vector<16xi32>
    %gather3A_1151 = tpu.vector_load_idx %arg6[%min3A_1150] : memref<256xf32, #tpu.memory_space<vmem>>[vector<16xi32>], vector<16xf32>,
    %neg3A_1152 = arith.constant 0.000000e+00 : f32
    %neg3A_1153 = vector.broadcast %neg3A_1152 : f32 to vector<16xf32>
    %neg3A_1154 = arith.subf %neg3A_1153, %gather3A_1151 : vector<16xf32>
    %exp3A_1155 = math.exp %neg3A_1154 : vector<16xf32>
    %add3A_1156 = arith.constant 1.000000e+00 : f32
    %add3A_1157 = vector.broadcast %add3A_1156 : f32 to vector<16xf32>
    %add3A_1158 = arith.addf %add3A_1157, %exp3A_1155 : vector<16xf32>
    %div3A_1159 = arith.constant 1.000000e+00 : f32
    %div3A_1160 = vector.broadcast %div3A_1159 : f32 to vector<16xf32>
    %div3A_1161 = arith.divf %div3A_1160, %add3A_1158 : vector<16xf32>
    %get3A_1162 = arith.constant 2848 : index
    %get3A_1163 = tpu.vector_load %arg4[%get3A_1162] {strides = array<i32>} : memref<2944xf32, #tpu.memory_space<vmem>>, vector<16xf32>,
    %convert_element_type3A_1164 = arith.fptosi %get3A_1163 : vector<16xf32> to vector<16xi32>
    %gather3A_1165 = tpu.vector_load_idx %arg5[%convert_element_type3A_1164] : memref<280xf32, #tpu.memory_space<vmem>>[vector<16xi32>], vector<16xf32>,
    %get3A_1166 = arith.constant 2864 : index
    %get3A_1167 = tpu.vector_load %arg4[%get3A_1166] {strides = array<i32>} : memref<2944xf32, #tpu.memory_space<vmem>>, vector<16xf32>,
    %convert_element_type3A_1168 = arith.fptosi %get3A_1167 : vector<16xf32> to vector<16xi32>
    %gather3A_1169 = tpu.vector_load_idx %arg5[%convert_element_type3A_1168] : memref<280xf32, #tpu.memory_space<vmem>>[vector<16xi32>], vector<16xf32>,
    %max3A_1170 = arith.maximumf %gather3A_1165, %gather3A_1169 : vector<16xf32>
    %get3A_1171 = arith.constant 2880 : index
    %get3A_1172 = tpu.vector_load %arg4[%get3A_1171] {strides = array<i32>} : memref<2944xf32, #tpu.memory_space<vmem>>, vector<16xf32>,
    %convert_element_type3A_1173 = arith.fptosi %get3A_1172 : vector<16xf32> to vector<16xi32>
    %gather3A_1174 = tpu.vector_load_idx %arg5[%convert_element_type3A_1173] : memref<280xf32, #tpu.memory_space<vmem>>[vector<16xi32>], vector<16xf32>,
    %get3A_1175 = arith.constant 2896 : index
    %get3A_1176 = tpu.vector_load %arg4[%get3A_1175] {strides = array<i32>} : memref<2944xf32, #tpu.memory_space<vmem>>, vector<16xf32>,
    %convert_element_type3A_1177 = arith.fptosi %get3A_1176 : vector<16xf32> to vector<16xi32>
    %gather3A_1178 = tpu.vector_load_idx %arg5[%convert_element_type3A_1177] : memref<280xf32, #tpu.memory_space<vmem>>[vector<16xi32>], vector<16xf32>,
    %get3A_1179 = arith.constant 2912 : index
    %get3A_1180 = tpu.vector_load %arg4[%get3A_1179] {strides = array<i32>} : memref<2944xf32, #tpu.memory_space<vmem>>, vector<16xf32>,
    %convert_element_type3A_1181 = arith.fptosi %get3A_1180 : vector<16xf32> to vector<16xi32>
    %gather3A_1182 = tpu.vector_load_idx %arg5[%convert_element_type3A_1181] : memref<280xf32, #tpu.memory_space<vmem>>[vector<16xi32>], vector<16xf32>,
    %get3A_1183 = arith.constant 2928 : index
    %get3A_1184 = tpu.vector_load %arg4[%get3A_1183] {strides = array<i32>} : memref<2944xf32, #tpu.memory_space<vmem>>, vector<16xf32>,
    %convert_element_type3A_1185 = arith.fptosi %get3A_1184 : vector<16xf32> to vector<16xi32>
    %gather3A_1186 = tpu.vector_load_idx %arg5[%convert_element_type3A_1185] : memref<280xf32, #tpu.memory_space<vmem>>[vector<16xi32>], vector<16xf32>,
    %min3A_1187 = arith.minimumf %gather3A_1174, %gather3A_1178 : vector<16xf32>
    %min3A_1188 = arith.minimumf %gather3A_1182, %gather3A_1186 : vector<16xf32>
    %min3A_1189 = arith.minimumf %min3A_1187, %min3A_1188 : vector<16xf32>
    %sub3A_1190 = arith.subf %min3A_1189, %max3A_1170 : vector<16xf32>
    %mul3A_1191 = arith.mulf %div3A_1161, %sub3A_1190 : vector<16xf32>
    %add3A_1192 = arith.addf %max3A_1170, %mul3A_1191 : vector<16xf32>
    tpu.vector_store_idx %arg5[%convert_element_type3A_1147], %add3A_1192 : memref<280xf32, #tpu.memory_space<vmem>>[vector<16xi32>], vector<16xf32>,
    %scan3A = arith.constant 0 : i32
    %scan3A_1193 = arith.constant 8 : i32
    %scan3A_1194 = arith.addi %scan3A, %scan3A_1193 : i32
    %scan3A_1195 = arith.constant 1 : i32
    scf.for %scan3A_1197 = %scan3A to %scan3A_1194 step %scan3A_1195  : i32 {
      %mul3A_1198 = arith.constant 1 : i32
      %mul3A_1199 = arith.muli %scan3A_1197, %mul3A_1198 : i32
      %add3A_1200 = arith.constant 0 : i32
      %add3A_1201 = arith.addi %add3A_1200, %mul3A_1199 : i32
      %mul3A_1202 = arith.constant 16 : i32
      %mul3A_1203 = arith.muli %add3A_1201, %mul3A_1202 : i32
      %add3A_1204 = vector.broadcast %mul3A_1203 : i32 to vector<16xi32>
      %add3A_1205 = arith.addi %iota3A, %add3A_1204 : vector<16xi32>
      %broadcast_in_dim3A_1206 = arith.constant 0 : i32
      %broadcast_in_dim3A_1207 = vector.broadcast %broadcast_in_dim3A_1206 : i32 to vector<16xi32>
      %mul3A_1208 = arith.constant 4 : i32
      %mul3A_1209 = vector.broadcast %mul3A_1208 : i32 to vector<16xi32>
      %mul3A_1210 = arith.muli %add3A_1205, %mul3A_1209 : vector<16xi32>
      %add3A_1211 = arith.constant 0 : i32
      %add3A_1212 = vector.broadcast %add3A_1211 : i32 to vector<16xi32>
      %add3A_1213 = arith.addi %mul3A_1210, %add3A_1212 : vector<16xi32>
      %gather3A_1214 = tpu.vector_load_idx %arg7[%add3A_1213] : memref<512xf32, #tpu.memory_space<vmem>>[vector<16xi32>], vector<16xf32>,
      %jit3A_1215 = arith.constant 0.000000e+00 : f32
      %jit3A_1216 = arith.constant 1.000000e+00 : f32
      %max3A_1217 = vector.broadcast %jit3A_1215 : f32 to vector<16xf32>
      %max3A_1218 = arith.maximumf %max3A_1217, %gather3A_1214 : vector<16xf32>
      %min3A_1219 = vector.broadcast %jit3A_1216 : f32 to vector<16xf32>
      %min3A_1220 = arith.minimumf %min3A_1219, %max3A_1218 : vector<16xf32>
      %mul3A_1221 = arith.constant 3.000000e+00 : f32
      %mul3A_1222 = vector.broadcast %mul3A_1221 : f32 to vector<16xf32>
      %mul3A_1223 = arith.mulf %min3A_1220, %mul3A_1222 : vector<16xf32>
      %convert_element_type3A_1224 = arith.fptosi %mul3A_1223 : vector<16xf32> to vector<16xi32>
      %min3A_1225 = arith.constant 2 : i32
      %min3A_1226 = vector.broadcast %min3A_1225 : i32 to vector<16xi32>
      %min3A_1227 = arith.minsi %convert_element_type3A_1224, %min3A_1226 : vector<16xi32>
      %convert_element_type3A_1228 = arith.sitofp %min3A_1227 : vector<16xi32> to vector<16xf32>
      %sub3A_1229 = arith.subf %mul3A_1223, %convert_element_type3A_1228 : vector<16xf32>
      %mul3A_1230 = arith.constant 64 : i32
      %mul3A_1231 = vector.broadcast %mul3A_1230 : i32 to vector<16xi32>
      %mul3A_1232 = arith.muli %min3A_1227, %mul3A_1231 : vector<16xi32>
      %add3A_1233 = arith.addi %broadcast_in_dim3A_1207, %mul3A_1232 : vector<16xi32>
      %sub3A_1234 = arith.constant 1.000000e+00 : f32
      %sub3A_1235 = vector.broadcast %sub3A_1234 : f32 to vector<16xf32>
      %sub3A_1236 = arith.subf %sub3A_1235, %sub3A_1229 : vector<16xf32>
      %mul3A_1237 = arith.constant 4 : i32
      %mul3A_1238 = vector.broadcast %mul3A_1237 : i32 to vector<16xi32>
      %mul3A_1239 = arith.muli %add3A_1205, %mul3A_1238 : vector<16xi32>
      %add3A_1240 = arith.constant 1 : i32
      %add3A_1241 = vector.broadcast %add3A_1240 : i32 to vector<16xi32>
      %add3A_1242 = arith.addi %mul3A_1239, %add3A_1241 : vector<16xi32>
      %gather3A_1243 = tpu.vector_load_idx %arg7[%add3A_1242] : memref<512xf32, #tpu.memory_space<vmem>>[vector<16xi32>], vector<16xf32>,
      %jit3A_1244 = arith.constant 0.000000e+00 : f32
      %jit3A_1245 = arith.constant 1.000000e+00 : f32
      %max3A_1246 = vector.broadcast %jit3A_1244 : f32 to vector<16xf32>
      %max3A_1247 = arith.maximumf %max3A_1246, %gather3A_1243 : vector<16xf32>
      %min3A_1248 = vector.broadcast %jit3A_1245 : f32 to vector<16xf32>
      %min3A_1249 = arith.minimumf %min3A_1248, %max3A_1247 : vector<16xf32>
      %mul3A_1250 = arith.constant 3.000000e+00 : f32
      %mul3A_1251 = vector.broadcast %mul3A_1250 : f32 to vector<16xf32>
      %mul3A_1252 = arith.mulf %min3A_1249, %mul3A_1251 : vector<16xf32>
      %convert_element_type3A_1253 = arith.fptosi %mul3A_1252 : vector<16xf32> to vector<16xi32>
      %min3A_1254 = arith.constant 2 : i32
      %min3A_1255 = vector.broadcast %min3A_1254 : i32 to vector<16xi32>
      %min3A_1256 = arith.minsi %convert_element_type3A_1253, %min3A_1255 : vector<16xi32>
      %convert_element_type3A_1257 = arith.sitofp %min3A_1256 : vector<16xi32> to vector<16xf32>
      %sub3A_1258 = arith.subf %mul3A_1252, %convert_element_type3A_1257 : vector<16xf32>
      %mul3A_1259 = arith.constant 16 : i32
      %mul3A_1260 = vector.broadcast %mul3A_1259 : i32 to vector<16xi32>
      %mul3A_1261 = arith.muli %min3A_1256, %mul3A_1260 : vector<16xi32>
      %add3A_1262 = arith.addi %add3A_1233, %mul3A_1261 : vector<16xi32>
      %sub3A_1263 = arith.constant 1.000000e+00 : f32
      %sub3A_1264 = vector.broadcast %sub3A_1263 : f32 to vector<16xf32>
      %sub3A_1265 = arith.subf %sub3A_1264, %sub3A_1258 : vector<16xf32>
      %mul3A_1266 = arith.constant 4 : i32
      %mul3A_1267 = vector.broadcast %mul3A_1266 : i32 to vector<16xi32>
      %mul3A_1268 = arith.muli %add3A_1205, %mul3A_1267 : vector<16xi32>
      %add3A_1269 = arith.constant 2 : i32
      %add3A_1270 = vector.broadcast %add3A_1269 : i32 to vector<16xi32>
      %add3A_1271 = arith.addi %mul3A_1268, %add3A_1270 : vector<16xi32>
      %gather3A_1272 = tpu.vector_load_idx %arg7[%add3A_1271] : memref<512xf32, #tpu.memory_space<vmem>>[vector<16xi32>], vector<16xf32>,
      %jit3A_1273 = arith.constant 0.000000e+00 : f32
      %jit3A_1274 = arith.constant 1.000000e+00 : f32
      %max3A_1275 = vector.broadcast %jit3A_1273 : f32 to vector<16xf32>
      %max3A_1276 = arith.maximumf %max3A_1275, %gather3A_1272 : vector<16xf32>
      %min3A_1277 = vector.broadcast %jit3A_1274 : f32 to vector<16xf32>
      %min3A_1278 = arith.minimumf %min3A_1277, %max3A_1276 : vector<16xf32>
      %mul3A_1279 = arith.constant 3.000000e+00 : f32
      %mul3A_1280 = vector.broadcast %mul3A_1279 : f32 to vector<16xf32>
      %mul3A_1281 = arith.mulf %min3A_1278, %mul3A_1280 : vector<16xf32>
      %convert_element_type3A_1282 = arith.fptosi %mul3A_1281 : vector<16xf32> to vector<16xi32>
      %min3A_1283 = arith.constant 2 : i32
      %min3A_1284 = vector.broadcast %min3A_1283 : i32 to vector<16xi32>
      %min3A_1285 = arith.minsi %convert_element_type3A_1282, %min3A_1284 : vector<16xi32>
      %convert_element_type3A_1286 = arith.sitofp %min3A_1285 : vector<16xi32> to vector<16xf32>
      %sub3A_1287 = arith.subf %mul3A_1281, %convert_element_type3A_1286 : vector<16xf32>
      %mul3A_1288 = arith.constant 4 : i32
      %mul3A_1289 = vector.broadcast %mul3A_1288 : i32 to vector<16xi32>
      %mul3A_1290 = arith.muli %min3A_1285, %mul3A_1289 : vector<16xi32>
      %add3A_1291 = arith.addi %add3A_1262, %mul3A_1290 : vector<16xi32>
      %sub3A_1292 = arith.constant 1.000000e+00 : f32
      %sub3A_1293 = vector.broadcast %sub3A_1292 : f32 to vector<16xf32>
      %sub3A_1294 = arith.subf %sub3A_1293, %sub3A_1287 : vector<16xf32>
      %mul3A_1295 = arith.constant 4 : i32
      %mul3A_1296 = vector.broadcast %mul3A_1295 : i32 to vector<16xi32>
      %mul3A_1297 = arith.muli %add3A_1205, %mul3A_1296 : vector<16xi32>
      %add3A_1298 = arith.constant 3 : i32
      %add3A_1299 = vector.broadcast %add3A_1298 : i32 to vector<16xi32>
      %add3A_1300 = arith.addi %mul3A_1297, %add3A_1299 : vector<16xi32>
      %gather3A_1301 = tpu.vector_load_idx %arg7[%add3A_1300] : memref<512xf32, #tpu.memory_space<vmem>>[vector<16xi32>], vector<16xf32>,
      %jit3A_1302 = arith.constant 0.000000e+00 : f32
      %jit3A_1303 = arith.constant 1.000000e+00 : f32
      %max3A_1304 = vector.broadcast %jit3A_1302 : f32 to vector<16xf32>
      %max3A_1305 = arith.maximumf %max3A_1304, %gather3A_1301 : vector<16xf32>
      %min3A_1306 = vector.broadcast %jit3A_1303 : f32 to vector<16xf32>
      %min3A_1307 = arith.minimumf %min3A_1306, %max3A_1305 : vector<16xf32>
      %mul3A_1308 = arith.constant 3.000000e+00 : f32
      %mul3A_1309 = vector.broadcast %mul3A_1308 : f32 to vector<16xf32>
      %mul3A_1310 = arith.mulf %min3A_1307, %mul3A_1309 : vector<16xf32>
      %convert_element_type3A_1311 = arith.fptosi %mul3A_1310 : vector<16xf32> to vector<16xi32>
      %min3A_1312 = arith.constant 2 : i32
      %min3A_1313 = vector.broadcast %min3A_1312 : i32 to vector<16xi32>
      %min3A_1314 = arith.minsi %convert_element_type3A_1311, %min3A_1313 : vector<16xi32>
      %convert_element_type3A_1315 = arith.sitofp %min3A_1314 : vector<16xi32> to vector<16xf32>
      %sub3A_1316 = arith.subf %mul3A_1310, %convert_element_type3A_1315 : vector<16xf32>
      %mul3A_1317 = arith.constant 1 : i32
      %mul3A_1318 = vector.broadcast %mul3A_1317 : i32 to vector<16xi32>
      %mul3A_1319 = arith.muli %min3A_1314, %mul3A_1318 : vector<16xi32>
      %add3A_1320 = arith.addi %add3A_1291, %mul3A_1319 : vector<16xi32>
      %sub3A_1321 = arith.constant 1.000000e+00 : f32
      %sub3A_1322 = vector.broadcast %sub3A_1321 : f32 to vector<16xf32>
      %sub3A_1323 = arith.subf %sub3A_1322, %sub3A_1316 : vector<16xf32>
      %mul3A_1324 = arith.mulf %sub3A_1236, %sub3A_1265 : vector<16xf32>
      %mul3A_1325 = arith.mulf %sub3A_1236, %sub3A_1258 : vector<16xf32>
      %mul3A_1326 = arith.mulf %sub3A_1229, %sub3A_1265 : vector<16xf32>
      %mul3A_1327 = arith.mulf %sub3A_1229, %sub3A_1258 : vector<16xf32>
      %mul3A_1328 = arith.mulf %sub3A_1294, %sub3A_1323 : vector<16xf32>
      %mul3A_1329 = arith.mulf %sub3A_1294, %sub3A_1316 : vector<16xf32>
      %mul3A_1330 = arith.mulf %sub3A_1287, %sub3A_1323 : vector<16xf32>
      %mul3A_1331 = arith.mulf %sub3A_1287, %sub3A_1316 : vector<16xf32>
      %add3A_1332 = arith.constant 0 : i32
      %add3A_1333 = vector.broadcast %add3A_1332 : i32 to vector<16xi32>
      %add3A_1334 = arith.addi %add3A_1320, %add3A_1333 : vector<16xi32>
      %gather3A_1335 = tpu.vector_load_idx %arg5[%add3A_1334] : memref<280xf32, #tpu.memory_space<vmem>>[vector<16xi32>], vector<16xf32>,
      %mul3A_1336 = arith.mulf %mul3A_1324, %mul3A_1328 : vector<16xf32>
      %mul3A_1337 = arith.mulf %mul3A_1336, %gather3A_1335 : vector<16xf32>
      %add3A_1338 = arith.constant 64 : i32
      %add3A_1339 = vector.broadcast %add3A_1338 : i32 to vector<16xi32>
      %add3A_1340 = arith.addi %add3A_1320, %add3A_1339 : vector<16xi32>
      %gather3A_1341 = tpu.vector_load_idx %arg5[%add3A_1340] : memref<280xf32, #tpu.memory_space<vmem>>[vector<16xi32>], vector<16xf32>,
      %mul3A_1342 = arith.mulf %mul3A_1326, %mul3A_1328 : vector<16xf32>
      %mul3A_1343 = arith.mulf %mul3A_1342, %gather3A_1341 : vector<16xf32>
      %add3A_1344 = arith.constant 16 : i32
      %add3A_1345 = vector.broadcast %add3A_1344 : i32 to vector<16xi32>
      %add3A_1346 = arith.addi %add3A_1320, %add3A_1345 : vector<16xi32>
      %gather3A_1347 = tpu.vector_load_idx %arg5[%add3A_1346] : memref<280xf32, #tpu.memory_space<vmem>>[vector<16xi32>], vector<16xf32>,
      %mul3A_1348 = arith.mulf %mul3A_1325, %mul3A_1328 : vector<16xf32>
      %mul3A_1349 = arith.mulf %mul3A_1348, %gather3A_1347 : vector<16xf32>
      %add3A_1350 = arith.constant 80 : i32
      %add3A_1351 = vector.broadcast %add3A_1350 : i32 to vector<16xi32>
      %add3A_1352 = arith.addi %add3A_1320, %add3A_1351 : vector<16xi32>
      %gather3A_1353 = tpu.vector_load_idx %arg5[%add3A_1352] : memref<280xf32, #tpu.memory_space<vmem>>[vector<16xi32>], vector<16xf32>,
      %mul3A_1354 = arith.mulf %mul3A_1327, %mul3A_1328 : vector<16xf32>
      %mul3A_1355 = arith.mulf %mul3A_1354, %gather3A_1353 : vector<16xf32>
      %add3A_1356 = arith.constant 4 : i32
      %add3A_1357 = vector.broadcast %add3A_1356 : i32 to vector<16xi32>
      %add3A_1358 = arith.addi %add3A_1320, %add3A_1357 : vector<16xi32>
      %gather3A_1359 = tpu.vector_load_idx %arg5[%add3A_1358] : memref<280xf32, #tpu.memory_space<vmem>>[vector<16xi32>], vector<16xf32>,
      %mul3A_1360 = arith.mulf %mul3A_1324, %mul3A_1330 : vector<16xf32>
      %mul3A_1361 = arith.mulf %mul3A_1360, %gather3A_1359 : vector<16xf32>
      %add3A_1362 = arith.constant 68 : i32
      %add3A_1363 = vector.broadcast %add3A_1362 : i32 to vector<16xi32>
      %add3A_1364 = arith.addi %add3A_1320, %add3A_1363 : vector<16xi32>
      %gather3A_1365 = tpu.vector_load_idx %arg5[%add3A_1364] : memref<280xf32, #tpu.memory_space<vmem>>[vector<16xi32>], vector<16xf32>,
      %mul3A_1366 = arith.mulf %mul3A_1326, %mul3A_1330 : vector<16xf32>
      %mul3A_1367 = arith.mulf %mul3A_1366, %gather3A_1365 : vector<16xf32>
      %add3A_1368 = arith.constant 20 : i32
      %add3A_1369 = vector.broadcast %add3A_1368 : i32 to vector<16xi32>
      %add3A_1370 = arith.addi %add3A_1320, %add3A_1369 : vector<16xi32>
      %gather3A_1371 = tpu.vector_load_idx %arg5[%add3A_1370] : memref<280xf32, #tpu.memory_space<vmem>>[vector<16xi32>], vector<16xf32>,
      %mul3A_1372 = arith.mulf %mul3A_1325, %mul3A_1330 : vector<16xf32>
      %mul3A_1373 = arith.mulf %mul3A_1372, %gather3A_1371 : vector<16xf32>
      %add3A_1374 = arith.constant 84 : i32
      %add3A_1375 = vector.broadcast %add3A_1374 : i32 to vector<16xi32>
      %add3A_1376 = arith.addi %add3A_1320, %add3A_1375 : vector<16xi32>
      %gather3A_1377 = tpu.vector_load_idx %arg5[%add3A_1376] : memref<280xf32, #tpu.memory_space<vmem>>[vector<16xi32>], vector<16xf32>,
      %mul3A_1378 = arith.mulf %mul3A_1327, %mul3A_1330 : vector<16xf32>
      %mul3A_1379 = arith.mulf %mul3A_1378, %gather3A_1377 : vector<16xf32>
      %add3A_1380 = arith.constant 1 : i32
      %add3A_1381 = vector.broadcast %add3A_1380 : i32 to vector<16xi32>
      %add3A_1382 = arith.addi %add3A_1320, %add3A_1381 : vector<16xi32>
      %gather3A_1383 = tpu.vector_load_idx %arg5[%add3A_1382] : memref<280xf32, #tpu.memory_space<vmem>>[vector<16xi32>], vector<16xf32>,
      %mul3A_1384 = arith.mulf %mul3A_1324, %mul3A_1329 : vector<16xf32>
      %mul3A_1385 = arith.mulf %mul3A_1384, %gather3A_1383 : vector<16xf32>
      %add3A_1386 = arith.constant 65 : i32
      %add3A_1387 = vector.broadcast %add3A_1386 : i32 to vector<16xi32>
      %add3A_1388 = arith.addi %add3A_1320, %add3A_1387 : vector<16xi32>
      %gather3A_1389 = tpu.vector_load_idx %arg5[%add3A_1388] : memref<280xf32, #tpu.memory_space<vmem>>[vector<16xi32>], vector<16xf32>,
      %mul3A_1390 = arith.mulf %mul3A_1326, %mul3A_1329 : vector<16xf32>
      %mul3A_1391 = arith.mulf %mul3A_1390, %gather3A_1389 : vector<16xf32>
      %add3A_1392 = arith.constant 17 : i32
      %add3A_1393 = vector.broadcast %add3A_1392 : i32 to vector<16xi32>
      %add3A_1394 = arith.addi %add3A_1320, %add3A_1393 : vector<16xi32>
      %gather3A_1395 = tpu.vector_load_idx %arg5[%add3A_1394] : memref<280xf32, #tpu.memory_space<vmem>>[vector<16xi32>], vector<16xf32>,
      %mul3A_1396 = arith.mulf %mul3A_1325, %mul3A_1329 : vector<16xf32>
      %mul3A_1397 = arith.mulf %mul3A_1396, %gather3A_1395 : vector<16xf32>
      %add3A_1398 = arith.constant 81 : i32
      %add3A_1399 = vector.broadcast %add3A_1398 : i32 to vector<16xi32>
      %add3A_1400 = arith.addi %add3A_1320, %add3A_1399 : vector<16xi32>
      %gather3A_1401 = tpu.vector_load_idx %arg5[%add3A_1400] : memref<280xf32, #tpu.memory_space<vmem>>[vector<16xi32>], vector<16xf32>,
      %mul3A_1402 = arith.mulf %mul3A_1327, %mul3A_1329 : vector<16xf32>
      %mul3A_1403 = arith.mulf %mul3A_1402, %gather3A_1401 : vector<16xf32>
      %add3A_1404 = arith.constant 5 : i32
      %add3A_1405 = vector.broadcast %add3A_1404 : i32 to vector<16xi32>
      %add3A_1406 = arith.addi %add3A_1320, %add3A_1405 : vector<16xi32>
      %gather3A_1407 = tpu.vector_load_idx %arg5[%add3A_1406] : memref<280xf32, #tpu.memory_space<vmem>>[vector<16xi32>], vector<16xf32>,
      %mul3A_1408 = arith.mulf %mul3A_1324, %mul3A_1331 : vector<16xf32>
      %mul3A_1409 = arith.mulf %mul3A_1408, %gather3A_1407 : vector<16xf32>
      %add3A_1410 = arith.constant 69 : i32
      %add3A_1411 = vector.broadcast %add3A_1410 : i32 to vector<16xi32>
      %add3A_1412 = arith.addi %add3A_1320, %add3A_1411 : vector<16xi32>
      %gather3A_1413 = tpu.vector_load_idx %arg5[%add3A_1412] : memref<280xf32, #tpu.memory_space<vmem>>[vector<16xi32>], vector<16xf32>,
      %mul3A_1414 = arith.mulf %mul3A_1326, %mul3A_1331 : vector<16xf32>
      %mul3A_1415 = arith.mulf %mul3A_1414, %gather3A_1413 : vector<16xf32>
      %add3A_1416 = arith.constant 21 : i32
      %add3A_1417 = vector.broadcast %add3A_1416 : i32 to vector<16xi32>
      %add3A_1418 = arith.addi %add3A_1320, %add3A_1417 : vector<16xi32>
      %gather3A_1419 = tpu.vector_load_idx %arg5[%add3A_1418] : memref<280xf32, #tpu.memory_space<vmem>>[vector<16xi32>], vector<16xf32>,
      %mul3A_1420 = arith.mulf %mul3A_1325, %mul3A_1331 : vector<16xf32>
      %mul3A_1421 = arith.mulf %mul3A_1420, %gather3A_1419 : vector<16xf32>
      %add3A_1422 = arith.constant 85 : i32
      %add3A_1423 = vector.broadcast %add3A_1422 : i32 to vector<16xi32>
      %add3A_1424 = arith.addi %add3A_1320, %add3A_1423 : vector<16xi32>
      %gather3A_1425 = tpu.vector_load_idx %arg5[%add3A_1424] : memref<280xf32, #tpu.memory_space<vmem>>[vector<16xi32>], vector<16xf32>,
      %mul3A_1426 = arith.mulf %mul3A_1327, %mul3A_1331 : vector<16xf32>
      %mul3A_1427 = arith.mulf %mul3A_1426, %gather3A_1425 : vector<16xf32>
      %add3A_1428 = arith.addf %mul3A_1337, %mul3A_1343 : vector<16xf32>
      %add3A_1429 = arith.addf %mul3A_1349, %mul3A_1355 : vector<16xf32>
      %add3A_1430 = arith.addf %mul3A_1361, %mul3A_1367 : vector<16xf32>
      %add3A_1431 = arith.addf %mul3A_1373, %mul3A_1379 : vector<16xf32>
      %add3A_1432 = arith.addf %mul3A_1385, %mul3A_1391 : vector<16xf32>
      %add3A_1433 = arith.addf %mul3A_1397, %mul3A_1403 : vector<16xf32>
      %add3A_1434 = arith.addf %mul3A_1409, %mul3A_1415 : vector<16xf32>
      %add3A_1435 = arith.addf %mul3A_1421, %mul3A_1427 : vector<16xf32>
      %add3A_1436 = arith.addf %add3A_1428, %add3A_1429 : vector<16xf32>
      %add3A_1437 = arith.addf %add3A_1430, %add3A_1431 : vector<16xf32>
      %add3A_1438 = arith.addf %add3A_1432, %add3A_1433 : vector<16xf32>
      %add3A_1439 = arith.addf %add3A_1434, %add3A_1435 : vector<16xf32>
      %add3A_1440 = arith.addf %add3A_1436, %add3A_1437 : vector<16xf32>
      %add3A_1441 = arith.addf %add3A_1438, %add3A_1439 : vector<16xf32>
      %add3A_1442 = arith.addf %add3A_1440, %add3A_1441 : vector<16xf32>
      %mul3A_1443 = arith.constant 16 : i32
      %mul3A_1444 = arith.muli %add3A_1201, %mul3A_1443 : i32
      %swap3A_1445 = arith.index_cast %mul3A_1444 : i32 to index
      %swap3A_1446 = tpu.vector_load %arg8[%swap3A_1445] {strides = array<i32>} : memref<128xf32, #tpu.memory_space<vmem>>, vector<16xf32>,
      tpu.vector_store %arg8[%swap3A_1445], %add3A_1442 {strides = array<i32>} : memref<128xf32, #tpu.memory_space<vmem>>, vector<16xf32>,
    }
    %scan3A_1196 = arith.constant 8 : i32
    "tpu.region"() ({
      %run_scoped3A = tpu.sem_alloc : memref<!tpu.dma_semaphore, #tpu.memory_space<semaphore_mem>>
      %dma_start3A_1197 = tpu.memref_slice %arg3[%mul3A_2] : memref<4096xf32, #tpu.memory_space<hbm>> -> memref<128xf32, #tpu.memory_space<hbm>>
      %dma_start3A_1198 = tpu.memref_slice %arg3[%mul3A_2] : memref<4096xf32, #tpu.memory_space<hbm>> -> memref<128xf32, #tpu.memory_space<hbm>>
      tpu.enqueue_dma source(%arg8 : memref<128xf32, #tpu.memory_space<vmem>>) target(%dma_start3A_1198 : memref<128xf32, #tpu.memory_space<hbm>>) target_semaphore(%run_scoped3A : memref<!tpu.dma_semaphore, #tpu.memory_space<semaphore_mem>>)
      %dma_wait3A_1199 = tpu.memref_slice %arg3[%mul3A_2] : memref<4096xf32, #tpu.memory_space<hbm>> -> memref<128xf32, #tpu.memory_space<hbm>>
      %dma_wait3A_1200 = tpu.memref_slice %arg3[%mul3A_2] : memref<4096xf32, #tpu.memory_space<hbm>> -> memref<128xf32, #tpu.memory_space<hbm>>
      tpu.wait_dma2 semaphore(%run_scoped3A : memref<!tpu.dma_semaphore, #tpu.memory_space<semaphore_mem>>) src(%arg8 : memref<128xf32, #tpu.memory_space<vmem>>) dst(%dma_wait3A_1200 : memref<128xf32, #tpu.memory_space<hbm>>)
      tpu.yield
    }) : () -> ()
    return
  }
}

</mosaic_0001>

<sc_bundles>
// kernel: kernel.3.cloned.1.call-start
scs
__scs_entry_jumppad:
0x0: {  	(pc) =	sbr.rel $0x88, $3  }
0x1: {  	(tag) =	ssettag $0x0;
	lr =	simm.s32 $0x1  }
0x2: {  	[smem:$0x3F9F] =	sst lr;
	_ =	strace $0xD0000000  }
0x3: {  	_ = 	snop  }
0x4: {  	_ = 	snop  }
0x5: {  	_ = 	snop  }
0x6: {  	_ = 	snop  }
0x7: {  	_ = 	snop  }
__scs_overlays_trampoline_lowered:
0x8: {  	[smem:$0x3FAE] =	sst s0  }
0x9: {  	[smem:$0x3FAF] =	sst s1  }
0xa: {  	[smem:$0x3FB0] =	sst s2  }
0xb: {  	[smem:$0x3FB1] =	sst s3  }
0xc: {  	[smem:$0x3FB2] =	sst s4  }
0xd: {  	[smem:$0x3FB3] =	sst s5  }
0xe: {  	[smem:$0x3FB4] =	sst s6  }
0xf: {  	[smem:$0x3FB5] =	sst s7  }
0x10: {  	[smem:$0x3FB6] =	sst s8  }
0x11: {  	[smem:$0x3FB7] =	sst s9;
	s0 =	simm.s32 @!p0 $0x0  }
0x12: {  	s1 =	sld [smem:$0x3F9D];
	s0 =	simm.s32 @p0 $0x1  }
0x13: {  	[smem:$0x3FB8] =	sst s0;
	s0 =	simm.s32 @!p1 $0x0  }
0x14: {  	s2 =	sld [smem:$0x3F9C];
	s0 =	simm.s32 @p1 $0x1  }
0x15: {  	[smem:$0x3FB9] =	sst s0;
	s0 =	simm.s32 @!p2 $0x0  }
0x16: {  	s3 =	sld [smem:$0x3FDB];
	s0 =	simm.s32 @p2 $0x1  }
0x17: {  	s4 =	simm.s32 $0x1BF5;
	[smem:$0x3FBB] =	sst s0  }
0x18: {  	s0 =	sld [smem:$0x3F9E];
	_ =	swait.ge [sflag:s4], $0x0  }
0x19: {  	s7 =	sld [smem:$0x3F9F]  }
0x1a: {  	s8 =	sadd.s32 $0xFFFFE003, lr  }
0x1b: {  	s9 =	sadd.s32 $0xFFFFFEF7, lr;
	s5 =	simm.s32 $0xFFFFFFFF;
	p2 =	slt.u32 s8, $0xFFFFF086  }
0x1c: {  	p1 =	slt.u32 s9, $0xF7A;
	s5 =	simm.s32 @!p2 $0x0  }
0x1d: {  	s5 =	simm.s32 @p1 $0x1;
	p0 =	seq.s32 s7, s2  }
0x1e: {  	s7 =	smul.u32 @!p0 $0xF7A, s2;
	p2 =	seq.s32 @!p0 s5, $0x0  }
0x1f: {  	s9 =	smul.u32 $0xF7A, s1;
	s8 =	simm.s32 @!p0 $0x1BF5;
	p2 =	por !p2, p0  }
0x20: {  	[sflag:s8] =	ssyncset.s32 @!p0 $0xFFFFF086;
	s6 =	sadd.s32 @!p0 s3, s7;
	s7 =	simm.s32 @!p0 $0x108  }
0x21: {  	s3 =	sadd.s32 s3, s9;
	s6 =	sadd.s32 @!p0 $0x88, s6;
	s7 =	simm.s32 @p2 $0x1082  }
0x22: {  	[simem:s7], [sflag:s8] =	dma.local @!p0 [hbm:s6], $0xF7A  }
0x23: {  	s9 =	sor.u32 $0xD0000000, s2;
	s6 =	simm.s32 $0x108;
	_ =	swait.ge @!p0 [sflag:s8], $0x0  }
0x24: {  	s3 =	sadd.s32 $0x88, s3;
	s6 =	simm.s32 @!p1 $0x1082;
	[sflag:s4] =	ssyncset.s32 $0xFFFFF086  }
0x25: {  	[simem:s6], [sflag:s4] =	dma.local [hbm:s3], $0xF7A  }
0x26: {  	[smem:$0x3F9F] =	sst s1;
	(tag) =	ssettag s2;
	_ =	strace s9  }
0x27: {  	s1 =	sld [smem:$0x3FAF]  }
0x28: {  	s2 =	sld [smem:$0x3FB0]  }
0x29: {  	s4 =	sld [smem:$0x3FB2]  }
0x2a: {  	p0 =	seq.s32 s5, $0x0;
	s5 =	sld [smem:$0x3FB3]  }
0x2b: {  	s6 =	sld [smem:$0x3FB4]  }
0x2c: {  	s7 =	sld [smem:$0x3FB5]  }
0x2d: {  	s3 =	simm.s32 $0x108;
	s8 =	sld [smem:$0x3FB6]  }
0x2e: {  	s3 =	simm.s32 @!p0 $0x1082;
	s9 =	sld [smem:$0x3FB7]  }
0x2f: {  	lr =	sadd.s32 s0, s3;
	s0 =	sld [smem:$0x3FAE]  }
0x30: {  	s3 =	sld [smem:$0x3FB1]  }
0x31: {  	[smem:$0x3FBA] =	sst s10  }
0x32: {  	s10 =	sld [smem:$0x3FB8];
	_ =	sdelay $0x3  }
0x33: {  	p0 =	seq.s32 s10, $0x1;
	s10 =	sld [smem:$0x3FBA];
	_ =	sdelay $0x3  }
0x34: {  	[smem:$0x3FBA] =	sst s10  }
0x35: {  	s10 =	sld [smem:$0x3FB9];
	_ =	sdelay $0x3  }
0x36: {  	p1 =	seq.s32 s10, $0x1;
	s10 =	sld [smem:$0x3FBA];
	_ =	sdelay $0x3  }
0x37: {  	[smem:$0x3FBA] =	sst s10  }
0x38: {  	s10 =	sld [smem:$0x3FBB]  }
0x39: {  	_ = 	snop;
	(pc) =	sbr.ind lr, $3  }
0x3a: {  	_ = 	snop  }
0x3b: {  	_ = 	snop  }
0x3c: {  	p2 =	seq.s32 s10, $0x1;
	s10 =	sld [smem:$0x3FBA]  }
0x3d: {  	_ =	shalt  }
0x3e: {  	_ =	shalt  }
0x3f: {  	_ =	shalt  }
0x40: {  	_ =	shalt  }
0x41: {  	_ =	shalt  }
0x42: {  	_ =	shalt  }
0x43: {  	_ =	shalt  }
0x44: {  	_ =	shalt  }
0x45: {  	_ =	shalt  }
0x46: {  	_ =	shalt  }
0x47: {  	_ =	shalt  }
0x48: {  	_ =	shalt  }
0x49: {  	_ =	shalt  }
0x4a: {  	_ =	shalt  }
0x4b: {  	_ =	shalt  }
0x4c: {  	_ =	shalt  }
0x4d: {  	_ =	shalt  }
0x4e: {  	_ =	shalt  }
0x4f: {  	_ =	shalt  }
0x50: {  	_ =	shalt  }
0x51: {  	_ =	shalt  }
0x52: {  	_ =	shalt  }
0x53: {  	_ =	shalt  }
0x54: {  	_ =	shalt  }
0x55: {  	_ =	shalt  }
0x56: {  	_ =	shalt  }
0x57: {  	_ =	shalt  }
0x58: {  	_ =	shalt  }
0x59: {  	_ =	shalt  }
0x5a: {  	_ =	shalt  }
0x5b: {  	_ =	shalt  }
0x5c: {  	_ =	shalt  }
0x5d: {  	_ =	shalt  }
0x5e: {  	_ =	shalt  }
0x5f: {  	_ =	shalt  }
0x60: {  	_ =	shalt  }
0x61: {  	_ =	shalt  }
0x62: {  	_ =	shalt  }
0x63: {  	_ =	shalt  }
0x64: {  	_ =	shalt  }
0x65: {  	_ =	shalt  }
0x66: {  	_ =	shalt  }
0x67: {  	_ =	shalt  }
0x68: {  	_ =	shalt  }
0x69: {  	_ =	shalt  }
0x6a: {  	_ =	shalt  }
0x6b: {  	_ =	shalt  }
0x6c: {  	_ =	shalt  }
0x6d: {  	_ =	shalt  }
0x6e: {  	_ =	shalt  }
0x6f: {  	_ =	shalt  }
0x70: {  	_ =	shalt  }
0x71: {  	_ =	shalt  }
0x72: {  	_ =	shalt  }
0x73: {  	_ =	shalt  }
0x74: {  	_ =	shalt  }
0x75: {  	_ =	shalt  }
0x76: {  	_ =	shalt  }
0x77: {  	_ =	shalt  }
0x78: {  	_ =	shalt  }
0x79: {  	_ =	shalt  }
0x7a: {  	_ =	shalt  }
0x7b: {  	_ =	shalt  }
0x7c: {  	_ =	shalt  }
0x7d: {  	_ =	shalt  }
0x7e: {  	_ =	shalt  }
0x7f: {  	_ =	shalt  }
0x80: {  	_ =	shalt  }
0x81: {  	_ =	shalt  }
0x82: {  	_ =	shalt  }
0x83: {  	_ =	shalt  }
0x84: {  	_ =	shalt  }
0x85: {  	_ =	shalt  }
0x86: {  	_ =	shalt  }
0x87: {  	_ =	shalt  }
.Lfunc_end0:
.L_simem_size_0:
called_computation_lowered:
.L_overlay_start_0:
0x88: {  	s2 =	sld [smem:$0x3FD9]  }
0x89: {  	s3 =	sld [smem:$0x3FFE];
	_ =	sdelay $0x1  }
0x8a: {  	s1 =	srdreg.scid  }
0x8b: {  	s0 =	sand.u32 $0x1, s1  }
0x8c: {  	s17 =	sshll.u32 s0, $0xA;
	s2 =	sadd.s32 s3, s2  }
0x8d: {  	s2 =	sadd.s32 s2, s17  }
0x8e: {  	[smem:$0x3FC6] =	sst s2  }
0x8f: {  	_ = 	snop  }
0x90: {  	s2 =	sld [smem:$0x3FD0];
	(tm) =	ssettm $0x1  }
0x91: {  	s18 =	sld [smem:$0x3FFB];
	_ =	sdelay $0x3  }
0x92: {  	_ =	strace s18  }
0x93: {  	s3 =	sld [smem:$0x3FFC];
	_ =	sdelay $0x3  }
0x94: {  	_ =	strace s3  }
0x95: {  	s3 =	sld [smem:$0x3FFD];
	_ =	sdelay $0x3  }
0x96: {  	_ =	strace s3  }
0x97: {  	_ =	strace $0x8FFFFFFF  }
0x98: {  	s19 =	sld [smem:$0x3FDB];
	_ =	sdelay $0x1  }
0x99: {  	s4 =	simm.s32 $_scs_section_size  }
0x9a: {  	s5 =	simm.s32 $_size__tile_overlayer_lowered;
	s6 =	simm.s32 $_tile_overlayer_lowered  }
0x9b: {  	s22 =	simm.s32 $0x1BFF;
	s21 =	sshll.u32 s6, $0x1;
	s3 =	sadd.s32 s4, s19  }
0x9c: {  	s7 =	simm.s32 $0x0;
	s20 =	sshll.u32 s5, $0x1;
	s5 =	sadd.s32 s21, s3  }
0x9d: {  	[timem:s7], [sflag:s22] =	dma.local [hbm:s5], s20  }
0x9e: {  	_ =	swait.ge [sflag:s22], s20  }
0x9f: {  	s4 =	ssub.s32 $0x0, s20;
	[sflag:s22] =	ssyncset.done $0x0  }
0xa0: {  	[sflag:s22] =	ssyncadd.s32 s4;
	_ =	sdelay $0x1  }
0xa1: {  	s23 =	simm.s32 $0x1B8B  }
0xa2: {  	_ =	swait.ge [sflag:s23], $0x1  }
0xa3: {  	[sflag:s23] =	ssyncset.done $0x0  }
0xa4: {  	s25 =	simm.s32 $0x1B8E;
	s24 =	sld [smem:$0x3FFE];
	[sflag:s23] =	ssyncadd.s32 $0xFFFFFFFF  }
0xa5: {  	s26 =	simm.s32 $execute0_lowered;
	[smem:$0x3FD2] =	sst s25  }
0xa6: {  	s5 =	sshll.u32 s26, $0x1;
	_ =	strace $0x80000046;
	[dreg:$0x1] =	wrdreg $0xFFFFFFFF  }
0xa7: {  	s28 =	simm.s32 $_size_execute0_lowered;
	s3 =	sadd.s32 s3, s5;
	[dreg:$0x0] =	wrdreg $0x0  }
0xa8: {  	s5 =	sshll.u32 s28, $0x1;
	[dreg:$0x2] =	wrdreg s3  }
0xa9: {  	[dreg:$0x3] =	wrdreg s5  }
0xaa: {  	[dreg:$0x4] =	wrdreg $0xC0  }
0xab: {  	_ =	task [dreg:s7], $0x5FFFF  }
0xac: {  	[dreg:$0x1] =	wrdreg $0xFFFFFFFF  }
0xad: {  	[dreg:$0x0] =	wrdreg $0x60  }
0xae: {  	[dreg:$0x2] =	wrdreg s24  }
0xaf: {  	[dreg:$0x3] =	wrdreg s2  }
0xb0: {  	[dreg:$0x4] =	wrdreg $0x9  }
0xb1: {  	_ =	task.clear_ibuf [dreg:s7], $0x5FFFF;
	_ =	strace $0x90000046  }
0xb2: {  	s29 =	simm.s32 $0x9;
	_ =	strace $0x80000048  }
0xb3: {  	_ =	swait.ge [sflag:s29], $0x1  }
0xb4: {  	[sflag:s29] =	ssyncadd.s32 $0xFFFFFFFF  }
0xb5: {  	_ =	strace $0x90000048  }
0xb6: {  	_ =	sfence  }
0xb7: {  	s30 =	sld [smem:$0x0];
	_ =	sdelay $0x2  }
0xb8: {  	s31 =	sshll.u32 s1, $0xD;
	s1 =	sshrl.u32 s1, $0x2  }
0xb9: {  	s3 =	sand.u32 $0x4000, s31;
	s1 =	sadd.s32 s1, s30  }
0xba: {  	s0 =	sor.u32 s3, s0;
	s1 =	sshll.u32 s1, $0x11  }
0xbb: {  	s0 =	sor.u32 s1, s0  }
0xbc: {  	s0 =	sadd.s32 $0x8F2B, s0  }
0xbd: {  	[sflag:s0] =	ssyncadd.remote.s32 $0x1  }
0xbe: {  	_ =	sfence.sel $0xFFFF  }
0xbf: {  	[dreg:$0x0] =	wrdreg $0xFFFFFFFF;
	(pc) =	sbr.abs _section_cstart, $3  }
0xc0: {  	[dreg:$0x1] =	wrdreg $0xFFFFFFFF  }
0xc1: {  	_ =	task.clear_ibuf [dreg:s7], $0x2FFFF;
	_ =	strace $0x9FFFFFFF  }
0xc2: {  	(tm) =	ssettm $0x7FFFFFFF  }
0xc3: {  	_ =	shalt  }
tec
execute0_lowered:
.L_overlay_start_1:
0x0: {  	(tag) =	ssettag $0x1  }
0x1: {  	s4 =	rddreg [dreg:$0x0]  }
0x2: {  	s6 =	rddreg [dreg:$0x1]  }
0x3: {  	s0 =	rddreg [dreg:$0x2]  }
0x4: {  	s3 =	srdreg.scid;
	s1 =	stileid.u32  }
0x5: {  	s2 =	simm.s32 $0x0;
	s9 =	simm.s32 $0xE00;
	s10 =	simm.s32 $0x1  }
0x6: {  	s11 =	simm.s32 $0xB80;
	s12 =	simm.s32 $0x1000;
	s13 =	simm.s32 $0x2  }
0x7: {  	s14 =	simm.s32 $0x0;
	s3 =	sand.u32 $0x1, s3;
	s5 =	sshll.u32 s1, $0x1  }
0x8: {  	[smem:$0x7FF] =	sst s2;
	s7 =	sor.u32 s3, s5;
	s3 =	ssub.s32 $0x2, s3  }
0x9: {  	vm0 =	vcmask $0x300;
	v0 =	vimm.f32 $0.0e+00;
	_ =	strace $0x80000047;
	s5 =	sshll.u32 s7, $0x6;
	s8 =	sshrl.u32 s3, $0x1  }
0xa: {  	vm14 =	vcmask $0x704;
	v0 =	vsel vm0, $0xBF800000, v0;
	s7 =	sshll.u32 s7, $0x4;
	s5 =	sadd.s32 s5, s4;
	s8 =	ssub.s32 s3, s8  }
0xb: {  	vm15 =	vcmask $0xF0C;
	v1 =	vlaneseq.u32;
	v0 =	vsel vm14, $0x40000000, v0;
	s3 =	sadd.s32 $0x1020, s4;
	s4 =	sadd.s32 $0x1000, s4;
	s6 =	sadd.s32 s6, s7  }
0xc: {  	v1 =	vmul.u32 $0x4, v1;
	v0 =	vsel vm15, $0x3F800000, v0;
	s5 =	sadd.s32 $0x800, s5;
	s7 =	smax.u32 s8, $0x1;
	s8 =	simm.s32 $0xD00  }
.LBB2_1:
0xd: {  	[tilespmem:s2], [sflag:$0x1] =	stream.linear.gather [hbm4b:s3+s2], $0xB80, $0x38;
	[tilespmem:$0x1080] =	vst v63  }
0xe: {  	_ = 	snop  }
0xf: {  	[tilespmem:s8], [sflag:$0x1] =	stream.linear.gather [hbm4b:s4+s2], $0x100, $0x38;
	[tilespmem:$0x1080] =	vst v63  }
0x10: {  	_ = 	snop  }
0x11: {  	[tilespmem:s9], [sflag:$0x1] =	stream.linear.gather [hbm4b:s5+s2], $0x200, $0x38;
	[tilespmem:$0x1080] =	vst v63  }
0x12: {  	_ =	swait.ge [sflag:s10], $0xB80  }
0x13: {  	[sflag:s10] =	ssyncset.done $0x0  }
0x14: {  	[sflag:s10] =	ssyncadd.s32 $0xFFFFF480  }
0x15: {  	_ =	swait.ge [sflag:s10], $0x100  }
0x16: {  	[sflag:s10] =	ssyncset.done $0x0  }
0x17: {  	[sflag:s10] =	ssyncadd.s32 $0xFFFFFF00  }
0x18: {  	_ =	swait.ge [sflag:s10], $0x200  }
0x19: {  	[sflag:s10] =	ssyncset.done $0x0  }
0x1a: {  	[sflag:s10] =	ssyncadd.s32 $0xFFFFFE00  }
0x1b: {  	v2 =	vld [tilespmem:$0x0];
	_ =	sdelay $0x4  }
0x1c: {  	v2 =	vtrunc.f32 v2  }
0x1d: {  	v2 =	vcvt.f32.s32 v2;
	_ =	sdelay $0x1  }
0x1e: {  	vm0 =	vlt.s32 v2, $0xFF  }
0x1f: {  	v3 =	vnsel vm0, $0xFF, v2;
	_ =	sdelay $0x3  }
0x20: {  	[tilespmem:$0xC80] =	vst v0  }
0x21: {  	v3 =	vld.idx.msk [tilespmem:v3+s8+$0x0], $0xffff;
	_ =	sdelay $0x4  }
0x22: {  	v3 =	vsub.f32 $0.0e+00, v3;
	_ =	sdelay $0x1  }
0x23: {  	v3 =	vmul.f32 $1.442695020e+00, v3;
	_ =	sdelay $0x1  }
0x24: {  	(erf) = vpow2.f32 v3;
	_ =	sdelay $0x8  }
0x25: {  	v3 =	vpop (erf)  }
0x26: {  	v3 =	vadd.f32 $1.000000000e+00, v3;
	_ =	sdelay $0x1  }
0x27: {  	(erf) = vrcp.f32 v3;
	_ =	sdelay $0x8  }
0x28: {  	v3 =	vpop (erf)  }
0x29: {  	v3 =	vadd.f32 $0.0e+00, v3;
	_ =	sdelay $0x1  }
0x2a: {  	[tilespmem:v2+s11+$0x0] =	vst.idx.msk $0xffff, v3  }
0x2b: {  	v2 =	vld [tilespmem:$0x10];
	_ =	sdelay $0x4  }
0x2c: {  	v2 =	vtrunc.f32 v2  }
0x2d: {  	v2 =	vcvt.f32.s32 v2;
	_ =	sdelay $0x1  }
0x2e: {  	vm9 =	vlt.s32 v2, $0xFF  }
0x2f: {  	v3 =	vnsel vm9, $0xFF, v2;
	_ =	sdelay $0x4  }
0x30: {  	v3 =	vld.idx.msk [tilespmem:v3+s8+$0x0], $0xffff;
	_ =	sdelay $0x4  }
0x31: {  	v3 =	vsub.f32 $0.0e+00, v3;
	_ =	sdelay $0x1  }
0x32: {  	v3 =	vmul.f32 $1.442695020e+00, v3;
	_ =	sdelay $0x1  }
0x33: {  	(erf) = vpow2.f32 v3;
	_ =	sdelay $0x8  }
0x34: {  	v3 =	vpop (erf)  }
0x35: {  	v3 =	vadd.f32 $1.000000000e+00, v3;
	_ =	sdelay $0x1  }
0x36: {  	(erf) = vrcp.f32 v3;
	_ =	sdelay $0x8  }
0x37: {  	v3 =	vpop (erf)  }
0x38: {  	v3 =	vadd.f32 $0.0e+00, v3;
	_ =	sdelay $0x1  }
0x39: {  	[tilespmem:v2+s11+$0x0] =	vst.idx.msk $0xffff, v3  }
0x3a: {  	v2 =	vld [tilespmem:$0x20];
	_ =	sdelay $0x4  }
0x3b: {  	v2 =	vtrunc.f32 v2  }
0x3c: {  	v2 =	vcvt.f32.s32 v2;
	_ =	sdelay $0x1  }
0x3d: {  	vm10 =	vlt.s32 v2, $0xFF  }
0x3e: {  	v3 =	vnsel vm10, $0xFF, v2;
	_ =	sdelay $0x4  }
0x3f: {  	v3 =	vld.idx.msk [tilespmem:v3+s8+$0x0], $0xffff;
	_ =	sdelay $0x4  }
0x40: {  	v3 =	vsub.f32 $0.0e+00, v3;
	_ =	sdelay $0x1  }
0x41: {  	v3 =	vmul.f32 $1.442695020e+00, v3;
	_ =	sdelay $0x1  }
0x42: {  	(erf) = vpow2.f32 v3;
	_ =	sdelay $0x8  }
0x43: {  	v3 =	vpop (erf)  }
0x44: {  	v3 =	vadd.f32 $1.000000000e+00, v3;
	_ =	sdelay $0x1  }
0x45: {  	(erf) = vrcp.f32 v3;
	_ =	sdelay $0x8  }
0x46: {  	v3 =	vpop (erf)  }
0x47: {  	v3 =	vadd.f32 $0.0e+00, v3;
	_ =	sdelay $0x1  }
0x48: {  	[tilespmem:v2+s11+$0x0] =	vst.idx.msk $0xffff, v3  }
0x49: {  	v2 =	vld [tilespmem:$0x30];
	_ =	sdelay $0x1  }
0x4a: {  	v3 =	vld [tilespmem:$0x40]  }
0x4b: {  	v4 =	vld [tilespmem:$0x50]  }
0x4c: {  	v5 =	vld [tilespmem:$0x60]  }
0x4d: {  	v6 =	vld [tilespmem:$0x70];
	v2 =	vtrunc.f32 v2  }
0x4e: {  	v8 =	vld [tilespmem:$0x80];
	v2 =	vcvt.f32.s32 v2  }
0x4f: {  	v9 =	vld [tilespmem:$0x90]  }
0x50: {  	v10 =	vld [tilespmem:$0xA0];
	vm11 =	vlt.s32 v2, $0xFF  }
0x51: {  	v11 =	vld [tilespmem:$0xB0];
	v7 =	vnsel vm11, $0xFF, v2  }
0x52: {  	v12 =	vld [tilespmem:$0xC0]  }
0x53: {  	v13 =	vld [tilespmem:$0xD0]  }
0x54: {  	v14 =	vld [tilespmem:$0xE0];
	v3 =	vtrunc.f32 v3;
	v4 =	vtrunc.f32 v4  }
0x55: {  	v15 =	vld [tilespmem:$0xF0];
	v5 =	vtrunc.f32 v5;
	v3 =	vcvt.f32.s32 v3  }
0x56: {  	v6 =	vtrunc.f32 v6;
	v4 =	vcvt.f32.s32 v4;
	v7 =	vld.idx.msk [tilespmem:v7+s8+$0x0], $0xffff  }
0x57: {  	v16 =	vld [tilespmem:$0x100];
	v8 =	vtrunc.f32 v8;
	v5 =	vcvt.f32.s32 v5  }
0x58: {  	v17 =	vld [tilespmem:$0x120];
	v9 =	vtrunc.f32 v9;
	v6 =	vcvt.f32.s32 v6  }
0x59: {  	v18 =	vld [tilespmem:$0x130];
	v10 =	vtrunc.f32 v10;
	v11 =	vtrunc.f32 v11  }
0x5a: {  	v19 =	vld [tilespmem:$0x140];
	v13 =	vtrunc.f32 v13;
	v8 =	vcvt.f32.s32 v8  }
0x5b: {  	v14 =	vtrunc.f32 v14;
	v9 =	vcvt.f32.s32 v9;
	v3 =	vld.idx.msk [tilespmem:v3+s11+$0x0], $0xffff;
	v7 =	vsub.f32 $0.0e+00, v7  }
0x5c: {  	v15 =	vtrunc.f32 v15;
	v10 =	vcvt.f32.s32 v10;
	v4 =	vld.idx.msk [tilespmem:v4+s11+$0x0], $0xffff  }
0x5d: {  	v11 =	vcvt.f32.s32 v11;
	v5 =	vld.idx.msk [tilespmem:v5+s11+$0x0], $0xffff;
	v7 =	vmul.f32 $1.442695020e+00, v7  }
0x5e: {  	v13 =	vcvt.f32.s32 v13;
	v14 =	vcvt.f32.s32 v14;
	v6 =	vld.idx.msk [tilespmem:v6+s11+$0x0], $0xffff  }
0x5f: {  	(erf) = vpow2.f32 v7;
	v7 =	vtrunc.f32 v12;
	v12 =	vld [tilespmem:$0x110]  }
0x60: {  	v16 =	vtrunc.f32 v16;
	v15 =	vcvt.f32.s32 v15;
	v8 =	vld.idx.msk [tilespmem:v8+s11+$0x0], $0xffff  }
0x61: {  	v17 =	vtrunc.f32 v17;
	v16 =	vcvt.f32.s32 v16;
	v9 =	vld.idx.msk [tilespmem:v9+s11+$0x0], $0xffff  }
0x62: {  	v18 =	vtrunc.f32 v18;
	v17 =	vcvt.f32.s32 v17;
	v10 =	vld.idx.msk [tilespmem:v10+s11+$0x0], $0xffff  }
0x63: {  	v18 =	vcvt.f32.s32 v18;
	v11 =	vld.idx.msk [tilespmem:v11+s11+$0x0], $0xffff  }
0x64: {  	v13 =	vld.idx.msk [tilespmem:v13+s11+$0x0], $0xffff;
	v7 =	vcvt.f32.s32 v7;
	v12 =	vtrunc.f32 v12  }
0x65: {  	v14 =	vld.idx.msk [tilespmem:v14+s11+$0x0], $0xffff;
	v12 =	vcvt.f32.s32 v12  }
0x66: {  	v15 =	vld.idx.msk [tilespmem:v15+s11+$0x0], $0xffff  }
0x67: {  	v16 =	vld.idx.msk [tilespmem:v16+s11+$0x0], $0xffff  }
0x68: {  	v19 =	vtrunc.f32 v19;
	v17 =	vld.idx.msk [tilespmem:v17+s11+$0x0], $0xffff  }
0x69: {  	v19 =	vcvt.f32.s32 v19;
	v18 =	vld.idx.msk [tilespmem:v18+s11+$0x0], $0xffff  }
0x6a: {  	v7 =	vld.idx.msk [tilespmem:v7+s11+$0x0], $0xffff;
	v20 =	vpop (erf)  }
0x6b: {  	v20 =	vadd.f32 $1.000000000e+00, v20;
	v12 =	vld.idx.msk [tilespmem:v12+s11+$0x0], $0xffff;
	_ =	sdelay $0x1  }
0x6c: {  	(erf) = vrcp.f32 v20  }
0x6d: {  	v3 =	vmax.f32 v3, v4;
	v4 =	vmax.f32 v5, v6;
	v5 =	vmax.f32 v8, v9  }
0x6e: {  	v6 =	vld.idx.msk [tilespmem:v19+s11+$0x0], $0xffff;
	v8 =	vmax.f32 v10, v11;
	v9 =	vmax.f32 v14, v15;
	v11 =	vmax.f32 v17, v18  }
0x6f: {  	v3 =	vmax.f32 v3, v4;
	v7 =	vmax.f32 v7, v13;
	v10 =	vmax.f32 v16, v12  }
0x70: {  	v4 =	vmax.f32 v5, v8;
	v5 =	vmax.f32 v7, v9;
	v7 =	vmax.f32 v10, v11  }
0x71: {  	v3 =	vmax.f32 v3, v4;
	v4 =	vmax.f32 v5, v7  }
0x72: {  	v3 =	vmax.f32 v3, v4  }
0x73: {  	v3 =	vmax.f32 v3, v6  }
0x74: {  	v4 =	vsub.f32 $1.000000000e+00, v3  }
0x75: {  	v5 =	vpop (erf)  }
0x76: {  	v4 =	vmul.f32 v4, v5;
	_ =	sdelay $0x1  }
0x77: {  	v3 =	vadd.f32 v4, v3;
	_ =	sdelay $0x1  }
0x78: {  	[tilespmem:v2+s11+$0x0] =	vst.idx.msk $0xffff, v3  }
0x79: {  	v2 =	vld [tilespmem:$0x150]  }
0x7a: {  	v3 =	vld [tilespmem:$0x160]  }
0x7b: {  	v4 =	vld [tilespmem:$0x170]  }
0x7c: {  	v5 =	vld [tilespmem:$0x180]  }
0x7d: {  	v6 =	vld [tilespmem:$0x190]  }
0x7e: {  	v7 =	vld [tilespmem:$0x1A0]  }
0x7f: {  	v9 =	vld [tilespmem:$0x1B0]  }
0x80: {  	v10 =	vld [tilespmem:$0x1C0]  }
0x81: {  	v11 =	vld [tilespmem:$0x1D0]  }
0x82: {  	v12 =	vld [tilespmem:$0x1E0]  }
0x83: {  	v13 =	vld [tilespmem:$0x1F0]  }
0x84: {  	v14 =	vld [tilespmem:$0x200]  }
0x85: {  	v15 =	vld [tilespmem:$0x210]  }
0x86: {  	v16 =	vld [tilespmem:$0x220]  }
0x87: {  	v17 =	vld [tilespmem:$0x230]  }
0x88: {  	v18 =	vld [tilespmem:$0x240]  }
0x89: {  	v19 =	vld [tilespmem:$0x250]  }
0x8a: {  	v20 =	vld [tilespmem:$0x260]  }
0x8b: {  	v21 =	vld [tilespmem:$0x270]  }
0x8c: {  	v22 =	vld [tilespmem:$0x280]  }
0x8d: {  	v23 =	vld [tilespmem:$0x290]  }
0x8e: {  	v24 =	vld [tilespmem:$0x2A0]  }
0x8f: {  	v25 =	vld [tilespmem:$0x2B0]  }
0x90: {  	v26 =	vld [tilespmem:$0x2C0]  }
0x91: {  	v27 =	vld [tilespmem:$0x2D0]  }
0x92: {  	v28 =	vld [tilespmem:$0x2E0]  }
0x93: {  	v29 =	vld [tilespmem:$0x2F0]  }
0x94: {  	v30 =	vld [tilespmem:$0x300];
	v2 =	vtrunc.f32 v2  }
0x95: {  	v31 =	vld [tilespmem:$0x310];
	v3 =	vtrunc.f32 v3;
	v4 =	vtrunc.f32 v4  }
0x96: {  	v32 =	vld [tilespmem:$0x320];
	v5 =	vtrunc.f32 v5;
	v3 =	vcvt.f32.s32 v3  }
0x97: {  	v33 =	vld [tilespmem:$0x330];
	v6 =	vtrunc.f32 v6;
	v4 =	vcvt.f32.s32 v4  }
0x98: {  	v34 =	vld [tilespmem:$0x340];
	v7 =	vtrunc.f32 v7;
	v5 =	vcvt.f32.s32 v5  }
0x99: {  	v35 =	vld [tilespmem:$0x360];
	v9 =	vtrunc.f32 v9;
	v6 =	vcvt.f32.s32 v6  }
0x9a: {  	v36 =	vld [tilespmem:$0x370];
	v10 =	vtrunc.f32 v10;
	v7 =	vcvt.f32.s32 v7  }
0x9b: {  	v37 =	vld [tilespmem:$0x380];
	v11 =	vtrunc.f32 v11;
	v9 =	vcvt.f32.s32 v9  }
0x9c: {  	v12 =	vtrunc.f32 v12;
	v10 =	vcvt.f32.s32 v10;
	v3 =	vld.idx.msk [tilespmem:v3+s11+$0x0], $0xffff  }
0x9d: {  	v13 =	vtrunc.f32 v13;
	v11 =	vcvt.f32.s32 v11;
	v4 =	vld.idx.msk [tilespmem:v4+s11+$0x0], $0xffff  }
0x9e: {  	v14 =	vtrunc.f32 v14;
	v12 =	vcvt.f32.s32 v12;
	v5 =	vld.idx.msk [tilespmem:v5+s11+$0x0], $0xffff  }
0x9f: {  	v15 =	vtrunc.f32 v15;
	v13 =	vcvt.f32.s32 v13;
	v6 =	vld.idx.msk [tilespmem:v6+s11+$0x0], $0xffff  }
0xa0: {  	v16 =	vtrunc.f32 v16;
	v14 =	vcvt.f32.s32 v14;
	v7 =	vld.idx.msk [tilespmem:v7+s11+$0x0], $0xffff  }
0xa1: {  	v17 =	vtrunc.f32 v17;
	v15 =	vcvt.f32.s32 v15;
	v9 =	vld.idx.msk [tilespmem:v9+s11+$0x0], $0xffff  }
0xa2: {  	v2 =	vcvt.f32.s32 v2;
	v16 =	vcvt.f32.s32 v16;
	v10 =	vld.idx.msk [tilespmem:v10+s11+$0x0], $0xffff  }
0xa3: {  	v17 =	vcvt.f32.s32 v17;
	v11 =	vld.idx.msk [tilespmem:v11+s11+$0x0], $0xffff  }
0xa4: {  	v18 =	vtrunc.f32 v18;
	v19 =	vtrunc.f32 v19;
	vm12 =	vlt.s32 v2, $0xFF;
	v12 =	vld.idx.msk [tilespmem:v12+s11+$0x0], $0xffff  }
0xa5: {  	v20 =	vtrunc.f32 v20;
	v18 =	vcvt.f32.s32 v18;
	v8 =	vnsel vm12, $0xFF, v2;
	v13 =	vld.idx.msk [tilespmem:v13+s11+$0x0], $0xffff  }
0xa6: {  	v21 =	vtrunc.f32 v21;
	v19 =	vcvt.f32.s32 v19;
	v14 =	vld.idx.msk [tilespmem:v14+s11+$0x0], $0xffff  }
0xa7: {  	v22 =	vtrunc.f32 v22;
	v20 =	vcvt.f32.s32 v20;
	v15 =	vld.idx.msk [tilespmem:v15+s11+$0x0], $0xffff  }
0xa8: {  	v23 =	vtrunc.f32 v23;
	v21 =	vcvt.f32.s32 v21;
	v16 =	vld.idx.msk [tilespmem:v16+s11+$0x0], $0xffff  }
0xa9: {  	v24 =	vtrunc.f32 v24;
	v22 =	vcvt.f32.s32 v22;
	v17 =	vld.idx.msk [tilespmem:v17+s11+$0x0], $0xffff  }
0xaa: {  	v25 =	vtrunc.f32 v25;
	v23 =	vcvt.f32.s32 v23;
	v8 =	vld.idx.msk [tilespmem:v8+s8+$0x0], $0xffff  }
0xab: {  	v26 =	vtrunc.f32 v26;
	v24 =	vcvt.f32.s32 v24;
	v18 =	vld.idx.msk [tilespmem:v18+s11+$0x0], $0xffff  }
0xac: {  	v27 =	vtrunc.f32 v27;
	v25 =	vcvt.f32.s32 v25;
	v19 =	vld.idx.msk [tilespmem:v19+s11+$0x0], $0xffff  }
0xad: {  	v28 =	vtrunc.f32 v28;
	v29 =	vtrunc.f32 v29;
	v20 =	vld.idx.msk [tilespmem:v20+s11+$0x0], $0xffff  }
0xae: {  	v31 =	vtrunc.f32 v31;
	v26 =	vcvt.f32.s32 v26;
	v21 =	vld.idx.msk [tilespmem:v21+s11+$0x0], $0xffff  }
0xaf: {  	v32 =	vtrunc.f32 v32;
	v27 =	vcvt.f32.s32 v27;
	v22 =	vld.idx.msk [tilespmem:v22+s11+$0x0], $0xffff;
	v8 =	vsub.f32 $0.0e+00, v8  }
0xb0: {  	v33 =	vtrunc.f32 v33;
	v28 =	vcvt.f32.s32 v28;
	v23 =	vld.idx.msk [tilespmem:v23+s11+$0x0], $0xffff  }
0xb1: {  	v29 =	vcvt.f32.s32 v29;
	v24 =	vld.idx.msk [tilespmem:v24+s11+$0x0], $0xffff;
	v8 =	vmul.f32 $1.442695020e+00, v8  }
0xb2: {  	v31 =	vcvt.f32.s32 v31;
	v32 =	vcvt.f32.s32 v32;
	v25 =	vld.idx.msk [tilespmem:v25+s11+$0x0], $0xffff  }
0xb3: {  	(erf) = vpow2.f32 v8;
	v8 =	vtrunc.f32 v30;
	v30 =	vld [tilespmem:$0x350]  }
0xb4: {  	v34 =	vtrunc.f32 v34;
	v33 =	vcvt.f32.s32 v33;
	v26 =	vld.idx.msk [tilespmem:v26+s11+$0x0], $0xffff  }
0xb5: {  	v35 =	vtrunc.f32 v35;
	v34 =	vcvt.f32.s32 v34;
	v27 =	vld.idx.msk [tilespmem:v27+s11+$0x0], $0xffff  }
0xb6: {  	v36 =	vtrunc.f32 v36;
	v35 =	vcvt.f32.s32 v35;
	v28 =	vld.idx.msk [tilespmem:v28+s11+$0x0], $0xffff  }
0xb7: {  	v36 =	vcvt.f32.s32 v36;
	v29 =	vld.idx.msk [tilespmem:v29+s11+$0x0], $0xffff  }
0xb8: {  	v31 =	vld.idx.msk [tilespmem:v31+s11+$0x0], $0xffff;
	v8 =	vcvt.f32.s32 v8;
	v30 =	vtrunc.f32 v30  }
0xb9: {  	v32 =	vld.idx.msk [tilespmem:v32+s11+$0x0], $0xffff;
	v30 =	vcvt.f32.s32 v30  }
0xba: {  	v33 =	vld.idx.msk [tilespmem:v33+s11+$0x0], $0xffff  }
0xbb: {  	v37 =	vtrunc.f32 v37;
	v34 =	vld.idx.msk [tilespmem:v34+s11+$0x0], $0xffff  }
0xbc: {  	v37 =	vcvt.f32.s32 v37;
	v3 =	vmax.f32 v3, v4;
	v4 =	vld.idx.msk [tilespmem:v35+s11+$0x0], $0xffff  }
0xbd: {  	v5 =	vmax.f32 v5, v6;
	v6 =	vmax.f32 v7, v9;
	v9 =	vld.idx.msk [tilespmem:v36+s11+$0x0], $0xffff  }
0xbe: {  	v7 =	vmax.f32 v10, v11;
	v10 =	vmax.f32 v12, v13;
	v11 =	vmin.f32 v18, v19;
	v8 =	vld.idx.msk [tilespmem:v8+s11+$0x0], $0xffff;
	v38 =	vpop (erf)  }
0xbf: {  	v12 =	vmin.f32 v20, v21;
	v13 =	vmin.f32 v22, v23;
	v38 =	vadd.f32 $1.000000000e+00, v38;
	v30 =	vld.idx.msk [tilespmem:v30+s11+$0x0], $0xffff  }
0xc0: {  	v18 =	vmin.f32 v32, v33;
	v3 =	vmax.f32 v3, v5;
	v5 =	vmax.f32 v6, v7  }
0xc1: {  	v6 =	vmin.f32 v14, v15;
	v7 =	vmin.f32 v16, v17;
	(erf) = vrcp.f32 v38  }
0xc2: {  	v14 =	vmin.f32 v24, v25;
	v15 =	vld.idx.msk [tilespmem:v37+s11+$0x0], $0xffff;
	v16 =	vmin.f32 v26, v27;
	v17 =	vmin.f32 v28, v29  }
0xc3: {  	v6 =	vmin.f32 v6, v7;
	v7 =	vmin.f32 v11, v12;
	v11 =	vmin.f32 v16, v17  }
0xc4: {  	v4 =	vmin.f32 v4, v9;
	v8 =	vmin.f32 v8, v31;
	v19 =	vmin.f32 v34, v30  }
0xc5: {  	v9 =	vmin.f32 v13, v14;
	v8 =	vmin.f32 v8, v18;
	v4 =	vmin.f32 v19, v4  }
0xc6: {  	v6 =	vmin.f32 v6, v7;
	v7 =	vmin.f32 v9, v11;
	v4 =	vmin.f32 v8, v4  }
0xc7: {  	v3 =	vmax.f32 v3, v5;
	v5 =	vmin.f32 v6, v7;
	v4 =	vmin.f32 v4, v15  }
0xc8: {  	v3 =	vmax.f32 v3, v10;
	v4 =	vmin.f32 v5, v4  }
0xc9: {  	v4 =	vsub.f32 v4, v3  }
0xca: {  	v5 =	vpop (erf)  }
0xcb: {  	v4 =	vmul.f32 v4, v5;
	_ =	sdelay $0x1  }
0xcc: {  	v3 =	vadd.f32 v4, v3;
	_ =	sdelay $0x1  }
0xcd: {  	[tilespmem:v2+s11+$0x0] =	vst.idx.msk $0xffff, v3  }
0xce: {  	v2 =	vld [tilespmem:$0x390]  }
0xcf: {  	v3 =	vld [tilespmem:$0x3A0]  }
0xd0: {  	v4 =	vld [tilespmem:$0x3B0]  }
0xd1: {  	v5 =	vld [tilespmem:$0x3C0]  }
0xd2: {  	v6 =	vld [tilespmem:$0x3D0]  }
0xd3: {  	v7 =	vld [tilespmem:$0x3E0]  }
0xd4: {  	v8 =	vld [tilespmem:$0x3F0]  }
0xd5: {  	v10 =	vld [tilespmem:$0x400]  }
0xd6: {  	v11 =	vld [tilespmem:$0x410]  }
0xd7: {  	v12 =	vld [tilespmem:$0x420];
	v2 =	vtrunc.f32 v2  }
0xd8: {  	v13 =	vld [tilespmem:$0x430];
	v2 =	vcvt.f32.s32 v2  }
0xd9: {  	v14 =	vld [tilespmem:$0x440]  }
0xda: {  	v15 =	vld [tilespmem:$0x450];
	vm13 =	vlt.s32 v2, $0xFF  }
0xdb: {  	v16 =	vld [tilespmem:$0x460];
	v9 =	vnsel vm13, $0xFF, v2  }
0xdc: {  	v17 =	vld [tilespmem:$0x480];
	v3 =	vtrunc.f32 v3;
	v4 =	vtrunc.f32 v4  }
0xdd: {  	v18 =	vld [tilespmem:$0x490];
	v5 =	vtrunc.f32 v5;
	v3 =	vcvt.f32.s32 v3  }
0xde: {  	v19 =	vld [tilespmem:$0x4A0];
	v6 =	vtrunc.f32 v6;
	v4 =	vcvt.f32.s32 v4  }
0xdf: {  	v20 =	vld [tilespmem:$0x4B0];
	v7 =	vtrunc.f32 v7;
	v5 =	vcvt.f32.s32 v5  }
0xe0: {  	v8 =	vtrunc.f32 v8;
	v6 =	vcvt.f32.s32 v6;
	v9 =	vld.idx.msk [tilespmem:v9+s8+$0x0], $0xffff  }
0xe1: {  	v21 =	vld [tilespmem:$0x4C0];
	v10 =	vtrunc.f32 v10;
	v7 =	vcvt.f32.s32 v7  }
0xe2: {  	v22 =	vld [tilespmem:$0x4D0];
	v11 =	vtrunc.f32 v11;
	v8 =	vcvt.f32.s32 v8  }
0xe3: {  	v13 =	vtrunc.f32 v13;
	v14 =	vtrunc.f32 v14;
	v3 =	vld.idx.msk [tilespmem:v3+s11+$0x0], $0xffff  }
0xe4: {  	v15 =	vtrunc.f32 v15;
	v10 =	vcvt.f32.s32 v10;
	v4 =	vld.idx.msk [tilespmem:v4+s11+$0x0], $0xffff  }
0xe5: {  	v16 =	vtrunc.f32 v16;
	v11 =	vcvt.f32.s32 v11;
	v5 =	vld.idx.msk [tilespmem:v5+s11+$0x0], $0xffff;
	v9 =	vsub.f32 $0.0e+00, v9  }
0xe6: {  	v17 =	vtrunc.f32 v17;
	v13 =	vcvt.f32.s32 v13;
	v6 =	vld.idx.msk [tilespmem:v6+s11+$0x0], $0xffff  }
0xe7: {  	v14 =	vcvt.f32.s32 v14;
	v7 =	vld.idx.msk [tilespmem:v7+s11+$0x0], $0xffff;
	v9 =	vmul.f32 $1.442695020e+00, v9  }
0xe8: {  	v15 =	vcvt.f32.s32 v15;
	v16 =	vcvt.f32.s32 v16;
	v8 =	vld.idx.msk [tilespmem:v8+s11+$0x0], $0xffff  }
0xe9: {  	(erf) = vpow2.f32 v9;
	v9 =	vtrunc.f32 v12;
	v12 =	vld [tilespmem:$0x470]  }
0xea: {  	v18 =	vtrunc.f32 v18;
	v17 =	vcvt.f32.s32 v17;
	v10 =	vld.idx.msk [tilespmem:v10+s11+$0x0], $0xffff  }
0xeb: {  	v19 =	vtrunc.f32 v19;
	v18 =	vcvt.f32.s32 v18;
	v11 =	vld.idx.msk [tilespmem:v11+s11+$0x0], $0xffff  }
0xec: {  	v20 =	vtrunc.f32 v20;
	v19 =	vcvt.f32.s32 v19;
	v13 =	vld.idx.msk [tilespmem:v13+s11+$0x0], $0xffff  }
0xed: {  	v20 =	vcvt.f32.s32 v20;
	v14 =	vld.idx.msk [tilespmem:v14+s11+$0x0], $0xffff  }
0xee: {  	v15 =	vld.idx.msk [tilespmem:v15+s11+$0x0], $0xffff;
	v9 =	vcvt.f32.s32 v9;
	v12 =	vtrunc.f32 v12  }
0xef: {  	v21 =	vtrunc.f32 v21;
	v16 =	vld.idx.msk [tilespmem:v16+s11+$0x0], $0xffff;
	v12 =	vcvt.f32.s32 v12  }
0xf0: {  	v22 =	vtrunc.f32 v22;
	v21 =	vcvt.f32.s32 v21;
	v17 =	vld.idx.msk [tilespmem:v17+s11+$0x0], $0xffff  }
0xf1: {  	v22 =	vcvt.f32.s32 v22;
	v18 =	vld.idx.msk [tilespmem:v18+s11+$0x0], $0xffff  }
0xf2: {  	v19 =	vld.idx.msk [tilespmem:v19+s11+$0x0], $0xffff  }
0xf3: {  	v20 =	vld.idx.msk [tilespmem:v20+s11+$0x0], $0xffff;
	v23 =	vpop (erf)  }
0xf4: {  	v9 =	vld.idx.msk [tilespmem:v9+s11+$0x0], $0xffff;
	v23 =	vadd.f32 $1.000000000e+00, v23  }
0xf5: {  	v12 =	vld.idx.msk [tilespmem:v12+s11+$0x0], $0xffff  }
0xf6: {  	v21 =	vld.idx.msk [tilespmem:v21+s11+$0x0], $0xffff;
	(erf) = vrcp.f32 v23  }
0xf7: {  	v3 =	vmax.f32 v3, v4;
	v4 =	vld.idx.msk [tilespmem:v22+s11+$0x0], $0xffff  }
0xf8: {  	v5 =	vmax.f32 v5, v6;
	v6 =	vmax.f32 v7, v8;
	v7 =	vmax.f32 v10, v11  }
0xf9: {  	v10 =	vmin.f32 v17, v18;
	v11 =	vmin.f32 v19, v20;
	v3 =	vmax.f32 v3, v5  }
0xfa: {  	v5 =	vmin.f32 v14, v15;
	v8 =	vmax.f32 v9, v13;
	v9 =	vmin.f32 v16, v12  }
0xfb: {  	v6 =	vmax.f32 v6, v7;
	v7 =	vmin.f32 v10, v11;
	v5 =	vmin.f32 v5, v9  }
0xfc: {  	v3 =	vmax.f32 v3, v6;
	v4 =	vmin.f32 v21, v4;
	v5 =	vmin.f32 v5, v7  }
0xfd: {  	v3 =	vmax.f32 v3, v8;
	v4 =	vmin.f32 v5, v4  }
0xfe: {  	v4 =	vsub.f32 v4, v3  }
0xff: {  	v5 =	vpop (erf)  }
0x100: {  	v4 =	vmul.f32 v4, v5;
	_ =	sdelay $0x1  }
0x101: {  	v3 =	vadd.f32 v4, v3;
	_ =	sdelay $0x1  }
0x102: {  	[tilespmem:v2+s11+$0x0] =	vst.idx.msk $0xffff, v3  }
0x103: {  	v2 =	vld [tilespmem:$0x4E0];
	_ =	sdelay $0x4  }
0x104: {  	v2 =	vtrunc.f32 v2  }
0x105: {  	v2 =	vcvt.f32.s32 v2;
	_ =	sdelay $0x1  }
0x106: {  	vm14 =	vlt.s32 v2, $0xFF  }
0x107: {  	v4 =	vnsel vm14, $0xFF, v2  }
0x108: {  	v3 =	vld [tilespmem:$0x4F0]  }
0x109: {  	v6 =	vld [tilespmem:$0x530]  }
0x10a: {  	v7 =	vld [tilespmem:$0x540]  }
0x10b: {  	v8 =	vld [tilespmem:$0x550]  }
0x10c: {  	v4 =	vld.idx.msk [tilespmem:v4+s8+$0x0], $0xffff  }
0x10d: {  	v9 =	vld [tilespmem:$0x560];
	_ =	sdelay $0x2  }
0x10e: {  	v5 =	vld [tilespmem:$0x500];
	v3 =	vtrunc.f32 v3;
	v6 =	vtrunc.f32 v6  }
0x10f: {  	v10 =	vld [tilespmem:$0x580];
	v7 =	vtrunc.f32 v7;
	v8 =	vtrunc.f32 v8;
	v4 =	vsub.f32 $0.0e+00, v4  }
0x110: {  	v11 =	vld [tilespmem:$0x590];
	v9 =	vtrunc.f32 v9;
	v3 =	vcvt.f32.s32 v3  }
0x111: {  	v12 =	vld [tilespmem:$0x5A0];
	v6 =	vcvt.f32.s32 v6;
	v4 =	vmul.f32 $1.442695020e+00, v4  }
0x112: {  	v13 =	vld [tilespmem:$0x510];
	v7 =	vcvt.f32.s32 v7;
	v8 =	vcvt.f32.s32 v8  }
0x113: {  	(erf) = vpow2.f32 v4;
	v4 =	vtrunc.f32 v5;
	v5 =	vld [tilespmem:$0x570]  }
0x114: {  	v14 =	vld [tilespmem:$0x520];
	v10 =	vtrunc.f32 v10;
	v9 =	vcvt.f32.s32 v9  }
0x115: {  	v15 =	vld [tilespmem:$0x5B0];
	v11 =	vtrunc.f32 v11;
	v10 =	vcvt.f32.s32 v10  }
0x116: {  	v12 =	vtrunc.f32 v12;
	v11 =	vcvt.f32.s32 v11;
	v3 =	vld.idx.msk [tilespmem:v3+s11+$0x0], $0xffff  }
0x117: {  	v13 =	vtrunc.f32 v13;
	v12 =	vcvt.f32.s32 v12;
	v6 =	vld.idx.msk [tilespmem:v6+s11+$0x0], $0xffff  }
0x118: {  	v13 =	vcvt.f32.s32 v13;
	v7 =	vld.idx.msk [tilespmem:v7+s11+$0x0], $0xffff;
	v5 =	vtrunc.f32 v5  }
0x119: {  	v14 =	vtrunc.f32 v14;
	v8 =	vld.idx.msk [tilespmem:v8+s11+$0x0], $0xffff;
	v5 =	vcvt.f32.s32 v5  }
0x11a: {  	v14 =	vcvt.f32.s32 v14;
	v9 =	vld.idx.msk [tilespmem:v9+s11+$0x0], $0xffff  }
0x11b: {  	v15 =	vtrunc.f32 v15;
	v10 =	vld.idx.msk [tilespmem:v10+s11+$0x0], $0xffff;
	v4 =	vcvt.f32.s32 v4  }
0x11c: {  	v15 =	vcvt.f32.s32 v15;
	v11 =	vld.idx.msk [tilespmem:v11+s11+$0x0], $0xffff  }
0x11d: {  	v12 =	vld.idx.msk [tilespmem:v12+s11+$0x0], $0xffff;
	v16 =	vpop (erf)  }
0x11e: {  	v13 =	vld.idx.msk [tilespmem:v13+s11+$0x0], $0xffff;
	v16 =	vadd.f32 $1.000000000e+00, v16  }
0x11f: {  	v5 =	vld.idx.msk [tilespmem:v5+s11+$0x0], $0xffff  }
0x120: {  	v14 =	vld.idx.msk [tilespmem:v14+s11+$0x0], $0xffff;
	(erf) = vrcp.f32 v16  }
0x121: {  	v4 =	vld.idx.msk [tilespmem:v4+s11+$0x0], $0xffff  }
0x122: {  	v15 =	vld.idx.msk [tilespmem:v15+s11+$0x0], $0xffff  }
0x123: {  	v6 =	vmin.f32 v6, v7  }
0x124: {  	v7 =	vmin.f32 v8, v9;
	v8 =	vmin.f32 v11, v12;
	v5 =	vmin.f32 v5, v10  }
0x125: {  	v6 =	vmin.f32 v6, v7;
	v5 =	vmin.f32 v5, v8  }
0x126: {  	v3 =	vmax.f32 v3, v4;
	v4 =	vmax.f32 v13, v14;
	v5 =	vmin.f32 v6, v5  }
0x127: {  	v3 =	vmax.f32 v3, v4;
	v4 =	vmin.f32 v5, v15  }
0x128: {  	v4 =	vsub.f32 v4, v3  }
0x129: {  	v5 =	vpop (erf)  }
0x12a: {  	v4 =	vmul.f32 v4, v5;
	_ =	sdelay $0x1  }
0x12b: {  	v3 =	vadd.f32 v4, v3;
	_ =	sdelay $0x1  }
0x12c: {  	[tilespmem:v2+s11+$0x0] =	vst.idx.msk $0xffff, v3  }
0x12d: {  	v2 =	vld [tilespmem:$0x5C0];
	_ =	sdelay $0x4  }
0x12e: {  	v2 =	vtrunc.f32 v2  }
0x12f: {  	v2 =	vcvt.f32.s32 v2;
	_ =	sdelay $0x1  }
0x130: {  	vm15 =	vlt.s32 v2, $0xFF  }
0x131: {  	v5 =	vld [tilespmem:$0x5E0];
	v3 =	vnsel vm15, $0xFF, v2  }
0x132: {  	v6 =	vld [tilespmem:$0x5F0]  }
0x133: {  	v7 =	vld [tilespmem:$0x610]  }
0x134: {  	v8 =	vld [tilespmem:$0x620]  }
0x135: {  	v9 =	vld [tilespmem:$0x640]  }
0x136: {  	v3 =	vld.idx.msk [tilespmem:v3+s8+$0x0], $0xffff  }
0x137: {  	v10 =	vld [tilespmem:$0x650];
	_ =	sdelay $0x1  }
0x138: {  	v5 =	vtrunc.f32 v5;
	v6 =	vtrunc.f32 v6  }
0x139: {  	v4 =	vld [tilespmem:$0x5D0];
	v7 =	vtrunc.f32 v7;
	v8 =	vtrunc.f32 v8  }
0x13a: {  	v11 =	vld [tilespmem:$0x660];
	v9 =	vtrunc.f32 v9;
	v5 =	vcvt.f32.s32 v5;
	v3 =	vsub.f32 $0.0e+00, v3  }
0x13b: {  	v12 =	vld [tilespmem:$0x670];
	v10 =	vtrunc.f32 v10;
	v6 =	vcvt.f32.s32 v6  }
0x13c: {  	v13 =	vld [tilespmem:$0x680];
	v7 =	vcvt.f32.s32 v7;
	v3 =	vmul.f32 $1.442695020e+00, v3  }
0x13d: {  	v8 =	vcvt.f32.s32 v8;
	v9 =	vcvt.f32.s32 v9  }
0x13e: {  	(erf) = vpow2.f32 v3;
	v3 =	vtrunc.f32 v4;
	v4 =	vld [tilespmem:$0x630]  }
0x13f: {  	v14 =	vld [tilespmem:$0x600];
	v11 =	vtrunc.f32 v11;
	v10 =	vcvt.f32.s32 v10  }
0x140: {  	v12 =	vtrunc.f32 v12;
	v11 =	vcvt.f32.s32 v11;
	v5 =	vld.idx.msk [tilespmem:v5+s11+$0x0], $0xffff  }
0x141: {  	v13 =	vtrunc.f32 v13;
	v12 =	vcvt.f32.s32 v12;
	v6 =	vld.idx.msk [tilespmem:v6+s11+$0x0], $0xffff  }
0x142: {  	v13 =	vcvt.f32.s32 v13;
	v7 =	vld.idx.msk [tilespmem:v7+s11+$0x0], $0xffff  }
0x143: {  	v8 =	vld.idx.msk [tilespmem:v8+s11+$0x0], $0xffff;
	v3 =	vcvt.f32.s32 v3;
	v4 =	vtrunc.f32 v4  }
0x144: {  	v14 =	vtrunc.f32 v14;
	v9 =	vld.idx.msk [tilespmem:v9+s11+$0x0], $0xffff;
	v4 =	vcvt.f32.s32 v4  }
0x145: {  	v14 =	vcvt.f32.s32 v14;
	v10 =	vld.idx.msk [tilespmem:v10+s11+$0x0], $0xffff  }
0x146: {  	v11 =	vld.idx.msk [tilespmem:v11+s11+$0x0], $0xffff  }
0x147: {  	v12 =	vld.idx.msk [tilespmem:v12+s11+$0x0], $0xffff;
	v15 =	vpop (erf)  }
0x148: {  	v13 =	vld.idx.msk [tilespmem:v13+s11+$0x0], $0xffff;
	v15 =	vadd.f32 $1.000000000e+00, v15  }
0x149: {  	v3 =	vld.idx.msk [tilespmem:v3+s11+$0x0], $0xffff  }
0x14a: {  	v4 =	vld.idx.msk [tilespmem:v4+s11+$0x0], $0xffff;
	(erf) = vrcp.f32 v15  }
0x14b: {  	v14 =	vld.idx.msk [tilespmem:v14+s11+$0x0], $0xffff;
	_ =	sdelay $0x2  }
0x14c: {  	v3 =	vmax.f32 v3, v5;
	v5 =	vmin.f32 v7, v8  }
0x14d: {  	v7 =	vmin.f32 v10, v11;
	v8 =	vmin.f32 v12, v13;
	v4 =	vmin.f32 v4, v9  }
0x14e: {  	v6 =	vmax.f32 v6, v14;
	v4 =	vmin.f32 v5, v4;
	v5 =	vmin.f32 v7, v8  }
0x14f: {  	v3 =	vmax.f32 v3, v6;
	v4 =	vmin.f32 v4, v5  }
0x150: {  	v4 =	vsub.f32 v4, v3  }
0x151: {  	v5 =	vpop (erf)  }
0x152: {  	v4 =	vmul.f32 v4, v5;
	_ =	sdelay $0x1  }
0x153: {  	v3 =	vadd.f32 v4, v3;
	_ =	sdelay $0x1  }
0x154: {  	[tilespmem:v2+s11+$0x0] =	vst.idx.msk $0xffff, v3  }
0x155: {  	v2 =	vld [tilespmem:$0x690];
	_ =	sdelay $0x4  }
0x156: {  	v2 =	vtrunc.f32 v2  }
0x157: {  	v2 =	vcvt.f32.s32 v2;
	_ =	sdelay $0x1  }
0x158: {  	vm4 =	vlt.s32 v2, $0xFF  }
0x159: {  	v3 =	vnsel vm4, $0xFF, v2;
	_ =	sdelay $0x4  }
0x15a: {  	v3 =	vld.idx.msk [tilespmem:v3+s8+$0x0], $0xffff;
	_ =	sdelay $0x1  }
0x15b: {  	v5 =	vld [tilespmem:$0x6B0]  }
0x15c: {  	v6 =	vld [tilespmem:$0x6D0]  }
0x15d: {  	v4 =	vld [tilespmem:$0x6A0]  }
0x15e: {  	v7 =	vld [tilespmem:$0x6E0];
	v3 =	vsub.f32 $0.0e+00, v3  }
0x15f: {  	v8 =	vld [tilespmem:$0x6F0]  }
0x160: {  	v9 =	vld [tilespmem:$0x710];
	v5 =	vtrunc.f32 v5;
	v3 =	vmul.f32 $1.442695020e+00, v3  }
0x161: {  	v10 =	vld [tilespmem:$0x720];
	v6 =	vtrunc.f32 v6;
	v5 =	vcvt.f32.s32 v5  }
0x162: {  	(erf) = vpow2.f32 v3;
	v3 =	vtrunc.f32 v4;
	v4 =	vld [tilespmem:$0x700]  }
0x163: {  	v7 =	vtrunc.f32 v7;
	v6 =	vcvt.f32.s32 v6  }
0x164: {  	v11 =	vld [tilespmem:$0x6C0];
	v8 =	vtrunc.f32 v8;
	v7 =	vcvt.f32.s32 v7  }
0x165: {  	v9 =	vtrunc.f32 v9;
	v8 =	vcvt.f32.s32 v8  }
0x166: {  	v10 =	vtrunc.f32 v10;
	v9 =	vcvt.f32.s32 v9  }
0x167: {  	v10 =	vcvt.f32.s32 v10;
	v4 =	vtrunc.f32 v4  }
0x168: {  	v5 =	vld.idx.msk [tilespmem:v5+s11+$0x0], $0xffff;
	v4 =	vcvt.f32.s32 v4  }
0x169: {  	v11 =	vtrunc.f32 v11;
	v6 =	vld.idx.msk [tilespmem:v6+s11+$0x0], $0xffff;
	v3 =	vcvt.f32.s32 v3  }
0x16a: {  	v11 =	vcvt.f32.s32 v11;
	v7 =	vld.idx.msk [tilespmem:v7+s11+$0x0], $0xffff  }
0x16b: {  	v8 =	vld.idx.msk [tilespmem:v8+s11+$0x0], $0xffff;
	v12 =	vpop (erf)  }
0x16c: {  	v9 =	vld.idx.msk [tilespmem:v9+s11+$0x0], $0xffff;
	v12 =	vadd.f32 $1.000000000e+00, v12  }
0x16d: {  	v10 =	vld.idx.msk [tilespmem:v10+s11+$0x0], $0xffff  }
0x16e: {  	v4 =	vld.idx.msk [tilespmem:v4+s11+$0x0], $0xffff;
	(erf) = vrcp.f32 v12  }
0x16f: {  	v3 =	vld.idx.msk [tilespmem:v3+s11+$0x0], $0xffff  }
0x170: {  	v11 =	vld.idx.msk [tilespmem:v11+s11+$0x0], $0xffff;
	_ =	sdelay $0x2  }
0x171: {  	v6 =	vmin.f32 v6, v7;
	v4 =	vmin.f32 v8, v4  }
0x172: {  	v3 =	vmax.f32 v3, v5;
	v5 =	vmin.f32 v9, v10;
	v4 =	vmin.f32 v6, v4  }
0x173: {  	v3 =	vmax.f32 v3, v11;
	v4 =	vmin.f32 v4, v5  }
0x174: {  	v4 =	vsub.f32 v4, v3  }
0x175: {  	v5 =	vpop (erf)  }
0x176: {  	v4 =	vmul.f32 v4, v5;
	_ =	sdelay $0x1  }
0x177: {  	v3 =	vadd.f32 v4, v3;
	_ =	sdelay $0x1  }
0x178: {  	[tilespmem:v2+s11+$0x0] =	vst.idx.msk $0xffff, v3  }
0x179: {  	v2 =	vld [tilespmem:$0x730];
	_ =	sdelay $0x4  }
0x17a: {  	v2 =	vtrunc.f32 v2  }
0x17b: {  	v2 =	vcvt.f32.s32 v2;
	_ =	sdelay $0x1  }
0x17c: {  	vm5 =	vlt.s32 v2, $0xFF  }
0x17d: {  	v3 =	vnsel vm5, $0xFF, v2;
	_ =	sdelay $0x1  }
0x17e: {  	v5 =	vld [tilespmem:$0x760]  }
0x17f: {  	v6 =	vld [tilespmem:$0x770]  }
0x180: {  	v7 =	vld [tilespmem:$0x780]  }
0x181: {  	v3 =	vld.idx.msk [tilespmem:v3+s8+$0x0], $0xffff  }
0x182: {  	v8 =	vld [tilespmem:$0x790];
	_ =	sdelay $0x2  }
0x183: {  	v4 =	vld [tilespmem:$0x740]  }
0x184: {  	v9 =	vld [tilespmem:$0x7B0];
	v5 =	vtrunc.f32 v5;
	v6 =	vtrunc.f32 v6;
	v3 =	vsub.f32 $0.0e+00, v3  }
0x185: {  	v10 =	vld [tilespmem:$0x7C0];
	v7 =	vtrunc.f32 v7;
	v8 =	vtrunc.f32 v8  }
0x186: {  	v11 =	vld [tilespmem:$0x7D0];
	v5 =	vcvt.f32.s32 v5;
	v3 =	vmul.f32 $1.442695020e+00, v3  }
0x187: {  	v12 =	vld [tilespmem:$0x7E0];
	v6 =	vcvt.f32.s32 v6;
	v7 =	vcvt.f32.s32 v7  }
0x188: {  	(erf) = vpow2.f32 v3;
	v3 =	vtrunc.f32 v4;
	v4 =	vld [tilespmem:$0x7A0]  }
0x189: {  	v13 =	vld [tilespmem:$0x7F0];
	v9 =	vtrunc.f32 v9;
	v8 =	vcvt.f32.s32 v8  }
0x18a: {  	v14 =	vld [tilespmem:$0x750];
	v10 =	vtrunc.f32 v10;
	v9 =	vcvt.f32.s32 v9  }
0x18b: {  	v11 =	vtrunc.f32 v11;
	v10 =	vcvt.f32.s32 v10  }
0x18c: {  	v12 =	vtrunc.f32 v12;
	v11 =	vcvt.f32.s32 v11;
	v5 =	vld.idx.msk [tilespmem:v5+s11+$0x0], $0xffff  }
0x18d: {  	v12 =	vcvt.f32.s32 v12;
	v6 =	vld.idx.msk [tilespmem:v6+s11+$0x0], $0xffff;
	v4 =	vtrunc.f32 v4  }
0x18e: {  	v13 =	vtrunc.f32 v13;
	v7 =	vld.idx.msk [tilespmem:v7+s11+$0x0], $0xffff;
	v4 =	vcvt.f32.s32 v4  }
0x18f: {  	v14 =	vtrunc.f32 v14;
	v13 =	vcvt.f32.s32 v13;
	v8 =	vld.idx.msk [tilespmem:v8+s11+$0x0], $0xffff  }
0x190: {  	v14 =	vcvt.f32.s32 v14;
	v9 =	vld.idx.msk [tilespmem:v9+s11+$0x0], $0xffff  }
0x191: {  	v10 =	vld.idx.msk [tilespmem:v10+s11+$0x0], $0xffff;
	v3 =	vcvt.f32.s32 v3  }
0x192: {  	v11 =	vld.idx.msk [tilespmem:v11+s11+$0x0], $0xffff;
	v15 =	vpop (erf)  }
0x193: {  	v12 =	vld.idx.msk [tilespmem:v12+s11+$0x0], $0xffff;
	v15 =	vadd.f32 $1.000000000e+00, v15  }
0x194: {  	v4 =	vld.idx.msk [tilespmem:v4+s11+$0x0], $0xffff  }
0x195: {  	v13 =	vld.idx.msk [tilespmem:v13+s11+$0x0], $0xffff;
	(erf) = vrcp.f32 v15  }
0x196: {  	v14 =	vld.idx.msk [tilespmem:v14+s11+$0x0], $0xffff  }
0x197: {  	v3 =	vld.idx.msk [tilespmem:v3+s11+$0x0], $0xffff  }
0x198: {  	v5 =	vmin.f32 v5, v6  }
0x199: {  	v6 =	vmin.f32 v7, v8;
	v7 =	vmin.f32 v10, v11;
	v4 =	vmin.f32 v4, v9  }
0x19a: {  	v5 =	vmin.f32 v5, v6;
	v4 =	vmin.f32 v4, v7  }
0x19b: {  	v6 =	vmin.f32 v12, v13;
	v4 =	vmin.f32 v5, v4  }
0x19c: {  	v3 =	vmax.f32 v3, v14;
	v4 =	vmin.f32 v4, v6  }
0x19d: {  	v4 =	vsub.f32 v4, v3  }
0x19e: {  	v5 =	vpop (erf)  }
0x19f: {  	v4 =	vmul.f32 v4, v5;
	_ =	sdelay $0x1  }
0x1a0: {  	v3 =	vadd.f32 v4, v3;
	_ =	sdelay $0x1  }
0x1a1: {  	[tilespmem:v2+s11+$0x0] =	vst.idx.msk $0xffff, v3  }
0x1a2: {  	v2 =	vld [tilespmem:$0x800];
	_ =	sdelay $0x4  }
0x1a3: {  	v2 =	vtrunc.f32 v2  }
0x1a4: {  	v2 =	vcvt.f32.s32 v2;
	_ =	sdelay $0x1  }
0x1a5: {  	vm6 =	vlt.s32 v2, $0xFF  }
0x1a6: {  	v3 =	vnsel vm6, $0xFF, v2;
	_ =	sdelay $0x4  }
0x1a7: {  	v3 =	vld.idx.msk [tilespmem:v3+s8+$0x0], $0xffff  }
0x1a8: {  	v5 =	vld [tilespmem:$0x820]  }
0x1a9: {  	v6 =	vld [tilespmem:$0x830]  }
0x1aa: {  	v7 =	vld [tilespmem:$0x840];
	_ =	sdelay $0x1  }
0x1ab: {  	v4 =	vld [tilespmem:$0x810];
	v3 =	vsub.f32 $0.0e+00, v3  }
0x1ac: {  	v8 =	vld [tilespmem:$0x850]  }
0x1ad: {  	v9 =	vld [tilespmem:$0x870];
	v5 =	vtrunc.f32 v5;
	v3 =	vmul.f32 $1.442695020e+00, v3  }
0x1ae: {  	v10 =	vld [tilespmem:$0x880];
	v6 =	vtrunc.f32 v6;
	v7 =	vtrunc.f32 v7  }
0x1af: {  	v5 =	vcvt.f32.s32 v5;
	(erf) = vpow2.f32 v3  }
0x1b0: {  	v6 =	vcvt.f32.s32 v6;
	v3 =	vtrunc.f32 v4;
	v4 =	vld [tilespmem:$0x860]  }
0x1b1: {  	v8 =	vtrunc.f32 v8;
	v7 =	vcvt.f32.s32 v7  }
0x1b2: {  	v9 =	vtrunc.f32 v9;
	v8 =	vcvt.f32.s32 v8  }
0x1b3: {  	v10 =	vtrunc.f32 v10;
	v9 =	vcvt.f32.s32 v9  }
0x1b4: {  	v10 =	vcvt.f32.s32 v10  }
0x1b5: {  	v5 =	vld.idx.msk [tilespmem:v5+s11+$0x0], $0xffff;
	v3 =	vcvt.f32.s32 v3;
	v4 =	vtrunc.f32 v4  }
0x1b6: {  	v6 =	vld.idx.msk [tilespmem:v6+s11+$0x0], $0xffff;
	v4 =	vcvt.f32.s32 v4  }
0x1b7: {  	v7 =	vld.idx.msk [tilespmem:v7+s11+$0x0], $0xffff  }
0x1b8: {  	v8 =	vld.idx.msk [tilespmem:v8+s11+$0x0], $0xffff;
	v11 =	vpop (erf)  }
0x1b9: {  	v9 =	vld.idx.msk [tilespmem:v9+s11+$0x0], $0xffff;
	v11 =	vadd.f32 $1.000000000e+00, v11  }
0x1ba: {  	v10 =	vld.idx.msk [tilespmem:v10+s11+$0x0], $0xffff  }
0x1bb: {  	v3 =	vld.idx.msk [tilespmem:v3+s11+$0x0], $0xffff;
	(erf) = vrcp.f32 v11  }
0x1bc: {  	v4 =	vld.idx.msk [tilespmem:v4+s11+$0x0], $0xffff;
	_ =	sdelay $0x3  }
0x1bd: {  	v3 =	vmax.f32 v3, v5  }
0x1be: {  	v5 =	vmax.f32 v6, v7;
	v6 =	vmin.f32 v9, v10;
	v4 =	vmin.f32 v8, v4  }
0x1bf: {  	v3 =	vmax.f32 v3, v5;
	v4 =	vmin.f32 v4, v6  }
0x1c0: {  	v4 =	vsub.f32 v4, v3  }
0x1c1: {  	v5 =	vpop (erf)  }
0x1c2: {  	v4 =	vmul.f32 v4, v5;
	_ =	sdelay $0x1  }
0x1c3: {  	v3 =	vadd.f32 v4, v3;
	_ =	sdelay $0x1  }
0x1c4: {  	[tilespmem:v2+s11+$0x0] =	vst.idx.msk $0xffff, v3  }
0x1c5: {  	v2 =	vld [tilespmem:$0x890];
	_ =	sdelay $0x4  }
0x1c6: {  	v2 =	vtrunc.f32 v2  }
0x1c7: {  	v2 =	vcvt.f32.s32 v2;
	_ =	sdelay $0x1  }
0x1c8: {  	vm7 =	vlt.s32 v2, $0xFF  }
0x1c9: {  	v3 =	vnsel vm7, $0xFF, v2;
	_ =	sdelay $0x4  }
0x1ca: {  	v3 =	vld.idx.msk [tilespmem:v3+s8+$0x0], $0xffff;
	_ =	sdelay $0x4  }
0x1cb: {  	v4 =	vld [tilespmem:$0x8A0];
	v3 =	vsub.f32 $0.0e+00, v3  }
0x1cc: {  	v5 =	vld [tilespmem:$0x8B0]  }
0x1cd: {  	v6 =	vld [tilespmem:$0x8C0];
	v3 =	vmul.f32 $1.442695020e+00, v3  }
0x1ce: {  	v7 =	vld [tilespmem:$0x8D0]  }
0x1cf: {  	v8 =	vld [tilespmem:$0x8F0];
	(erf) = vpow2.f32 v3  }
0x1d0: {  	v4 =	vtrunc.f32 v4;
	v3 =	vld [tilespmem:$0x8E0]  }
0x1d1: {  	v9 =	vld [tilespmem:$0x900];
	v5 =	vtrunc.f32 v5;
	v4 =	vcvt.f32.s32 v4  }
0x1d2: {  	v6 =	vtrunc.f32 v6;
	v5 =	vcvt.f32.s32 v5  }
0x1d3: {  	v7 =	vtrunc.f32 v7;
	v6 =	vcvt.f32.s32 v6  }
0x1d4: {  	v8 =	vtrunc.f32 v8;
	v7 =	vcvt.f32.s32 v7  }
0x1d5: {  	v8 =	vcvt.f32.s32 v8;
	v3 =	vtrunc.f32 v3  }
0x1d6: {  	v9 =	vtrunc.f32 v9;
	v3 =	vcvt.f32.s32 v3  }
0x1d7: {  	v9 =	vcvt.f32.s32 v9;
	v4 =	vld.idx.msk [tilespmem:v4+s11+$0x0], $0xffff  }
0x1d8: {  	v5 =	vld.idx.msk [tilespmem:v5+s11+$0x0], $0xffff;
	v10 =	vpop (erf)  }
0x1d9: {  	v6 =	vld.idx.msk [tilespmem:v6+s11+$0x0], $0xffff;
	v10 =	vadd.f32 $1.000000000e+00, v10  }
0x1da: {  	v7 =	vld.idx.msk [tilespmem:v7+s11+$0x0], $0xffff  }
0x1db: {  	v8 =	vld.idx.msk [tilespmem:v8+s11+$0x0], $0xffff;
	(erf) = vrcp.f32 v10  }
0x1dc: {  	v3 =	vld.idx.msk [tilespmem:v3+s11+$0x0], $0xffff  }
0x1dd: {  	v9 =	vld.idx.msk [tilespmem:v9+s11+$0x0], $0xffff;
	_ =	sdelay $0x3  }
0x1de: {  	v4 =	vmax.f32 v4, v5;
	v5 =	vmax.f32 v6, v7;
	v3 =	vmin.f32 v3, v8  }
0x1df: {  	v4 =	vmax.f32 v4, v5;
	v3 =	vmin.f32 v3, v9  }
0x1e0: {  	v3 =	vsub.f32 v3, v4  }
0x1e1: {  	v5 =	vpop (erf)  }
0x1e2: {  	v3 =	vmul.f32 v3, v5;
	_ =	sdelay $0x1  }
0x1e3: {  	v3 =	vadd.f32 v3, v4;
	_ =	sdelay $0x1  }
0x1e4: {  	[tilespmem:v2+s11+$0x0] =	vst.idx.msk $0xffff, v3  }
0x1e5: {  	v2 =	vld [tilespmem:$0x910];
	_ =	sdelay $0x4  }
0x1e6: {  	v2 =	vtrunc.f32 v2  }
0x1e7: {  	v2 =	vcvt.f32.s32 v2;
	_ =	sdelay $0x1  }
0x1e8: {  	vm8 =	vlt.s32 v2, $0xFF  }
0x1e9: {  	v3 =	vnsel vm8, $0xFF, v2;
	_ =	sdelay $0x4  }
0x1ea: {  	v3 =	vld.idx.msk [tilespmem:v3+s8+$0x0], $0xffff  }
0x1eb: {  	v5 =	vld [tilespmem:$0x930]  }
0x1ec: {  	v6 =	vld [tilespmem:$0x940]  }
0x1ed: {  	v7 =	vld [tilespmem:$0x950];
	_ =	sdelay $0x1  }
0x1ee: {  	v4 =	vld [tilespmem:$0x920];
	v3 =	vsub.f32 $0.0e+00, v3  }
0x1ef: {  	v8 =	vld [tilespmem:$0x960]  }
0x1f0: {  	v9 =	vld [tilespmem:$0x980];
	v5 =	vtrunc.f32 v5;
	v3 =	vmul.f32 $1.442695020e+00, v3  }
0x1f1: {  	v10 =	vld [tilespmem:$0x990];
	v6 =	vtrunc.f32 v6;
	v7 =	vtrunc.f32 v7  }
0x1f2: {  	v5 =	vcvt.f32.s32 v5;
	(erf) = vpow2.f32 v3  }
0x1f3: {  	v6 =	vcvt.f32.s32 v6;
	v3 =	vtrunc.f32 v4;
	v4 =	vld [tilespmem:$0x970]  }
0x1f4: {  	v8 =	vtrunc.f32 v8;
	v7 =	vcvt.f32.s32 v7  }
0x1f5: {  	v9 =	vtrunc.f32 v9;
	v8 =	vcvt.f32.s32 v8  }
0x1f6: {  	v10 =	vtrunc.f32 v10;
	v9 =	vcvt.f32.s32 v9  }
0x1f7: {  	v10 =	vcvt.f32.s32 v10  }
0x1f8: {  	v5 =	vld.idx.msk [tilespmem:v5+s11+$0x0], $0xffff;
	v3 =	vcvt.f32.s32 v3;
	v4 =	vtrunc.f32 v4  }
0x1f9: {  	v6 =	vld.idx.msk [tilespmem:v6+s11+$0x0], $0xffff;
	v4 =	vcvt.f32.s32 v4  }
0x1fa: {  	v7 =	vld.idx.msk [tilespmem:v7+s11+$0x0], $0xffff  }
0x1fb: {  	v8 =	vld.idx.msk [tilespmem:v8+s11+$0x0], $0xffff;
	v11 =	vpop (erf)  }
0x1fc: {  	v9 =	vld.idx.msk [tilespmem:v9+s11+$0x0], $0xffff;
	v11 =	vadd.f32 $1.000000000e+00, v11  }
0x1fd: {  	v10 =	vld.idx.msk [tilespmem:v10+s11+$0x0], $0xffff  }
0x1fe: {  	v3 =	vld.idx.msk [tilespmem:v3+s11+$0x0], $0xffff;
	(erf) = vrcp.f32 v11  }
0x1ff: {  	v4 =	vld.idx.msk [tilespmem:v4+s11+$0x0], $0xffff;
	_ =	sdelay $0x3  }
0x200: {  	v3 =	vmax.f32 v3, v5  }
0x201: {  	v5 =	vmax.f32 v6, v7;
	v6 =	vmin.f32 v9, v10;
	v4 =	vmin.f32 v8, v4  }
0x202: {  	v3 =	vmax.f32 v3, v5;
	v4 =	vmin.f32 v4, v6  }
0x203: {  	v4 =	vsub.f32 v4, v3  }
0x204: {  	v5 =	vpop (erf)  }
0x205: {  	v4 =	vmul.f32 v4, v5;
	_ =	sdelay $0x1  }
0x206: {  	v3 =	vadd.f32 v4, v3;
	_ =	sdelay $0x1  }
0x207: {  	[tilespmem:v2+s11+$0x0] =	vst.idx.msk $0xffff, v3  }
0x208: {  	v2 =	vld [tilespmem:$0x9A0];
	_ =	sdelay $0x4  }
0x209: {  	v2 =	vtrunc.f32 v2  }
0x20a: {  	v2 =	vcvt.f32.s32 v2;
	_ =	sdelay $0x1  }
0x20b: {  	vm9 =	vlt.s32 v2, $0xFF  }
0x20c: {  	v3 =	vnsel vm9, $0xFF, v2;
	_ =	sdelay $0x4  }
0x20d: {  	v3 =	vld.idx.msk [tilespmem:v3+s8+$0x0], $0xffff;
	_ =	sdelay $0x4  }
0x20e: {  	v4 =	vld [tilespmem:$0x9B0];
	v3 =	vsub.f32 $0.0e+00, v3  }
0x20f: {  	v5 =	vld [tilespmem:$0x9C0]  }
0x210: {  	v6 =	vld [tilespmem:$0x9E0];
	v3 =	vmul.f32 $1.442695020e+00, v3  }
0x211: {  	v7 =	vld [tilespmem:$0x9F0]  }
0x212: {  	v8 =	vld [tilespmem:$0xA10];
	(erf) = vpow2.f32 v3  }
0x213: {  	v4 =	vtrunc.f32 v4;
	v3 =	vld [tilespmem:$0xA00]  }
0x214: {  	v9 =	vld [tilespmem:$0x9D0];
	v5 =	vtrunc.f32 v5;
	v4 =	vcvt.f32.s32 v4  }
0x215: {  	v6 =	vtrunc.f32 v6;
	v5 =	vcvt.f32.s32 v5  }
0x216: {  	v7 =	vtrunc.f32 v7;
	v6 =	vcvt.f32.s32 v6  }
0x217: {  	v8 =	vtrunc.f32 v8;
	v7 =	vcvt.f32.s32 v7  }
0x218: {  	v8 =	vcvt.f32.s32 v8;
	v3 =	vtrunc.f32 v3  }
0x219: {  	v9 =	vtrunc.f32 v9;
	v3 =	vcvt.f32.s32 v3  }
0x21a: {  	v9 =	vcvt.f32.s32 v9;
	v4 =	vld.idx.msk [tilespmem:v4+s11+$0x0], $0xffff  }
0x21b: {  	v5 =	vld.idx.msk [tilespmem:v5+s11+$0x0], $0xffff;
	v10 =	vpop (erf)  }
0x21c: {  	v6 =	vld.idx.msk [tilespmem:v6+s11+$0x0], $0xffff;
	v10 =	vadd.f32 $1.000000000e+00, v10  }
0x21d: {  	v7 =	vld.idx.msk [tilespmem:v7+s11+$0x0], $0xffff  }
0x21e: {  	v8 =	vld.idx.msk [tilespmem:v8+s11+$0x0], $0xffff;
	(erf) = vrcp.f32 v10  }
0x21f: {  	v3 =	vld.idx.msk [tilespmem:v3+s11+$0x0], $0xffff  }
0x220: {  	v9 =	vld.idx.msk [tilespmem:v9+s11+$0x0], $0xffff;
	_ =	sdelay $0x3  }
0x221: {  	v4 =	vmax.f32 v4, v5;
	v5 =	vmin.f32 v6, v7;
	v3 =	vmin.f32 v3, v8  }
0x222: {  	v4 =	vmax.f32 v4, v9;
	v3 =	vmin.f32 v5, v3  }
0x223: {  	v3 =	vsub.f32 v3, v4  }
0x224: {  	v5 =	vpop (erf)  }
0x225: {  	v3 =	vmul.f32 v3, v5;
	_ =	sdelay $0x1  }
0x226: {  	v3 =	vadd.f32 v3, v4;
	_ =	sdelay $0x1  }
0x227: {  	[tilespmem:v2+s11+$0x0] =	vst.idx.msk $0xffff, v3  }
0x228: {  	v2 =	vld [tilespmem:$0xA20];
	_ =	sdelay $0x4  }
0x229: {  	v2 =	vtrunc.f32 v2  }
0x22a: {  	v2 =	vcvt.f32.s32 v2;
	_ =	sdelay $0x1  }
0x22b: {  	vm10 =	vlt.s32 v2, $0xFF  }
0x22c: {  	v3 =	vnsel vm10, $0xFF, v2;
	_ =	sdelay $0x4  }
0x22d: {  	v3 =	vld.idx.msk [tilespmem:v3+s8+$0x0], $0xffff;
	_ =	sdelay $0x4  }
0x22e: {  	v4 =	vld [tilespmem:$0xA30];
	v3 =	vsub.f32 $0.0e+00, v3  }
0x22f: {  	v5 =	vld [tilespmem:$0xA40]  }
0x230: {  	v6 =	vld [tilespmem:$0xA60];
	v3 =	vmul.f32 $1.442695020e+00, v3  }
0x231: {  	v7 =	vld [tilespmem:$0xA70]  }
0x232: {  	v8 =	vld [tilespmem:$0xA90];
	(erf) = vpow2.f32 v3  }
0x233: {  	v4 =	vtrunc.f32 v4;
	v3 =	vld [tilespmem:$0xA80]  }
0x234: {  	v9 =	vld [tilespmem:$0xA50];
	v5 =	vtrunc.f32 v5;
	v4 =	vcvt.f32.s32 v4  }
0x235: {  	v6 =	vtrunc.f32 v6;
	v5 =	vcvt.f32.s32 v5  }
0x236: {  	v7 =	vtrunc.f32 v7;
	v6 =	vcvt.f32.s32 v6  }
0x237: {  	v8 =	vtrunc.f32 v8;
	v7 =	vcvt.f32.s32 v7  }
0x238: {  	v8 =	vcvt.f32.s32 v8;
	v3 =	vtrunc.f32 v3  }
0x239: {  	v9 =	vtrunc.f32 v9;
	v3 =	vcvt.f32.s32 v3  }
0x23a: {  	v9 =	vcvt.f32.s32 v9;
	v4 =	vld.idx.msk [tilespmem:v4+s11+$0x0], $0xffff  }
0x23b: {  	v5 =	vld.idx.msk [tilespmem:v5+s11+$0x0], $0xffff;
	v10 =	vpop (erf)  }
0x23c: {  	v6 =	vld.idx.msk [tilespmem:v6+s11+$0x0], $0xffff;
	v10 =	vadd.f32 $1.000000000e+00, v10  }
0x23d: {  	v7 =	vld.idx.msk [tilespmem:v7+s11+$0x0], $0xffff  }
0x23e: {  	v8 =	vld.idx.msk [tilespmem:v8+s11+$0x0], $0xffff;
	(erf) = vrcp.f32 v10  }
0x23f: {  	v3 =	vld.idx.msk [tilespmem:v3+s11+$0x0], $0xffff  }
0x240: {  	v9 =	vld.idx.msk [tilespmem:v9+s11+$0x0], $0xffff;
	_ =	sdelay $0x3  }
0x241: {  	v4 =	vmax.f32 v4, v5;
	v5 =	vmin.f32 v6, v7;
	v3 =	vmin.f32 v3, v8  }
0x242: {  	v4 =	vmax.f32 v4, v9;
	v3 =	vmin.f32 v5, v3  }
0x243: {  	v3 =	vsub.f32 v3, v4  }
0x244: {  	v5 =	vpop (erf)  }
0x245: {  	v3 =	vmul.f32 v3, v5;
	_ =	sdelay $0x1  }
0x246: {  	v3 =	vadd.f32 v3, v4;
	_ =	sdelay $0x1  }
0x247: {  	[tilespmem:v2+s11+$0x0] =	vst.idx.msk $0xffff, v3  }
0x248: {  	v2 =	vld [tilespmem:$0xAA0];
	_ =	sdelay $0x4  }
0x249: {  	v2 =	vtrunc.f32 v2  }
0x24a: {  	v2 =	vcvt.f32.s32 v2;
	_ =	sdelay $0x1  }
0x24b: {  	vm11 =	vlt.s32 v2, $0xFF  }
0x24c: {  	v3 =	vnsel vm11, $0xFF, v2;
	_ =	sdelay $0x4  }
0x24d: {  	v3 =	vld.idx.msk [tilespmem:v3+s8+$0x0], $0xffff;
	_ =	sdelay $0x4  }
0x24e: {  	v3 =	vsub.f32 $0.0e+00, v3  }
0x24f: {  	v4 =	vld [tilespmem:$0xAB0]  }
0x250: {  	v5 =	vld [tilespmem:$0xAD0];
	v3 =	vmul.f32 $1.442695020e+00, v3  }
0x251: {  	v6 =	vld [tilespmem:$0xAE0]  }
0x252: {  	v7 =	vld [tilespmem:$0xB00];
	(erf) = vpow2.f32 v3  }
0x253: {  	v3 =	vld [tilespmem:$0xAF0]  }
0x254: {  	v8 =	vld [tilespmem:$0xAC0];
	v4 =	vtrunc.f32 v4  }
0x255: {  	v5 =	vtrunc.f32 v5;
	v4 =	vcvt.f32.s32 v4  }
0x256: {  	v6 =	vtrunc.f32 v6;
	v5 =	vcvt.f32.s32 v5  }
0x257: {  	v7 =	vtrunc.f32 v7;
	v6 =	vcvt.f32.s32 v6  }
0x258: {  	v7 =	vcvt.f32.s32 v7;
	v3 =	vtrunc.f32 v3  }
0x259: {  	v8 =	vtrunc.f32 v8;
	v3 =	vcvt.f32.s32 v3  }
0x25a: {  	v8 =	vcvt.f32.s32 v8  }
0x25b: {  	v4 =	vld.idx.msk [tilespmem:v4+s11+$0x0], $0xffff;
	v9 =	vpop (erf)  }
0x25c: {  	v5 =	vld.idx.msk [tilespmem:v5+s11+$0x0], $0xffff;
	v9 =	vadd.f32 $1.000000000e+00, v9  }
0x25d: {  	v6 =	vld.idx.msk [tilespmem:v6+s11+$0x0], $0xffff  }
0x25e: {  	v7 =	vld.idx.msk [tilespmem:v7+s11+$0x0], $0xffff;
	(erf) = vrcp.f32 v9  }
0x25f: {  	v3 =	vld.idx.msk [tilespmem:v3+s11+$0x0], $0xffff  }
0x260: {  	v8 =	vld.idx.msk [tilespmem:v8+s11+$0x0], $0xffff;
	_ =	sdelay $0x3  }
0x261: {  	v5 =	vmin.f32 v5, v6;
	v3 =	vmin.f32 v3, v7  }
0x262: {  	v4 =	vmax.f32 v4, v8;
	v3 =	vmin.f32 v5, v3  }
0x263: {  	v3 =	vsub.f32 v3, v4  }
0x264: {  	v5 =	vpop (erf)  }
0x265: {  	v3 =	vmul.f32 v3, v5;
	_ =	sdelay $0x1  }
0x266: {  	v3 =	vadd.f32 v3, v4;
	_ =	sdelay $0x1  }
0x267: {  	[tilespmem:v2+s11+$0x0] =	vst.idx.msk $0xffff, v3  }
0x268: {  	v2 =	vld [tilespmem:$0xB10];
	_ =	sdelay $0x4  }
0x269: {  	v2 =	vtrunc.f32 v2  }
0x26a: {  	v2 =	vcvt.f32.s32 v2;
	_ =	sdelay $0x1  }
0x26b: {  	vm12 =	vlt.s32 v2, $0xFF  }
0x26c: {  	v3 =	vnsel vm12, $0xFF, v2;
	_ =	sdelay $0x4  }
0x26d: {  	v3 =	vld.idx.msk [tilespmem:v3+s8+$0x0], $0xffff;
	_ =	sdelay $0x4  }
0x26e: {  	v3 =	vsub.f32 $0.0e+00, v3  }
0x26f: {  	v4 =	vld [tilespmem:$0xB20]  }
0x270: {  	v5 =	vld [tilespmem:$0xB40];
	v3 =	vmul.f32 $1.442695020e+00, v3  }
0x271: {  	v6 =	vld [tilespmem:$0xB50]  }
0x272: {  	v7 =	vld [tilespmem:$0xB70];
	(erf) = vpow2.f32 v3  }
0x273: {  	v3 =	vld [tilespmem:$0xB60]  }
0x274: {  	v8 =	vld [tilespmem:$0xB30];
	v4 =	vtrunc.f32 v4  }
0x275: {  	v5 =	vtrunc.f32 v5;
	v4 =	vcvt.f32.s32 v4  }
0x276: {  	v6 =	vtrunc.f32 v6;
	v5 =	vcvt.f32.s32 v5  }
0x277: {  	v7 =	vtrunc.f32 v7;
	v6 =	vcvt.f32.s32 v6  }
0x278: {  	v7 =	vcvt.f32.s32 v7;
	v3 =	vtrunc.f32 v3  }
0x279: {  	v8 =	vtrunc.f32 v8;
	v3 =	vcvt.f32.s32 v3  }
0x27a: {  	v8 =	vcvt.f32.s32 v8  }
0x27b: {  	v4 =	vld.idx.msk [tilespmem:v4+s11+$0x0], $0xffff;
	v9 =	vpop (erf)  }
0x27c: {  	v5 =	vld.idx.msk [tilespmem:v5+s11+$0x0], $0xffff;
	v9 =	vadd.f32 $1.000000000e+00, v9  }
0x27d: {  	v6 =	vld.idx.msk [tilespmem:v6+s11+$0x0], $0xffff  }
0x27e: {  	v7 =	vld.idx.msk [tilespmem:v7+s11+$0x0], $0xffff;
	(erf) = vrcp.f32 v9  }
0x27f: {  	v3 =	vld.idx.msk [tilespmem:v3+s11+$0x0], $0xffff  }
0x280: {  	v8 =	vld.idx.msk [tilespmem:v8+s11+$0x0], $0xffff;
	_ =	sdelay $0x3  }
0x281: {  	v5 =	vmin.f32 v5, v6;
	v3 =	vmin.f32 v3, v7  }
0x282: {  	v4 =	vmax.f32 v4, v8;
	v3 =	vmin.f32 v5, v3  }
0x283: {  	v5 =	vmov s2;
	v3 =	vsub.f32 v3, v4  }
0x284: {  	v5 =	vshll.u32 v5, $0x2;
	v6 =	vpop (erf)  }
0x285: {  	v5 =	vor.u32 v1, v5;
	v3 =	vmul.f32 v3, v6  }
0x286: {  	v6 =	vor.u32 $0x1, v5  }
0x287: {  	v3 =	vadd.f32 v3, v4  }
0x288: {  	v4 =	vor.u32 $0x2, v5  }
0x289: {  	[tilespmem:v2+s11+$0x0] =	vst.idx.msk $0xffff, v3  }
0x28a: {  	v2 =	vor.u32 $0x3, v5;
	v3 =	vld.idx.msk [tilespmem:v5+s9+$0x0], $0xffff  }
0x28b: {  	v5 =	vld.idx.msk [tilespmem:v6+s9+$0x0], $0xffff;
	_ =	sdelay $0x1  }
0x28c: {  	v4 =	vld.idx.msk [tilespmem:v4+s9+$0x0], $0xffff;
	_ =	sdelay $0x1  }
0x28d: {  	v2 =	vld.idx.msk [tilespmem:v2+s9+$0x0], $0xffff;
	v3 =	vmax.f32 v3, $0.0e+00  }
0x28e: {  	v5 =	vmax.f32 v5, $0.0e+00;
	v3 =	vmin.f32 v3, $1.000000000e+00  }
0x28f: {  	v5 =	vmin.f32 v5, $1.000000000e+00;
	v3 =	vmul.f32 $3.000000000e+00, v3  }
0x290: {  	v4 =	vmax.f32 v4, $0.0e+00;
	v5 =	vmul.f32 $3.000000000e+00, v5  }
0x291: {  	v4 =	vmin.f32 v4, $1.000000000e+00;
	v6 =	vtrunc.f32 v3  }
0x292: {  	v4 =	vmul.f32 $3.000000000e+00, v4;
	v2 =	vmax.f32 v2, $0.0e+00;
	v7 =	vtrunc.f32 v5  }
0x293: {  	v6 =	vcvt.f32.s32 v6;
	v2 =	vmin.f32 v2, $1.000000000e+00;
	v7 =	vcvt.f32.s32 v7  }
0x294: {  	v8 =	vtrunc.f32 v4;
	v2 =	vmul.f32 $3.000000000e+00, v2  }
0x295: {  	vm13 =	vlt.s32 v6, $0x2;
	v8 =	vcvt.f32.s32 v8;
	vm1 =	vlt.s32 v7, $0x2  }
0x296: {  	v6 =	vnsel vm13, $0x2, v6;
	v7 =	vnsel vm1, $0x2, v7;
	v9 =	vtrunc.f32 v2  }
0x297: {  	vm14 =	vlt.s32 v8, $0x2;
	v10 =	vshll.u32 v7, $0x4;
	v9 =	vcvt.f32.s32 v9  }
0x298: {  	v11 =	vshll.u32 v6, $0x6;
	v7 =	vcvt.s32.f32 v7;
	v8 =	vnsel vm14, $0x2, v8  }
0x299: {  	v10 =	vadd.s32 v11, v10;
	v12 =	vshll.u32 v8, $0x2;
	vm15 =	vlt.s32 v9, $0x2  }
0x29a: {  	v6 =	vcvt.s32.f32 v6;
	v10 =	vadd.s32 v12, v10;
	v9 =	vnsel vm15, $0x2, v9  }
0x29b: {  	v8 =	vcvt.s32.f32 v8;
	v17 =	vadd.s32 v9, v10  }
0x29c: {  	v6 =	vsub.f32 v3, v6;
	v10 =	vsub.f32 v5, v7;
	v3 =	vadd.s32 $0x11, v17  }
0x29d: {  	v5 =	vsub.f32 v4, v8;
	v4 =	vcvt.s32.f32 v9;
	v8 =	vadd.s32 $0x10, v17  }
0x29e: {  	v16 =	vsub.f32 $1.000000000e+00, v6;
	v9 =	vadd.s32 $0x55, v17;
	v7 =	vsub.f32 $1.000000000e+00, v10  }
0x29f: {  	v13 =	vadd.s32 $0x14, v17;
	v12 =	vsub.f32 $1.000000000e+00, v5;
	v4 =	vsub.f32 v2, v4  }
0x2a0: {  	v11 =	vadd.s32 $0x50, v17;
	v15 =	vadd.s32 $0x54, v17;
	v24 =	vmul.f32 v10, v6;
	v20 =	vld.idx.msk [tilespmem:v17+s11+$0x0], $0xffff  }
0x2a1: {  	v14 =	vmul.f32 v7, v6;
	v18 =	vsub.f32 $1.000000000e+00, v4;
	v2 =	vmul.f32 v4, v12;
	v22 =	vld.idx.msk [tilespmem:v3+s11+$0x0], $0xffff  }
0x2a2: {  	v19 =	vadd.s32 $0x51, v17;
	v27 =	vmul.f32 v4, v5;
	v4 =	vmul.f32 v7, v16;
	v3 =	vld.idx.msk [tilespmem:v8+s11+$0x0], $0xffff  }
0x2a3: {  	v7 =	vmul.f32 v10, v16;
	v16 =	vadd.s32 $0x40, v17;
	v21 =	vmul.f32 v18, v5;
	v25 =	vld.idx.msk [tilespmem:v9+s11+$0x0], $0xffff  }
0x2a4: {  	v23 =	vadd.s32 $0x44, v17;
	v5 =	vmul.f32 v2, v14;
	v10 =	vmul.f32 v18, v12;
	v13 =	vld.idx.msk [tilespmem:v13+s11+$0x0], $0xffff  }
0x2a5: {  	v18 =	vadd.s32 $0x4, v17;
	v9 =	vld.idx.msk [tilespmem:v15+s11+$0x0], $0xffff;
	v6 =	vmul.f32 v27, v14;
	v29 =	vmul.f32 v2, v24  }
0x2a6: {  	v15 =	vadd.s32 $0x15, v17;
	v28 =	vld.idx.msk [tilespmem:v11+s11+$0x0], $0xffff;
	v62 =	vmul.f32 v27, v24;
	v8 =	vmul.f32 v21, v4  }
0x2a7: {  	v30 =	vadd.s32 $0x41, v17;
	v59 =	vld.idx.msk [tilespmem:v19+s11+$0x0], $0xffff;
	v11 =	vmul.f32 v21, v7;
	v31 =	vmul.f32 v10, v14  }
0x2a8: {  	v60 =	vadd.s32 $0x5, v17;
	v12 =	vmul.f32 v21, v24;
	v26 =	vmul.f32 v10, v4;
	v61 =	vld.idx.msk [tilespmem:v16+s11+$0x0], $0xffff  }
0x2a9: {  	v63 =	vadd.s32 $0x1, v17;
	v16 =	vmul.f32 v21, v14;
	v21 =	vld.idx.msk [tilespmem:v23+s11+$0x0], $0xffff;
	v23 =	vmul.f32 v2, v7  }
0x2aa: {  	v24 =	vmul.f32 v10, v24;
	v26 =	vmul.f32 v26, v20;
	v19 =	vld.idx.msk [tilespmem:v18+s11+$0x0], $0xffff  }
0x2ab: {  	v17 =	vadd.s32 $0x45, v17;
	v14 =	vmul.f32 v11, v13;
	v11 =	vmul.f32 v22, v23;
	v18 =	vld.idx.msk [tilespmem:v15+s11+$0x0], $0xffff  }
0x2ac: {  	v22 =	vmul.f32 v27, v7;
	v13 =	vmul.f32 v24, v28;
	v23 =	vld.idx.msk [tilespmem:v30+s11+$0x0], $0xffff  }
0x2ad: {  	v15 =	vmul.f32 v59, v29;
	v24 =	vld.idx.msk [tilespmem:v60+s11+$0x0], $0xffff;
	v20 =	vmul.f32 v25, v62  }
0x2ae: {  	s16 =	simm.s32 $0x10;
	s17 =	simm.s32 $0x1000;
	s15 =	simm.s32 $0x1000;
	v25 =	vld.idx.msk [tilespmem:v63+s11+$0x0], $0xffff;
	v27 =	vmul.f32 v27, v4;
	v28 =	vmul.f32 v31, v61  }
.LBB2_2:
0x2af: {  	p0 =	sne.s32 s16, $0x70  }
0x2b0: {  	v7 =	vmul.f32 v10, v7;
	v10 =	vmul.f32 v16, v21;
	v16 =	vld.idx.msk [tilespmem:v17+s11+$0x0], $0xffff;
	s17 =	sadd.s32 $0x10, s17;
	s18 =	smov.u32 s16;
	s16 =	sadd.s32 $0x10, s16  }
0x2b1: {  	v8 =	vmul.f32 v8, v19;
	v9 =	vmul.f32 v12, v9;
	v12 =	vadd.f32 v28, v26  }
0x2b2: {  	v2 =	vmul.f32 v2, v4;
	v4 =	vmul.f32 v18, v22  }
0x2b3: {  	v3 =	vmul.f32 v7, v3;
	v5 =	vmul.f32 v23, v5;
	v7 =	vadd.f32 v9, v14  }
0x2b4: {  	v8 =	vadd.f32 v10, v8;
	v9 =	vmul.f32 v24, v27;
	v4 =	vadd.f32 v20, v4  }
0x2b5: {  	v2 =	vmul.f32 v25, v2  }
0x2b6: {  	v10 =	vadd.f32 v15, v11;
	v6 =	vmul.f32 v16, v6  }
0x2b7: {  	v3 =	vadd.f32 v13, v3;
	v7 =	vadd.f32 v7, v8  }
0x2b8: {  	v2 =	vadd.f32 v5, v2;
	v5 =	vadd.f32 v6, v9  }
0x2b9: {  	v3 =	vadd.f32 v3, v12  }
0x2ba: {  	v6 =	vmov s18;
	v2 =	vadd.f32 v10, v2;
	v4 =	vadd.f32 v4, v5  }
0x2bb: {  	v5 =	vshll.u32 v6, $0x2  }
0x2bc: {  	v3 =	vadd.f32 v7, v3;
	v5 =	vor.u32 v1, v5;
	v2 =	vadd.f32 v4, v2  }
0x2bd: {  	v4 =	vor.u32 $0x1, v5;
	v6 =	vor.u32 $0x2, v5  }
0x2be: {  	v2 =	vadd.f32 v2, v3;
	_ =	sdelay $0x1  }
0x2bf: {  	v3 =	vor.u32 $0x3, v5;
	[tilespmem:s15+$0x0] =	vst v2;
	s15 =	smov.u32 s17  }
0x2c0: {  	v2 =	vld.idx.msk [tilespmem:v5+s9+$0x0], $0xffff  }
0x2c1: {  	v4 =	vld.idx.msk [tilespmem:v4+s9+$0x0], $0xffff  }
0x2c2: {  	v5 =	vld.idx.msk [tilespmem:v6+s9+$0x0], $0xffff;
	_ =	sdelay $0x1  }
0x2c3: {  	v3 =	vld.idx.msk [tilespmem:v3+s9+$0x0], $0xffff;
	_ =	sdelay $0x1  }
0x2c4: {  	v2 =	vmax.f32 v2, $0.0e+00  }
0x2c5: {  	v2 =	vmin.f32 v2, $1.000000000e+00;
	v4 =	vmax.f32 v4, $0.0e+00  }
0x2c6: {  	v2 =	vmul.f32 $3.000000000e+00, v2;
	v4 =	vmin.f32 v4, $1.000000000e+00;
	v5 =	vmax.f32 v5, $0.0e+00  }
0x2c7: {  	v4 =	vmul.f32 $3.000000000e+00, v4;
	v5 =	vmin.f32 v5, $1.000000000e+00  }
0x2c8: {  	v6 =	vtrunc.f32 v2;
	v5 =	vmul.f32 $3.000000000e+00, v5;
	v3 =	vmax.f32 v3, $0.0e+00  }
0x2c9: {  	v6 =	vcvt.f32.s32 v6;
	v7 =	vtrunc.f32 v4;
	v3 =	vmin.f32 v3, $1.000000000e+00  }
0x2ca: {  	v7 =	vcvt.f32.s32 v7;
	v8 =	vtrunc.f32 v5  }
0x2cb: {  	v3 =	vmul.f32 $3.000000000e+00, v3;
	vm0 =	vlt.s32 v6, $0x2;
	v8 =	vcvt.f32.s32 v8  }
0x2cc: {  	v6 =	vnsel vm0, $0x2, v6;
	vm0 =	vlt.s32 v7, $0x2  }
0x2cd: {  	v9 =	vtrunc.f32 v3;
	v7 =	vnsel vm0, $0x2, v7;
	vm0 =	vlt.s32 v8, $0x2  }
0x2ce: {  	v9 =	vcvt.f32.s32 v9;
	v10 =	vshll.u32 v7, $0x4;
	v8 =	vnsel vm0, $0x2, v8  }
0x2cf: {  	v11 =	vshll.u32 v6, $0x6;
	v7 =	vcvt.s32.f32 v7;
	v12 =	vshll.u32 v8, $0x2  }
0x2d0: {  	v6 =	vcvt.s32.f32 v6;
	v10 =	vadd.s32 v11, v10;
	v8 =	vcvt.s32.f32 v8  }
0x2d1: {  	vm0 =	vlt.s32 v9, $0x2;
	v11 =	vsub.f32 v4, v7;
	v4 =	vadd.s32 v12, v10  }
0x2d2: {  	v6 =	vsub.f32 v2, v6;
	v2 =	vnsel vm0, $0x2, v9;
	v5 =	vsub.f32 v5, v8  }
0x2d3: {  	v8 =	vcvt.s32.f32 v2;
	v12 =	vadd.s32 v2, v4;
	v7 =	vsub.f32 $1.000000000e+00, v11  }
0x2d4: {  	v13 =	vadd.s32 $0x50, v12;
	v4 =	vadd.s32 $0x11, v12;
	v14 =	vadd.s32 $0x51, v12  }
0x2d5: {  	v9 =	vadd.s32 $0x10, v12;
	v18 =	vadd.s32 $0x4, v12;
	v15 =	vmul.f32 v7, v6  }
0x2d6: {  	v19 =	vadd.s32 $0x44, v12;
	v16 =	vadd.s32 $0x54, v12;
	v10 =	vadd.s32 $0x55, v12  }
0x2d7: {  	v17 =	vsub.f32 $1.000000000e+00, v5;
	v3 =	vsub.f32 v3, v8;
	v8 =	vadd.s32 $0x14, v12  }
0x2d8: {  	v20 =	vsub.f32 $1.000000000e+00, v6;
	v21 =	vadd.s32 $0x40, v12;
	v25 =	vadd.s32 $0x1, v12;
	v23 =	vld.idx.msk [tilespmem:v12+s11+$0x0], $0xffff  }
0x2d9: {  	v22 =	vsub.f32 $1.000000000e+00, v3;
	v2 =	vmul.f32 v3, v17;
	v27 =	vmul.f32 v3, v5;
	v24 =	vld.idx.msk [tilespmem:v4+s11+$0x0], $0xffff  }
0x2da: {  	v4 =	vmul.f32 v7, v20;
	v7 =	vmul.f32 v11, v20;
	v20 =	vadd.s32 $0x41, v12;
	v3 =	vld.idx.msk [tilespmem:v9+s11+$0x0], $0xffff  }
0x2db: {  	v28 =	vadd.s32 $0x5, v12;
	v26 =	vmul.f32 v22, v5;
	v5 =	vmul.f32 v2, v15;
	v29 =	vld.idx.msk [tilespmem:v10+s11+$0x0], $0xffff  }
0x2dc: {  	v11 =	vmul.f32 v11, v6;
	v10 =	vmul.f32 v22, v17;
	v17 =	vadd.s32 $0x45, v12;
	v22 =	vld.idx.msk [tilespmem:v8+s11+$0x0], $0xffff  }
0x2dd: {  	v30 =	vadd.s32 $0x15, v12;
	v6 =	vmul.f32 v27, v15;
	v8 =	vmul.f32 v26, v4;
	v9 =	vld.idx.msk [tilespmem:v16+s11+$0x0], $0xffff  }
0x2de: {  	v31 =	vmul.f32 v26, v7;
	v32 =	vmul.f32 v2, v11;
	v13 =	vld.idx.msk [tilespmem:v13+s11+$0x0], $0xffff  }
0x2df: {  	v12 =	vmul.f32 v26, v11;
	v33 =	vmul.f32 v10, v15;
	v34 =	vld.idx.msk [tilespmem:v14+s11+$0x0], $0xffff  }
0x2e0: {  	v36 =	vmul.f32 v27, v11;
	v16 =	vmul.f32 v26, v15;
	v35 =	vld.idx.msk [tilespmem:v21+s11+$0x0], $0xffff  }
0x2e1: {  	v15 =	vmul.f32 v10, v11;
	v11 =	vmul.f32 v2, v7;
	v21 =	vld.idx.msk [tilespmem:v19+s11+$0x0], $0xffff  }
.Ltmp0:
0x2e2: {  	v26 =	vmul.f32 v10, v4;
	v14 =	vmul.f32 v31, v22;
	v19 =	vld.idx.msk [tilespmem:v18+s11+$0x0], $0xffff;
	(pc) =	sbr.rel @p0 .LBB2_2-.Ltmp0, $4  }
0x2e3: {  	v11 =	vmul.f32 v24, v11;
	v22 =	vmul.f32 v27, v7;
	v18 =	vld.idx.msk [tilespmem:v30+s11+$0x0], $0xffff  }
0x2e4: {  	v26 =	vmul.f32 v26, v23;
	v13 =	vmul.f32 v15, v13;
	v23 =	vld.idx.msk [tilespmem:v20+s11+$0x0], $0xffff  }
0x2e5: {  	v15 =	vmul.f32 v34, v32;
	v20 =	vmul.f32 v29, v36;
	v24 =	vld.idx.msk [tilespmem:v28+s11+$0x0], $0xffff  }
0x2e6: {  	v27 =	vmul.f32 v27, v4;
	v28 =	vmul.f32 v33, v35;
	v25 =	vld.idx.msk [tilespmem:v25+s11+$0x0], $0xffff  }
0x2e7: {  	_ =	sdelay $0x3  }
0x2e8: {  	v7 =	vmul.f32 v10, v7;
	v56 =	vld.idx.msk [tilespmem:v17+s11+$0x0], $0xffff  }
0x2e9: {  	v55 =	vmul.f32 v16, v21;
	v8 =	vmul.f32 v8, v19  }
0x2ea: {  	v9 =	vmul.f32 v12, v9;
	v2 =	vmul.f32 v2, v4;
	v61 =	vadd.f32 v15, v11  }
0x2eb: {  	v57 =	vmul.f32 v18, v22;
	v58 =	vadd.f32 v28, v26;
	v3 =	vmul.f32 v7, v3  }
0x2ec: {  	v5 =	vmul.f32 v23, v5;
	v59 =	vadd.f32 v9, v14;
	v60 =	vmul.f32 v24, v27  }
0x2ed: {  	v8 =	vadd.f32 v55, v8;
	v2 =	vmul.f32 v25, v2;
	v6 =	vmul.f32 v56, v6  }
0x2ee: {  	v4 =	vadd.f32 v20, v57;
	v3 =	vadd.f32 v13, v3  }
0x2ef: {  	v2 =	vadd.f32 v5, v2;
	v62 =	vadd.f32 v6, v60  }
0x2f0: {  	v63 =	vadd.f32 v59, v8;
	v3 =	vadd.f32 v3, v58  }
0x2f1: {  	v2 =	vadd.f32 v61, v2;
	v4 =	vadd.f32 v4, v62;
	_ =	sdelay $0x1  }
0x2f2: {  	v3 =	vadd.f32 v63, v3;
	v2 =	vadd.f32 v4, v2;
	_ =	sdelay $0x1  }
0x2f3: {  	s14 =	sadd.s32 $0x1, s14;
	v2 =	vadd.f32 v2, v3  }
0x2f4: {  	p0 =	sne.s32 s14, s7  }
.Ltmp1:
0x2f5: {  	[tilespmem:s15+$0x0] =	vst v2;
	(pc) =	sbr.rel @p0 .LBB2_1-.Ltmp1, $4  }
0x2f6: {  	[hbm4b:s6+s2] =	stream.linear.scatter [tilespmem:s12], [sflag:$0x2], $0x80, $0x38;
	[tilespmem:$0x1080] =	vst v63  }
0x2f7: {  	_ =	swait.ge [sflag:s13], $0x80  }
0x2f8: {  	[sflag:s13] =	ssyncset.done $0x0  }
0x2f9: {  	[sflag:s13] =	ssyncadd.s32 $0xFFFFFF80  }
0x2fa: {  	_ =	sfence.sel $0x180000  }
0x2fb: {  	[bflag:$0x0] =	sbarrier.arrive $0xFFFF  }
0x2fc: {  	p0 =	sne.s32 s1, $0x0;
	_ =	strace $0x90000047  }
0x2fd: {  	s0 =	sadd.s32 @!p0 $0x100000, s0;
	[bflag:$0x2] =	sbarrier.arrive $0xFFFF  }
0x2fe: {  	[sflag:s0] =	ssyncadd.tile.s32 @!p0 $0x1;
	_ =	shalt  }
.Lfunc_end2:
_tile_overlayer_lowered:
.L_overlay_start_2:
0x2ff: {  	(tag) =	ssettag $0x2  }
0x300: {  	s0 =	rddreg [dreg:$0x0];
	s2 =	stileid.u32  }
0x301: {  	s1 =	rddreg [dreg:$0x1];
	p0 =	sne.s32 s2, $0x0  }
0x302: {  	s3 =	rddreg [dreg:$0x2];
	[bflag:$0x3] =	sbarrier.arrive $0xFFFF;
	s2 =	simm.s32 @!p0 $0x1C02  }
0x303: {  	[timem:s3], [sflag:s2] =	dma.local @!p0 [hbm:s0], s1  }
0x304: {  	s0 =	simm.s32 @!p0 $0x2  }
0x305: {  	_ =	swait.ge @!p0 [sflag:s0], s1  }
0x306: {  	s1 =	ssub.s32 @!p0 $0x0, s1;
	[sflag:s0] =	ssyncset.done @!p0 $0x0  }
0x307: {  	[sflag:s0] =	ssyncadd.s32 @!p0 s1  }
0x308: {  	[bflag:$0x3] =	sbarrier.arrive $0xFFFF  }
0x309: {  	_ =	shalt  }

</sc_bundles>
